<compile_context>
chip_gen: v7x
topology: tpu7x:2x2x1
jax: 0.10.2.dev20260603
libtpu: 0.0.44.dev20260713+nightly
codegen_flags: <defaults>
</compile_context>

<pallas_src>
import functools

import jax
import jax.numpy as jnp
from jax import lax
from jax.experimental import pallas as pl
from jax.experimental.pallas import tpu as pltpu
from jax.experimental.pallas import tpu_sc as plsc

N = 10000
E = 640000
D = 128
H = 64
T = 64

NC = 2
NS = 16
NW = NC * NS

EPW = E // NW
CH = 128
NCHUNK = EPW // CH
CHT = EPW - NCHUNK * CH
NBUF = 4
NIB = 2 * NBUF
NGRP = NCHUNK // NBUF
ROWS_PER_TILE = 624
ROWS_TAIL = N - NS * ROWS_PER_TILE

BLK = 1000
GRID = N // BLK


def _head_body(x_ref, w_ref, b_ref, o_ref):
    acc = jnp.dot(x_ref[...], w_ref[...], preferred_element_type=jnp.float32)
    o_ref[...] = jnp.maximum(acc + b_ref[...], 0.0)


def _tail_body(h_ref, a0_ref, a1_ref, w1_ref, b1_ref, w2_ref, b2_ref,
               w3_ref, b3_ref, o_ref):
    m = a0_ref[...] + a1_ref[...] - h_ref[...]
    t = jnp.dot(m, w1_ref[...], preferred_element_type=jnp.float32) + b1_ref[...]
    t = jnp.maximum(t, 0.0)
    t = jnp.dot(t, w2_ref[...], preferred_element_type=jnp.float32) + b2_ref[...]
    o_ref[...] = jnp.dot(t, w3_ref[...], preferred_element_type=jnp.float32) + b3_ref[...]


def _sc_segment_sum(edge_index, h):
    mesh = plsc.VectorSubcoreMesh(core_axis_name="c", subcore_axis_name="s")

    @functools.partial(
        pl.kernel,
        out_type=jax.ShapeDtypeStruct((NC, N, H), jnp.float32),
        mesh=mesh,
        compiler_params=pltpu.CompilerParams(use_tc_tiling_on_sc=False),
        scratch_types=[
            pltpu.VMEM_SHARED((N, H), jnp.float32),
            pltpu.VMEM_SHARED((N + 8, H), jnp.float32),
            [pltpu.VMEM((CH,), jnp.int32)] * NIB,
            [pltpu.VMEM((CH,), jnp.int32)] * NIB,
            [pltpu.VMEM((CH, H), jnp.float32)] * NBUF,
            pltpu.VMEM((CHT,), jnp.int32),
            pltpu.VMEM((CHT,), jnp.int32),
            pltpu.VMEM((CHT, H), jnp.float32),
            [pltpu.SemaphoreType.DMA] * NIB,
            [pltpu.SemaphoreType.DMA] * NIB,
            [pltpu.SemaphoreType.DMA] * NBUF,
            [pltpu.SemaphoreType.DMA] * NBUF,
            pltpu.SemaphoreType.DMA,
        ],
    )
    def sc_kernel(edge_hbm, h_hbm, out_hbm,
                  h_sh, agg_sh, sbufs, dbufs, rbufs, sbuf_t, dbuf_t, rbuf_t,
                  sis, sid, sgs, sss, st):
        c = lax.axis_index("c")
        s = lax.axis_index("s")
        wid = s * NC + c
        base = wid * EPW
        r0 = s * ROWS_PER_TILE
        src_row = edge_hbm.at[0]
        dst_row = edge_hbm.at[1]

        def idx_load(j, ib):
            pltpu.async_copy(src_row.at[pl.ds(base + j * CH, CH)],
                             sbufs[ib], sis[ib])
            pltpu.async_copy(dst_row.at[pl.ds(base + j * CH, CH)],
                             dbufs[ib], sid[ib])

        def wait_idx(j, ib):
            pltpu.make_async_copy(src_row.at[pl.ds(base + j * CH, CH)],
                                  sbufs[ib], sis[ib]).wait()
            pltpu.make_async_copy(dst_row.at[pl.ds(base + j * CH, CH)],
                                  dbufs[ib], sid[ib]).wait()

        def gather(j, ib, b):
            pltpu.async_copy(h_sh.at[sbufs[ib]], rbufs[b], sgs[b])

        def wait_gather(j, ib, b):
            pltpu.make_async_copy(h_sh.at[sbufs[ib]], rbufs[b], sgs[b]).wait()

        def scatter(j, ib, b):
            pltpu.async_copy(rbufs[b], agg_sh.at[dbufs[ib]], sss[b], add=True)

        def wait_scatter(j, ib, b):
            pltpu.make_async_copy(rbufs[b], agg_sh.at[dbufs[ib]],
                                  sss[b]).wait()

        for q in range(NIB):
            idx_load(q, q)
        t_off = base + NCHUNK * CH
        pltpu.async_copy(src_row.at[pl.ds(t_off, CHT)], sbuf_t, st)
        pltpu.async_copy(dst_row.at[pl.ds(t_off, CHT)], dbuf_t, st)

        pltpu.sync_copy(h_hbm.at[pl.ds(r0, ROWS_PER_TILE)],
                        h_sh.at[pl.ds(r0, ROWS_PER_TILE)])
        pltpu.sync_copy(h_hbm.at[pl.ds(r0, ROWS_PER_TILE)],
                        agg_sh.at[pl.ds(r0, ROWS_PER_TILE)])

        @pl.when(s == 0)
        def _stage_tail():
            t0 = NS * ROWS_PER_TILE
            pltpu.sync_copy(h_hbm.at[pl.ds(t0, ROWS_TAIL)],
                            h_sh.at[pl.ds(t0, ROWS_TAIL)])
            pltpu.sync_copy(h_hbm.at[pl.ds(t0, ROWS_TAIL)],
                            agg_sh.at[pl.ds(t0, ROWS_TAIL)])

        plsc.subcore_barrier()

        for b in range(NBUF):
            wait_idx(b, b)
            gather(b, b, b)

        def one_group(g, p):
            j0 = g * NBUF
            for b in range(NBUF):
                ib = p * NBUF + b
                wait_gather(j0 + b, ib, b)
                scatter(j0 + b, ib, b)
            for b in range(NBUF):
                ib = p * NBUF + b
                ibn = ((p + 1) % 2) * NBUF + b
                wait_scatter(j0 + b, ib, b)

                @pl.when(g + 1 < NGRP)
                def _next_gather():
                    wait_idx(j0 + NBUF + b, ibn)
                    gather(j0 + NBUF + b, ibn, b)

                @pl.when(g + 2 < NGRP)
                def _next_idx():
                    idx_load(j0 + 2 * NBUF + b, ib)

        def body(g2, carry):
            one_group(2 * g2, 0)
            one_group(2 * g2 + 1, 1)
            return carry

        lax.fori_loop(0, NGRP // 2, body, 0)

        jp = (NGRP - 1) * NBUF
        for b in range(NBUF):
            wait_gather(jp + b, b, b)
            scatter(jp + b, b, b)
        for b in range(NBUF):
            wait_scatter(jp + b, b, b)

        pltpu.make_async_copy(src_row.at[pl.ds(t_off, CHT)], sbuf_t, st).wait()
        pltpu.make_async_copy(dst_row.at[pl.ds(t_off, CHT)], dbuf_t, st).wait()
        pltpu.async_copy(h_sh.at[sbuf_t], rbuf_t, st)
        pltpu.make_async_copy(h_sh.at[sbuf_t], rbuf_t, st).wait()
        pltpu.async_copy(rbuf_t, agg_sh.at[dbuf_t], st, add=True)
        pltpu.make_async_copy(rbuf_t, agg_sh.at[dbuf_t], st).wait()

        plsc.subcore_barrier()
        pltpu.sync_copy(agg_sh.at[pl.ds(r0, ROWS_PER_TILE)],
                        out_hbm.at[c].at[pl.ds(r0, ROWS_PER_TILE)])

        @pl.when(s == 0)
        def _write_tail():
            t0 = NS * ROWS_PER_TILE
            pltpu.sync_copy(agg_sh.at[pl.ds(t0, ROWS_TAIL)],
                            out_hbm.at[c].at[pl.ds(t0, ROWS_TAIL)])

    return sc_kernel(edge_index, h)


def kernel(feature, edge_index, W0, b0, W1, b1, W2, b2, W3, b3):
    h = pl.pallas_call(
        _head_body,
        grid=(GRID,),
        in_specs=[
            pl.BlockSpec((BLK, D), lambda i: (i, 0)),
            pl.BlockSpec((D, H), lambda i: (0, 0)),
            pl.BlockSpec((1, H), lambda i: (0, 0)),
        ],
        out_specs=pl.BlockSpec((BLK, H), lambda i: (i, 0)),
        out_shape=jax.ShapeDtypeStruct((N, H), jnp.float32),
    )(feature, W0, b0.reshape(1, H))

    agg = _sc_segment_sum(edge_index, h)

    out = pl.pallas_call(
        _tail_body,
        grid=(GRID,),
        in_specs=[
            pl.BlockSpec((BLK, H), lambda i: (i, 0)),
            pl.BlockSpec((BLK, H), lambda i: (i, 0)),
            pl.BlockSpec((BLK, H), lambda i: (i, 0)),
            pl.BlockSpec((H, H), lambda i: (0, 0)),
            pl.BlockSpec((1, H), lambda i: (0, 0)),
            pl.BlockSpec((H, H), lambda i: (0, 0)),
            pl.BlockSpec((1, H), lambda i: (0, 0)),
            pl.BlockSpec((H, T), lambda i: (0, 0)),
            pl.BlockSpec((1, T), lambda i: (0, 0)),
        ],
        out_specs=pl.BlockSpec((BLK, T), lambda i: (i, 0)),
        out_shape=jax.ShapeDtypeStruct((N, T), jnp.float32),
    )(h, agg[0], agg[1], W1, b1.reshape(1, H), W2, b2.reshape(1, H),
      W3, b3.reshape(1, T))

    return out

# --- scband reference (transcript-rebuilt; emitter-appended) ---
"""Pipeline reference for scband-concept-score-arch-16492674416858 (READ-ONLY COPY).

The authoritative reference and input builder live on the scoring server;
editing this copy changes nothing except your own understanding.
"""

import jax, jax.numpy as jnp
import numpy as np

N = 10000
E = 640000
D = 128
H = 64
T = 64

def setup_inputs(seed: int = 0) -> dict:
    key = jax.random.key(seed)
    ks = jax.random.split(key, 12)
    feature = jax.random.normal(ks[0], (N, D), dtype=jnp.float32)
    edge_index = jax.random.randint(ks[1], (2, E), 0, N, dtype=jnp.int32)
    # head: Linear(D, H)
    W0 = jax.random.normal(ks[2], (D, H), dtype=jnp.float32) / np.sqrt(D)
    b0 = jnp.zeros((H,), dtype=jnp.float32)
    # GINConv nn block: Linear(H, H) + ReLU (dropout=0.0 -> identity)
    W1 = jax.random.normal(ks[3], (H, H), dtype=jnp.float32) / np.sqrt(H)
    b1 = jnp.zeros((H,), dtype=jnp.float32)
    # post-conv linear: Linear(H, H)
    W2 = jax.random.normal(ks[4], (H, H), dtype=jnp.float32) / np.sqrt(H)
    b2 = jnp.zeros((H,), dtype=jnp.float32)
    # tail (GINConv branch uses plain Linear): Linear(H, T)
    W3 = jax.random.normal(ks[5], (H, T), dtype=jnp.float32) / np.sqrt(H)
    b3 = jnp.zeros((T,), dtype=jnp.float32)
    return {"feature": feature, "edge_index": edge_index,
            "W0": W0, "b0": b0, "W1": W1, "b1": b1,
            "W2": W2, "b2": b2, "W3": W3, "b3": b3}

def reference(feature, edge_index, W0, b0, W1, b1, W2, b2, W3, b3):
    # head block: Linear + ReLU (Dropout p=0 is identity)
    h = jax.nn.relu(feature @ W0 + b0)
    # GINConv (eps=0, sum aggregation): nn((1+eps)*x + sum_{j in N(i)} x_j)
    src = edge_index[0]
    dst = edge_index[1]
    agg = jnp.zeros_like(h).at[dst].add(h[src])
    m = h + agg
    h = jax.nn.relu(m @ W1 + b1)  # GIN nn block (Linear+ReLU)
    # post-conv linear
    h = h @ W2 + b2
    # tail linear
    out = h @ W3 + b3
    return out

if __name__ == "__main__":
    import jax
    _d = setup_inputs()
    print(jax.jit(kernel)(*tuple(_d.values())))

</pallas_src>

<mosaic_0001>
#map = affine_map<(d0, d1) -> (0, 0)>
#map1 = affine_map<(d0, d1) -> (0, 0, 0)>
module attributes {stable_mosaic.version = 14 : i64} {
  func.func @sc_kernel(%arg0: i32, %arg1: i32, %arg2: memref<2x640000xi32, #tpu.memory_space<hbm>>, %arg3: memref<10000x64xf32, #tpu.memory_space<hbm>>, %arg4: memref<2x10000x64xf32, #tpu.memory_space<hbm>>, %arg5: memref<10000x64xf32, #tpu.memory_space<vmem_shared>>, %arg6: memref<10008x64xf32, #tpu.memory_space<vmem_shared>>, %arg7: memref<128xi32, #tpu.memory_space<vmem>>, %arg8: memref<128xi32, #tpu.memory_space<vmem>>, %arg9: memref<128xi32, #tpu.memory_space<vmem>>, %arg10: memref<128xi32, #tpu.memory_space<vmem>>, %arg11: memref<128xi32, #tpu.memory_space<vmem>>, %arg12: memref<128xi32, #tpu.memory_space<vmem>>, %arg13: memref<128xi32, #tpu.memory_space<vmem>>, %arg14: memref<128xi32, #tpu.memory_space<vmem>>, %arg15: memref<128xi32, #tpu.memory_space<vmem>>, %arg16: memref<128xi32, #tpu.memory_space<vmem>>, %arg17: memref<128xi32, #tpu.memory_space<vmem>>, %arg18: memref<128xi32, #tpu.memory_space<vmem>>, %arg19: memref<128xi32, #tpu.memory_space<vmem>>, %arg20: memref<128xi32, #tpu.memory_space<vmem>>, %arg21: memref<128xi32, #tpu.memory_space<vmem>>, %arg22: memref<128xi32, #tpu.memory_space<vmem>>, %arg23: memref<128x64xf32, #tpu.memory_space<vmem>>, %arg24: memref<128x64xf32, #tpu.memory_space<vmem>>, %arg25: memref<128x64xf32, #tpu.memory_space<vmem>>, %arg26: memref<128x64xf32, #tpu.memory_space<vmem>>, %arg27: memref<32xi32, #tpu.memory_space<vmem>>, %arg28: memref<32xi32, #tpu.memory_space<vmem>>, %arg29: memref<32x64xf32, #tpu.memory_space<vmem>>, %arg30: memref<!tpu.dma_semaphore, #tpu.memory_space<semaphore_mem>>, %arg31: memref<!tpu.dma_semaphore, #tpu.memory_space<semaphore_mem>>, %arg32: memref<!tpu.dma_semaphore, #tpu.memory_space<semaphore_mem>>, %arg33: memref<!tpu.dma_semaphore, #tpu.memory_space<semaphore_mem>>, %arg34: memref<!tpu.dma_semaphore, #tpu.memory_space<semaphore_mem>>, %arg35: memref<!tpu.dma_semaphore, #tpu.memory_space<semaphore_mem>>, %arg36: memref<!tpu.dma_semaphore, #tpu.memory_space<semaphore_mem>>, %arg37: memref<!tpu.dma_semaphore, #tpu.memory_space<semaphore_mem>>, %arg38: memref<!tpu.dma_semaphore, #tpu.memory_space<semaphore_mem>>, %arg39: memref<!tpu.dma_semaphore, #tpu.memory_space<semaphore_mem>>, %arg40: memref<!tpu.dma_semaphore, #tpu.memory_space<semaphore_mem>>, %arg41: memref<!tpu.dma_semaphore, #tpu.memory_space<semaphore_mem>>, %arg42: memref<!tpu.dma_semaphore, #tpu.memory_space<semaphore_mem>>, %arg43: memref<!tpu.dma_semaphore, #tpu.memory_space<semaphore_mem>>, %arg44: memref<!tpu.dma_semaphore, #tpu.memory_space<semaphore_mem>>, %arg45: memref<!tpu.dma_semaphore, #tpu.memory_space<semaphore_mem>>, %arg46: memref<!tpu.dma_semaphore, #tpu.memory_space<semaphore_mem>>, %arg47: memref<!tpu.dma_semaphore, #tpu.memory_space<semaphore_mem>>, %arg48: memref<!tpu.dma_semaphore, #tpu.memory_space<semaphore_mem>>, %arg49: memref<!tpu.dma_semaphore, #tpu.memory_space<semaphore_mem>>, %arg50: memref<!tpu.dma_semaphore, #tpu.memory_space<semaphore_mem>>, %arg51: memref<!tpu.dma_semaphore, #tpu.memory_space<semaphore_mem>>, %arg52: memref<!tpu.dma_semaphore, #tpu.memory_space<semaphore_mem>>, %arg53: memref<!tpu.dma_semaphore, #tpu.memory_space<semaphore_mem>>, %arg54: memref<!tpu.dma_semaphore, #tpu.memory_space<semaphore_mem>>) attributes {dimension_semantics = [#tpu.dimension_semantics<core_parallel>, #tpu.dimension_semantics<subcore_parallel>], iteration_bounds = array<i64: 2, 16>, scalar_prefetch = 0 : i64, scratch_operands = 50 : i64, tpu.core_type = #tpu.core_type<sc_vector_subcore>, window_params = [{transform_indices = #map}, {transform_indices = #map}, {transform_indices = #map1}]} {
    %mul3A = arith.constant 2 : i32
    %mul3A_0 = arith.muli %arg1, %mul3A : i32
    %add3A = arith.addi %mul3A_0, %arg0 : i32
    %mul3A_1 = arith.constant 20000 : i32
    %mul3A_2 = arith.muli %add3A, %mul3A_1 : i32
    %mul3A_3 = arith.constant 624 : i32
    %mul3A_4 = arith.muli %arg1, %mul3A_3 : i32
    %add3A_5 = arith.constant 0 : i32
    %add3A_6 = arith.addi %mul3A_2, %add3A_5 : i32
    %dma_start3A = arith.constant 0 : i32
    %dma_start3A_7 = arith.constant 0 : i32
    %dma_start3A_8 = tpu.memref_slice %arg2[%dma_start3A, %dma_start3A_7] : memref<2x640000xi32, #tpu.memory_space<hbm>> -> memref<1x640000xi32, #tpu.memory_space<hbm>>
    %dma_start3A_9 = tpu.memref_squeeze %dma_start3A_8 : memref<1x640000xi32, #tpu.memory_space<hbm>> -> memref<640000xi32, #tpu.memory_space<hbm>>
    %dma_start3A_10 = tpu.memref_slice %dma_start3A_9[%add3A_6] : memref<640000xi32, #tpu.memory_space<hbm>> -> memref<128xi32, #tpu.memory_space<hbm>>
    %dma_start3A_11 = arith.constant 0 : i32
    %dma_start3A_12 = tpu.memref_slice %arg2[%dma_start3A, %dma_start3A_11] : memref<2x640000xi32, #tpu.memory_space<hbm>> -> memref<1x640000xi32, #tpu.memory_space<hbm>>
    %dma_start3A_13 = tpu.memref_squeeze %dma_start3A_12 : memref<1x640000xi32, #tpu.memory_space<hbm>> -> memref<640000xi32, #tpu.memory_space<hbm>>
    %dma_start3A_14 = tpu.memref_slice %dma_start3A_13[%add3A_6] : memref<640000xi32, #tpu.memory_space<hbm>> -> memref<128xi32, #tpu.memory_space<hbm>>
    tpu.enqueue_dma source(%dma_start3A_14 : memref<128xi32, #tpu.memory_space<hbm>>) target(%arg7 : memref<128xi32, #tpu.memory_space<vmem>>) target_semaphore(%arg30 : memref<!tpu.dma_semaphore, #tpu.memory_space<semaphore_mem>>)
    %add3A_15 = arith.constant 0 : i32
    %add3A_16 = arith.addi %mul3A_2, %add3A_15 : i32
    %dma_start3A_17 = arith.constant 1 : i32
    %dma_start3A_18 = arith.constant 0 : i32
    %dma_start3A_19 = tpu.memref_slice %arg2[%dma_start3A_17, %dma_start3A_18] : memref<2x640000xi32, #tpu.memory_space<hbm>> -> memref<1x640000xi32, #tpu.memory_space<hbm>>
    %dma_start3A_20 = tpu.memref_squeeze %dma_start3A_19 : memref<1x640000xi32, #tpu.memory_space<hbm>> -> memref<640000xi32, #tpu.memory_space<hbm>>
    %dma_start3A_21 = tpu.memref_slice %dma_start3A_20[%add3A_16] : memref<640000xi32, #tpu.memory_space<hbm>> -> memref<128xi32, #tpu.memory_space<hbm>>
    %dma_start3A_22 = arith.constant 0 : i32
    %dma_start3A_23 = tpu.memref_slice %arg2[%dma_start3A_17, %dma_start3A_22] : memref<2x640000xi32, #tpu.memory_space<hbm>> -> memref<1x640000xi32, #tpu.memory_space<hbm>>
    %dma_start3A_24 = tpu.memref_squeeze %dma_start3A_23 : memref<1x640000xi32, #tpu.memory_space<hbm>> -> memref<640000xi32, #tpu.memory_space<hbm>>
    %dma_start3A_25 = tpu.memref_slice %dma_start3A_24[%add3A_16] : memref<640000xi32, #tpu.memory_space<hbm>> -> memref<128xi32, #tpu.memory_space<hbm>>
    tpu.enqueue_dma source(%dma_start3A_25 : memref<128xi32, #tpu.memory_space<hbm>>) target(%arg15 : memref<128xi32, #tpu.memory_space<vmem>>) target_semaphore(%arg38 : memref<!tpu.dma_semaphore, #tpu.memory_space<semaphore_mem>>)
    %add3A_26 = arith.constant 128 : i32
    %add3A_27 = arith.addi %mul3A_2, %add3A_26 : i32
    %dma_start3A_28 = arith.constant 0 : i32
    %dma_start3A_29 = arith.constant 0 : i32
    %dma_start3A_30 = tpu.memref_slice %arg2[%dma_start3A_28, %dma_start3A_29] : memref<2x640000xi32, #tpu.memory_space<hbm>> -> memref<1x640000xi32, #tpu.memory_space<hbm>>
    %dma_start3A_31 = tpu.memref_squeeze %dma_start3A_30 : memref<1x640000xi32, #tpu.memory_space<hbm>> -> memref<640000xi32, #tpu.memory_space<hbm>>
    %dma_start3A_32 = tpu.memref_slice %dma_start3A_31[%add3A_27] : memref<640000xi32, #tpu.memory_space<hbm>> -> memref<128xi32, #tpu.memory_space<hbm>>
    %dma_start3A_33 = arith.constant 0 : i32
    %dma_start3A_34 = tpu.memref_slice %arg2[%dma_start3A_28, %dma_start3A_33] : memref<2x640000xi32, #tpu.memory_space<hbm>> -> memref<1x640000xi32, #tpu.memory_space<hbm>>
    %dma_start3A_35 = tpu.memref_squeeze %dma_start3A_34 : memref<1x640000xi32, #tpu.memory_space<hbm>> -> memref<640000xi32, #tpu.memory_space<hbm>>
    %dma_start3A_36 = tpu.memref_slice %dma_start3A_35[%add3A_27] : memref<640000xi32, #tpu.memory_space<hbm>> -> memref<128xi32, #tpu.memory_space<hbm>>
    tpu.enqueue_dma source(%dma_start3A_36 : memref<128xi32, #tpu.memory_space<hbm>>) target(%arg8 : memref<128xi32, #tpu.memory_space<vmem>>) target_semaphore(%arg31 : memref<!tpu.dma_semaphore, #tpu.memory_space<semaphore_mem>>)
    %add3A_37 = arith.constant 128 : i32
    %add3A_38 = arith.addi %mul3A_2, %add3A_37 : i32
    %dma_start3A_39 = arith.constant 1 : i32
    %dma_start3A_40 = arith.constant 0 : i32
    %dma_start3A_41 = tpu.memref_slice %arg2[%dma_start3A_39, %dma_start3A_40] : memref<2x640000xi32, #tpu.memory_space<hbm>> -> memref<1x640000xi32, #tpu.memory_space<hbm>>
    %dma_start3A_42 = tpu.memref_squeeze %dma_start3A_41 : memref<1x640000xi32, #tpu.memory_space<hbm>> -> memref<640000xi32, #tpu.memory_space<hbm>>
    %dma_start3A_43 = tpu.memref_slice %dma_start3A_42[%add3A_38] : memref<640000xi32, #tpu.memory_space<hbm>> -> memref<128xi32, #tpu.memory_space<hbm>>
    %dma_start3A_44 = arith.constant 0 : i32
    %dma_start3A_45 = tpu.memref_slice %arg2[%dma_start3A_39, %dma_start3A_44] : memref<2x640000xi32, #tpu.memory_space<hbm>> -> memref<1x640000xi32, #tpu.memory_space<hbm>>
    %dma_start3A_46 = tpu.memref_squeeze %dma_start3A_45 : memref<1x640000xi32, #tpu.memory_space<hbm>> -> memref<640000xi32, #tpu.memory_space<hbm>>
    %dma_start3A_47 = tpu.memref_slice %dma_start3A_46[%add3A_38] : memref<640000xi32, #tpu.memory_space<hbm>> -> memref<128xi32, #tpu.memory_space<hbm>>
    tpu.enqueue_dma source(%dma_start3A_47 : memref<128xi32, #tpu.memory_space<hbm>>) target(%arg16 : memref<128xi32, #tpu.memory_space<vmem>>) target_semaphore(%arg39 : memref<!tpu.dma_semaphore, #tpu.memory_space<semaphore_mem>>)
    %add3A_48 = arith.constant 256 : i32
    %add3A_49 = arith.addi %mul3A_2, %add3A_48 : i32
    %dma_start3A_50 = arith.constant 0 : i32
    %dma_start3A_51 = arith.constant 0 : i32
    %dma_start3A_52 = tpu.memref_slice %arg2[%dma_start3A_50, %dma_start3A_51] : memref<2x640000xi32, #tpu.memory_space<hbm>> -> memref<1x640000xi32, #tpu.memory_space<hbm>>
    %dma_start3A_53 = tpu.memref_squeeze %dma_start3A_52 : memref<1x640000xi32, #tpu.memory_space<hbm>> -> memref<640000xi32, #tpu.memory_space<hbm>>
    %dma_start3A_54 = tpu.memref_slice %dma_start3A_53[%add3A_49] : memref<640000xi32, #tpu.memory_space<hbm>> -> memref<128xi32, #tpu.memory_space<hbm>>
    %dma_start3A_55 = arith.constant 0 : i32
    %dma_start3A_56 = tpu.memref_slice %arg2[%dma_start3A_50, %dma_start3A_55] : memref<2x640000xi32, #tpu.memory_space<hbm>> -> memref<1x640000xi32, #tpu.memory_space<hbm>>
    %dma_start3A_57 = tpu.memref_squeeze %dma_start3A_56 : memref<1x640000xi32, #tpu.memory_space<hbm>> -> memref<640000xi32, #tpu.memory_space<hbm>>
    %dma_start3A_58 = tpu.memref_slice %dma_start3A_57[%add3A_49] : memref<640000xi32, #tpu.memory_space<hbm>> -> memref<128xi32, #tpu.memory_space<hbm>>
    tpu.enqueue_dma source(%dma_start3A_58 : memref<128xi32, #tpu.memory_space<hbm>>) target(%arg9 : memref<128xi32, #tpu.memory_space<vmem>>) target_semaphore(%arg32 : memref<!tpu.dma_semaphore, #tpu.memory_space<semaphore_mem>>)
    %add3A_59 = arith.constant 256 : i32
    %add3A_60 = arith.addi %mul3A_2, %add3A_59 : i32
    %dma_start3A_61 = arith.constant 1 : i32
    %dma_start3A_62 = arith.constant 0 : i32
    %dma_start3A_63 = tpu.memref_slice %arg2[%dma_start3A_61, %dma_start3A_62] : memref<2x640000xi32, #tpu.memory_space<hbm>> -> memref<1x640000xi32, #tpu.memory_space<hbm>>
    %dma_start3A_64 = tpu.memref_squeeze %dma_start3A_63 : memref<1x640000xi32, #tpu.memory_space<hbm>> -> memref<640000xi32, #tpu.memory_space<hbm>>
    %dma_start3A_65 = tpu.memref_slice %dma_start3A_64[%add3A_60] : memref<640000xi32, #tpu.memory_space<hbm>> -> memref<128xi32, #tpu.memory_space<hbm>>
    %dma_start3A_66 = arith.constant 0 : i32
    %dma_start3A_67 = tpu.memref_slice %arg2[%dma_start3A_61, %dma_start3A_66] : memref<2x640000xi32, #tpu.memory_space<hbm>> -> memref<1x640000xi32, #tpu.memory_space<hbm>>
    %dma_start3A_68 = tpu.memref_squeeze %dma_start3A_67 : memref<1x640000xi32, #tpu.memory_space<hbm>> -> memref<640000xi32, #tpu.memory_space<hbm>>
    %dma_start3A_69 = tpu.memref_slice %dma_start3A_68[%add3A_60] : memref<640000xi32, #tpu.memory_space<hbm>> -> memref<128xi32, #tpu.memory_space<hbm>>
    tpu.enqueue_dma source(%dma_start3A_69 : memref<128xi32, #tpu.memory_space<hbm>>) target(%arg17 : memref<128xi32, #tpu.memory_space<vmem>>) target_semaphore(%arg40 : memref<!tpu.dma_semaphore, #tpu.memory_space<semaphore_mem>>)
    %add3A_70 = arith.constant 384 : i32
    %add3A_71 = arith.addi %mul3A_2, %add3A_70 : i32
    %dma_start3A_72 = arith.constant 0 : i32
    %dma_start3A_73 = arith.constant 0 : i32
    %dma_start3A_74 = tpu.memref_slice %arg2[%dma_start3A_72, %dma_start3A_73] : memref<2x640000xi32, #tpu.memory_space<hbm>> -> memref<1x640000xi32, #tpu.memory_space<hbm>>
    %dma_start3A_75 = tpu.memref_squeeze %dma_start3A_74 : memref<1x640000xi32, #tpu.memory_space<hbm>> -> memref<640000xi32, #tpu.memory_space<hbm>>
    %dma_start3A_76 = tpu.memref_slice %dma_start3A_75[%add3A_71] : memref<640000xi32, #tpu.memory_space<hbm>> -> memref<128xi32, #tpu.memory_space<hbm>>
    %dma_start3A_77 = arith.constant 0 : i32
    %dma_start3A_78 = tpu.memref_slice %arg2[%dma_start3A_72, %dma_start3A_77] : memref<2x640000xi32, #tpu.memory_space<hbm>> -> memref<1x640000xi32, #tpu.memory_space<hbm>>
    %dma_start3A_79 = tpu.memref_squeeze %dma_start3A_78 : memref<1x640000xi32, #tpu.memory_space<hbm>> -> memref<640000xi32, #tpu.memory_space<hbm>>
    %dma_start3A_80 = tpu.memref_slice %dma_start3A_79[%add3A_71] : memref<640000xi32, #tpu.memory_space<hbm>> -> memref<128xi32, #tpu.memory_space<hbm>>
    tpu.enqueue_dma source(%dma_start3A_80 : memref<128xi32, #tpu.memory_space<hbm>>) target(%arg10 : memref<128xi32, #tpu.memory_space<vmem>>) target_semaphore(%arg33 : memref<!tpu.dma_semaphore, #tpu.memory_space<semaphore_mem>>)
    %add3A_81 = arith.constant 384 : i32
    %add3A_82 = arith.addi %mul3A_2, %add3A_81 : i32
    %dma_start3A_83 = arith.constant 1 : i32
    %dma_start3A_84 = arith.constant 0 : i32
    %dma_start3A_85 = tpu.memref_slice %arg2[%dma_start3A_83, %dma_start3A_84] : memref<2x640000xi32, #tpu.memory_space<hbm>> -> memref<1x640000xi32, #tpu.memory_space<hbm>>
    %dma_start3A_86 = tpu.memref_squeeze %dma_start3A_85 : memref<1x640000xi32, #tpu.memory_space<hbm>> -> memref<640000xi32, #tpu.memory_space<hbm>>
    %dma_start3A_87 = tpu.memref_slice %dma_start3A_86[%add3A_82] : memref<640000xi32, #tpu.memory_space<hbm>> -> memref<128xi32, #tpu.memory_space<hbm>>
    %dma_start3A_88 = arith.constant 0 : i32
    %dma_start3A_89 = tpu.memref_slice %arg2[%dma_start3A_83, %dma_start3A_88] : memref<2x640000xi32, #tpu.memory_space<hbm>> -> memref<1x640000xi32, #tpu.memory_space<hbm>>
    %dma_start3A_90 = tpu.memref_squeeze %dma_start3A_89 : memref<1x640000xi32, #tpu.memory_space<hbm>> -> memref<640000xi32, #tpu.memory_space<hbm>>
    %dma_start3A_91 = tpu.memref_slice %dma_start3A_90[%add3A_82] : memref<640000xi32, #tpu.memory_space<hbm>> -> memref<128xi32, #tpu.memory_space<hbm>>
    tpu.enqueue_dma source(%dma_start3A_91 : memref<128xi32, #tpu.memory_space<hbm>>) target(%arg18 : memref<128xi32, #tpu.memory_space<vmem>>) target_semaphore(%arg41 : memref<!tpu.dma_semaphore, #tpu.memory_space<semaphore_mem>>)
    %add3A_92 = arith.constant 512 : i32
    %add3A_93 = arith.addi %mul3A_2, %add3A_92 : i32
    %dma_start3A_94 = arith.constant 0 : i32
    %dma_start3A_95 = arith.constant 0 : i32
    %dma_start3A_96 = tpu.memref_slice %arg2[%dma_start3A_94, %dma_start3A_95] : memref<2x640000xi32, #tpu.memory_space<hbm>> -> memref<1x640000xi32, #tpu.memory_space<hbm>>
    %dma_start3A_97 = tpu.memref_squeeze %dma_start3A_96 : memref<1x640000xi32, #tpu.memory_space<hbm>> -> memref<640000xi32, #tpu.memory_space<hbm>>
    %dma_start3A_98 = tpu.memref_slice %dma_start3A_97[%add3A_93] : memref<640000xi32, #tpu.memory_space<hbm>> -> memref<128xi32, #tpu.memory_space<hbm>>
    %dma_start3A_99 = arith.constant 0 : i32
    %dma_start3A_100 = tpu.memref_slice %arg2[%dma_start3A_94, %dma_start3A_99] : memref<2x640000xi32, #tpu.memory_space<hbm>> -> memref<1x640000xi32, #tpu.memory_space<hbm>>
    %dma_start3A_101 = tpu.memref_squeeze %dma_start3A_100 : memref<1x640000xi32, #tpu.memory_space<hbm>> -> memref<640000xi32, #tpu.memory_space<hbm>>
    %dma_start3A_102 = tpu.memref_slice %dma_start3A_101[%add3A_93] : memref<640000xi32, #tpu.memory_space<hbm>> -> memref<128xi32, #tpu.memory_space<hbm>>
    tpu.enqueue_dma source(%dma_start3A_102 : memref<128xi32, #tpu.memory_space<hbm>>) target(%arg11 : memref<128xi32, #tpu.memory_space<vmem>>) target_semaphore(%arg34 : memref<!tpu.dma_semaphore, #tpu.memory_space<semaphore_mem>>)
    %add3A_103 = arith.constant 512 : i32
    %add3A_104 = arith.addi %mul3A_2, %add3A_103 : i32
    %dma_start3A_105 = arith.constant 1 : i32
    %dma_start3A_106 = arith.constant 0 : i32
    %dma_start3A_107 = tpu.memref_slice %arg2[%dma_start3A_105, %dma_start3A_106] : memref<2x640000xi32, #tpu.memory_space<hbm>> -> memref<1x640000xi32, #tpu.memory_space<hbm>>
    %dma_start3A_108 = tpu.memref_squeeze %dma_start3A_107 : memref<1x640000xi32, #tpu.memory_space<hbm>> -> memref<640000xi32, #tpu.memory_space<hbm>>
    %dma_start3A_109 = tpu.memref_slice %dma_start3A_108[%add3A_104] : memref<640000xi32, #tpu.memory_space<hbm>> -> memref<128xi32, #tpu.memory_space<hbm>>
    %dma_start3A_110 = arith.constant 0 : i32
    %dma_start3A_111 = tpu.memref_slice %arg2[%dma_start3A_105, %dma_start3A_110] : memref<2x640000xi32, #tpu.memory_space<hbm>> -> memref<1x640000xi32, #tpu.memory_space<hbm>>
    %dma_start3A_112 = tpu.memref_squeeze %dma_start3A_111 : memref<1x640000xi32, #tpu.memory_space<hbm>> -> memref<640000xi32, #tpu.memory_space<hbm>>
    %dma_start3A_113 = tpu.memref_slice %dma_start3A_112[%add3A_104] : memref<640000xi32, #tpu.memory_space<hbm>> -> memref<128xi32, #tpu.memory_space<hbm>>
    tpu.enqueue_dma source(%dma_start3A_113 : memref<128xi32, #tpu.memory_space<hbm>>) target(%arg19 : memref<128xi32, #tpu.memory_space<vmem>>) target_semaphore(%arg42 : memref<!tpu.dma_semaphore, #tpu.memory_space<semaphore_mem>>)
    %add3A_114 = arith.constant 640 : i32
    %add3A_115 = arith.addi %mul3A_2, %add3A_114 : i32
    %dma_start3A_116 = arith.constant 0 : i32
    %dma_start3A_117 = arith.constant 0 : i32
    %dma_start3A_118 = tpu.memref_slice %arg2[%dma_start3A_116, %dma_start3A_117] : memref<2x640000xi32, #tpu.memory_space<hbm>> -> memref<1x640000xi32, #tpu.memory_space<hbm>>
    %dma_start3A_119 = tpu.memref_squeeze %dma_start3A_118 : memref<1x640000xi32, #tpu.memory_space<hbm>> -> memref<640000xi32, #tpu.memory_space<hbm>>
    %dma_start3A_120 = tpu.memref_slice %dma_start3A_119[%add3A_115] : memref<640000xi32, #tpu.memory_space<hbm>> -> memref<128xi32, #tpu.memory_space<hbm>>
    %dma_start3A_121 = arith.constant 0 : i32
    %dma_start3A_122 = tpu.memref_slice %arg2[%dma_start3A_116, %dma_start3A_121] : memref<2x640000xi32, #tpu.memory_space<hbm>> -> memref<1x640000xi32, #tpu.memory_space<hbm>>
    %dma_start3A_123 = tpu.memref_squeeze %dma_start3A_122 : memref<1x640000xi32, #tpu.memory_space<hbm>> -> memref<640000xi32, #tpu.memory_space<hbm>>
    %dma_start3A_124 = tpu.memref_slice %dma_start3A_123[%add3A_115] : memref<640000xi32, #tpu.memory_space<hbm>> -> memref<128xi32, #tpu.memory_space<hbm>>
    tpu.enqueue_dma source(%dma_start3A_124 : memref<128xi32, #tpu.memory_space<hbm>>) target(%arg12 : memref<128xi32, #tpu.memory_space<vmem>>) target_semaphore(%arg35 : memref<!tpu.dma_semaphore, #tpu.memory_space<semaphore_mem>>)
    %add3A_125 = arith.constant 640 : i32
    %add3A_126 = arith.addi %mul3A_2, %add3A_125 : i32
    %dma_start3A_127 = arith.constant 1 : i32
    %dma_start3A_128 = arith.constant 0 : i32
    %dma_start3A_129 = tpu.memref_slice %arg2[%dma_start3A_127, %dma_start3A_128] : memref<2x640000xi32, #tpu.memory_space<hbm>> -> memref<1x640000xi32, #tpu.memory_space<hbm>>
    %dma_start3A_130 = tpu.memref_squeeze %dma_start3A_129 : memref<1x640000xi32, #tpu.memory_space<hbm>> -> memref<640000xi32, #tpu.memory_space<hbm>>
    %dma_start3A_131 = tpu.memref_slice %dma_start3A_130[%add3A_126] : memref<640000xi32, #tpu.memory_space<hbm>> -> memref<128xi32, #tpu.memory_space<hbm>>
    %dma_start3A_132 = arith.constant 0 : i32
    %dma_start3A_133 = tpu.memref_slice %arg2[%dma_start3A_127, %dma_start3A_132] : memref<2x640000xi32, #tpu.memory_space<hbm>> -> memref<1x640000xi32, #tpu.memory_space<hbm>>
    %dma_start3A_134 = tpu.memref_squeeze %dma_start3A_133 : memref<1x640000xi32, #tpu.memory_space<hbm>> -> memref<640000xi32, #tpu.memory_space<hbm>>
    %dma_start3A_135 = tpu.memref_slice %dma_start3A_134[%add3A_126] : memref<640000xi32, #tpu.memory_space<hbm>> -> memref<128xi32, #tpu.memory_space<hbm>>
    tpu.enqueue_dma source(%dma_start3A_135 : memref<128xi32, #tpu.memory_space<hbm>>) target(%arg20 : memref<128xi32, #tpu.memory_space<vmem>>) target_semaphore(%arg43 : memref<!tpu.dma_semaphore, #tpu.memory_space<semaphore_mem>>)
    %add3A_136 = arith.constant 768 : i32
    %add3A_137 = arith.addi %mul3A_2, %add3A_136 : i32
    %dma_start3A_138 = arith.constant 0 : i32
    %dma_start3A_139 = arith.constant 0 : i32
    %dma_start3A_140 = tpu.memref_slice %arg2[%dma_start3A_138, %dma_start3A_139] : memref<2x640000xi32, #tpu.memory_space<hbm>> -> memref<1x640000xi32, #tpu.memory_space<hbm>>
    %dma_start3A_141 = tpu.memref_squeeze %dma_start3A_140 : memref<1x640000xi32, #tpu.memory_space<hbm>> -> memref<640000xi32, #tpu.memory_space<hbm>>
    %dma_start3A_142 = tpu.memref_slice %dma_start3A_141[%add3A_137] : memref<640000xi32, #tpu.memory_space<hbm>> -> memref<128xi32, #tpu.memory_space<hbm>>
    %dma_start3A_143 = arith.constant 0 : i32
    %dma_start3A_144 = tpu.memref_slice %arg2[%dma_start3A_138, %dma_start3A_143] : memref<2x640000xi32, #tpu.memory_space<hbm>> -> memref<1x640000xi32, #tpu.memory_space<hbm>>
    %dma_start3A_145 = tpu.memref_squeeze %dma_start3A_144 : memref<1x640000xi32, #tpu.memory_space<hbm>> -> memref<640000xi32, #tpu.memory_space<hbm>>
    %dma_start3A_146 = tpu.memref_slice %dma_start3A_145[%add3A_137] : memref<640000xi32, #tpu.memory_space<hbm>> -> memref<128xi32, #tpu.memory_space<hbm>>
    tpu.enqueue_dma source(%dma_start3A_146 : memref<128xi32, #tpu.memory_space<hbm>>) target(%arg13 : memref<128xi32, #tpu.memory_space<vmem>>) target_semaphore(%arg36 : memref<!tpu.dma_semaphore, #tpu.memory_space<semaphore_mem>>)
    %add3A_147 = arith.constant 768 : i32
    %add3A_148 = arith.addi %mul3A_2, %add3A_147 : i32
    %dma_start3A_149 = arith.constant 1 : i32
    %dma_start3A_150 = arith.constant 0 : i32
    %dma_start3A_151 = tpu.memref_slice %arg2[%dma_start3A_149, %dma_start3A_150] : memref<2x640000xi32, #tpu.memory_space<hbm>> -> memref<1x640000xi32, #tpu.memory_space<hbm>>
    %dma_start3A_152 = tpu.memref_squeeze %dma_start3A_151 : memref<1x640000xi32, #tpu.memory_space<hbm>> -> memref<640000xi32, #tpu.memory_space<hbm>>
    %dma_start3A_153 = tpu.memref_slice %dma_start3A_152[%add3A_148] : memref<640000xi32, #tpu.memory_space<hbm>> -> memref<128xi32, #tpu.memory_space<hbm>>
    %dma_start3A_154 = arith.constant 0 : i32
    %dma_start3A_155 = tpu.memref_slice %arg2[%dma_start3A_149, %dma_start3A_154] : memref<2x640000xi32, #tpu.memory_space<hbm>> -> memref<1x640000xi32, #tpu.memory_space<hbm>>
    %dma_start3A_156 = tpu.memref_squeeze %dma_start3A_155 : memref<1x640000xi32, #tpu.memory_space<hbm>> -> memref<640000xi32, #tpu.memory_space<hbm>>
    %dma_start3A_157 = tpu.memref_slice %dma_start3A_156[%add3A_148] : memref<640000xi32, #tpu.memory_space<hbm>> -> memref<128xi32, #tpu.memory_space<hbm>>
    tpu.enqueue_dma source(%dma_start3A_157 : memref<128xi32, #tpu.memory_space<hbm>>) target(%arg21 : memref<128xi32, #tpu.memory_space<vmem>>) target_semaphore(%arg44 : memref<!tpu.dma_semaphore, #tpu.memory_space<semaphore_mem>>)
    %add3A_158 = arith.constant 896 : i32
    %add3A_159 = arith.addi %mul3A_2, %add3A_158 : i32
    %dma_start3A_160 = arith.constant 0 : i32
    %dma_start3A_161 = arith.constant 0 : i32
    %dma_start3A_162 = tpu.memref_slice %arg2[%dma_start3A_160, %dma_start3A_161] : memref<2x640000xi32, #tpu.memory_space<hbm>> -> memref<1x640000xi32, #tpu.memory_space<hbm>>
    %dma_start3A_163 = tpu.memref_squeeze %dma_start3A_162 : memref<1x640000xi32, #tpu.memory_space<hbm>> -> memref<640000xi32, #tpu.memory_space<hbm>>
    %dma_start3A_164 = tpu.memref_slice %dma_start3A_163[%add3A_159] : memref<640000xi32, #tpu.memory_space<hbm>> -> memref<128xi32, #tpu.memory_space<hbm>>
    %dma_start3A_165 = arith.constant 0 : i32
    %dma_start3A_166 = tpu.memref_slice %arg2[%dma_start3A_160, %dma_start3A_165] : memref<2x640000xi32, #tpu.memory_space<hbm>> -> memref<1x640000xi32, #tpu.memory_space<hbm>>
    %dma_start3A_167 = tpu.memref_squeeze %dma_start3A_166 : memref<1x640000xi32, #tpu.memory_space<hbm>> -> memref<640000xi32, #tpu.memory_space<hbm>>
    %dma_start3A_168 = tpu.memref_slice %dma_start3A_167[%add3A_159] : memref<640000xi32, #tpu.memory_space<hbm>> -> memref<128xi32, #tpu.memory_space<hbm>>
    tpu.enqueue_dma source(%dma_start3A_168 : memref<128xi32, #tpu.memory_space<hbm>>) target(%arg14 : memref<128xi32, #tpu.memory_space<vmem>>) target_semaphore(%arg37 : memref<!tpu.dma_semaphore, #tpu.memory_space<semaphore_mem>>)
    %add3A_169 = arith.constant 896 : i32
    %add3A_170 = arith.addi %mul3A_2, %add3A_169 : i32
    %dma_start3A_171 = arith.constant 1 : i32
    %dma_start3A_172 = arith.constant 0 : i32
    %dma_start3A_173 = tpu.memref_slice %arg2[%dma_start3A_171, %dma_start3A_172] : memref<2x640000xi32, #tpu.memory_space<hbm>> -> memref<1x640000xi32, #tpu.memory_space<hbm>>
    %dma_start3A_174 = tpu.memref_squeeze %dma_start3A_173 : memref<1x640000xi32, #tpu.memory_space<hbm>> -> memref<640000xi32, #tpu.memory_space<hbm>>
    %dma_start3A_175 = tpu.memref_slice %dma_start3A_174[%add3A_170] : memref<640000xi32, #tpu.memory_space<hbm>> -> memref<128xi32, #tpu.memory_space<hbm>>
    %dma_start3A_176 = arith.constant 0 : i32
    %dma_start3A_177 = tpu.memref_slice %arg2[%dma_start3A_171, %dma_start3A_176] : memref<2x640000xi32, #tpu.memory_space<hbm>> -> memref<1x640000xi32, #tpu.memory_space<hbm>>
    %dma_start3A_178 = tpu.memref_squeeze %dma_start3A_177 : memref<1x640000xi32, #tpu.memory_space<hbm>> -> memref<640000xi32, #tpu.memory_space<hbm>>
    %dma_start3A_179 = tpu.memref_slice %dma_start3A_178[%add3A_170] : memref<640000xi32, #tpu.memory_space<hbm>> -> memref<128xi32, #tpu.memory_space<hbm>>
    tpu.enqueue_dma source(%dma_start3A_179 : memref<128xi32, #tpu.memory_space<hbm>>) target(%arg22 : memref<128xi32, #tpu.memory_space<vmem>>) target_semaphore(%arg45 : memref<!tpu.dma_semaphore, #tpu.memory_space<semaphore_mem>>)
    %add3A_180 = arith.constant 19968 : i32
    %add3A_181 = arith.addi %mul3A_2, %add3A_180 : i32
    %dma_start3A_182 = arith.constant 0 : i32
    %dma_start3A_183 = arith.constant 0 : i32
    %dma_start3A_184 = tpu.memref_slice %arg2[%dma_start3A_182, %dma_start3A_183] : memref<2x640000xi32, #tpu.memory_space<hbm>> -> memref<1x640000xi32, #tpu.memory_space<hbm>>
    %dma_start3A_185 = tpu.memref_squeeze %dma_start3A_184 : memref<1x640000xi32, #tpu.memory_space<hbm>> -> memref<640000xi32, #tpu.memory_space<hbm>>
    %dma_start3A_186 = tpu.memref_slice %dma_start3A_185[%add3A_181] : memref<640000xi32, #tpu.memory_space<hbm>> -> memref<32xi32, #tpu.memory_space<hbm>>
    %dma_start3A_187 = arith.constant 0 : i32
    %dma_start3A_188 = tpu.memref_slice %arg2[%dma_start3A_182, %dma_start3A_187] : memref<2x640000xi32, #tpu.memory_space<hbm>> -> memref<1x640000xi32, #tpu.memory_space<hbm>>
    %dma_start3A_189 = tpu.memref_squeeze %dma_start3A_188 : memref<1x640000xi32, #tpu.memory_space<hbm>> -> memref<640000xi32, #tpu.memory_space<hbm>>
    %dma_start3A_190 = tpu.memref_slice %dma_start3A_189[%add3A_181] : memref<640000xi32, #tpu.memory_space<hbm>> -> memref<32xi32, #tpu.memory_space<hbm>>
    tpu.enqueue_dma source(%dma_start3A_190 : memref<32xi32, #tpu.memory_space<hbm>>) target(%arg27 : memref<32xi32, #tpu.memory_space<vmem>>) target_semaphore(%arg54 : memref<!tpu.dma_semaphore, #tpu.memory_space<semaphore_mem>>)
    %dma_start3A_191 = arith.constant 1 : i32
    %dma_start3A_192 = arith.constant 0 : i32
    %dma_start3A_193 = tpu.memref_slice %arg2[%dma_start3A_191, %dma_start3A_192] : memref<2x640000xi32, #tpu.memory_space<hbm>> -> memref<1x640000xi32, #tpu.memory_space<hbm>>
    %dma_start3A_194 = tpu.memref_squeeze %dma_start3A_193 : memref<1x640000xi32, #tpu.memory_space<hbm>> -> memref<640000xi32, #tpu.memory_space<hbm>>
    %dma_start3A_195 = tpu.memref_slice %dma_start3A_194[%add3A_181] : memref<640000xi32, #tpu.memory_space<hbm>> -> memref<32xi32, #tpu.memory_space<hbm>>
    %dma_start3A_196 = arith.constant 0 : i32
    %dma_start3A_197 = tpu.memref_slice %arg2[%dma_start3A_191, %dma_start3A_196] : memref<2x640000xi32, #tpu.memory_space<hbm>> -> memref<1x640000xi32, #tpu.memory_space<hbm>>
    %dma_start3A_198 = tpu.memref_squeeze %dma_start3A_197 : memref<1x640000xi32, #tpu.memory_space<hbm>> -> memref<640000xi32, #tpu.memory_space<hbm>>
    %dma_start3A_199 = tpu.memref_slice %dma_start3A_198[%add3A_181] : memref<640000xi32, #tpu.memory_space<hbm>> -> memref<32xi32, #tpu.memory_space<hbm>>
    tpu.enqueue_dma source(%dma_start3A_199 : memref<32xi32, #tpu.memory_space<hbm>>) target(%arg28 : memref<32xi32, #tpu.memory_space<vmem>>) target_semaphore(%arg54 : memref<!tpu.dma_semaphore, #tpu.memory_space<semaphore_mem>>)
    "tpu.region"() ({
      %run_scoped3A = tpu.sem_alloc : memref<!tpu.dma_semaphore, #tpu.memory_space<semaphore_mem>>
      %dma_start3A_380 = arith.constant 0 : i32
      %dma_start3A_381 = tpu.memref_slice %arg5[%mul3A_4, %dma_start3A_380] : memref<10000x64xf32, #tpu.memory_space<vmem_shared>> -> memref<624x64xf32, #tpu.memory_space<vmem_shared>>
      %dma_start3A_382 = arith.constant 0 : i32
      %dma_start3A_383 = tpu.memref_slice %arg3[%mul3A_4, %dma_start3A_382] : memref<10000x64xf32, #tpu.memory_space<hbm>> -> memref<624x64xf32, #tpu.memory_space<hbm>>
      tpu.enqueue_dma source(%dma_start3A_383 : memref<624x64xf32, #tpu.memory_space<hbm>>) target(%dma_start3A_381 : memref<624x64xf32, #tpu.memory_space<vmem_shared>>) target_semaphore(%run_scoped3A : memref<!tpu.dma_semaphore, #tpu.memory_space<semaphore_mem>>)
      %dma_wait3A_384 = arith.constant 0 : i32
      %dma_wait3A_385 = tpu.memref_slice %arg5[%mul3A_4, %dma_wait3A_384] : memref<10000x64xf32, #tpu.memory_space<vmem_shared>> -> memref<624x64xf32, #tpu.memory_space<vmem_shared>>
      %dma_wait3A_386 = arith.constant 0 : i32
      %dma_wait3A_387 = tpu.memref_slice %arg3[%mul3A_4, %dma_wait3A_386] : memref<10000x64xf32, #tpu.memory_space<hbm>> -> memref<624x64xf32, #tpu.memory_space<hbm>>
      tpu.wait_dma2 semaphore(%run_scoped3A : memref<!tpu.dma_semaphore, #tpu.memory_space<semaphore_mem>>) src(%dma_wait3A_387 : memref<624x64xf32, #tpu.memory_space<hbm>>) dst(%dma_wait3A_385 : memref<624x64xf32, #tpu.memory_space<vmem_shared>>)
      tpu.yield
    }) : () -> ()
    "tpu.region"() ({
      %run_scoped3A = tpu.sem_alloc : memref<!tpu.dma_semaphore, #tpu.memory_space<semaphore_mem>>
      %dma_start3A_380 = arith.constant 0 : i32
      %dma_start3A_381 = tpu.memref_slice %arg6[%mul3A_4, %dma_start3A_380] : memref<10008x64xf32, #tpu.memory_space<vmem_shared>> -> memref<624x64xf32, #tpu.memory_space<vmem_shared>>
      %dma_start3A_382 = arith.constant 0 : i32
      %dma_start3A_383 = tpu.memref_slice %arg3[%mul3A_4, %dma_start3A_382] : memref<10000x64xf32, #tpu.memory_space<hbm>> -> memref<624x64xf32, #tpu.memory_space<hbm>>
      tpu.enqueue_dma source(%dma_start3A_383 : memref<624x64xf32, #tpu.memory_space<hbm>>) target(%dma_start3A_381 : memref<624x64xf32, #tpu.memory_space<vmem_shared>>) target_semaphore(%run_scoped3A : memref<!tpu.dma_semaphore, #tpu.memory_space<semaphore_mem>>)
      %dma_wait3A_384 = arith.constant 0 : i32
      %dma_wait3A_385 = tpu.memref_slice %arg6[%mul3A_4, %dma_wait3A_384] : memref<10008x64xf32, #tpu.memory_space<vmem_shared>> -> memref<624x64xf32, #tpu.memory_space<vmem_shared>>
      %dma_wait3A_386 = arith.constant 0 : i32
      %dma_wait3A_387 = tpu.memref_slice %arg3[%mul3A_4, %dma_wait3A_386] : memref<10000x64xf32, #tpu.memory_space<hbm>> -> memref<624x64xf32, #tpu.memory_space<hbm>>
      tpu.wait_dma2 semaphore(%run_scoped3A : memref<!tpu.dma_semaphore, #tpu.memory_space<semaphore_mem>>) src(%dma_wait3A_387 : memref<624x64xf32, #tpu.memory_space<hbm>>) dst(%dma_wait3A_385 : memref<624x64xf32, #tpu.memory_space<vmem_shared>>)
      tpu.yield
    }) : () -> ()
    %eq3A = arith.constant 0 : i32
    %eq3A_200 = arith.cmpi eq, %arg1, %eq3A : i32
    %convert_element_type3A = arith.extui %eq3A_200 : i1 to i32
    %cond3A = arith.constant 0 : i32
    %cond3A_201 = arith.cmpi ne, %convert_element_type3A, %cond3A : i32
    scf.if %cond3A_201 {
      "tpu.region"() ({
        %run_scoped3A = tpu.sem_alloc : memref<!tpu.dma_semaphore, #tpu.memory_space<semaphore_mem>>
        %dma_start3A_380 = arith.constant 9984 : i32
        %dma_start3A_381 = arith.constant 0 : i32
        %dma_start3A_382 = tpu.memref_slice %arg5[%dma_start3A_380, %dma_start3A_381] : memref<10000x64xf32, #tpu.memory_space<vmem_shared>> -> memref<16x64xf32, #tpu.memory_space<vmem_shared>>
        %dma_start3A_383 = arith.constant 9984 : i32
        %dma_start3A_384 = arith.constant 0 : i32
        %dma_start3A_385 = tpu.memref_slice %arg3[%dma_start3A_383, %dma_start3A_384] : memref<10000x64xf32, #tpu.memory_space<hbm>> -> memref<16x64xf32, #tpu.memory_space<hbm>>
        tpu.enqueue_dma source(%dma_start3A_385 : memref<16x64xf32, #tpu.memory_space<hbm>>) target(%dma_start3A_382 : memref<16x64xf32, #tpu.memory_space<vmem_shared>>) target_semaphore(%run_scoped3A : memref<!tpu.dma_semaphore, #tpu.memory_space<semaphore_mem>>)
        %dma_wait3A_386 = arith.constant 9984 : i32
        %dma_wait3A_387 = arith.constant 0 : i32
        %dma_wait3A_388 = tpu.memref_slice %arg5[%dma_wait3A_386, %dma_wait3A_387] : memref<10000x64xf32, #tpu.memory_space<vmem_shared>> -> memref<16x64xf32, #tpu.memory_space<vmem_shared>>
        %dma_wait3A_389 = arith.constant 9984 : i32
        %dma_wait3A_390 = arith.constant 0 : i32
        %dma_wait3A_391 = tpu.memref_slice %arg3[%dma_wait3A_389, %dma_wait3A_390] : memref<10000x64xf32, #tpu.memory_space<hbm>> -> memref<16x64xf32, #tpu.memory_space<hbm>>
        tpu.wait_dma2 semaphore(%run_scoped3A : memref<!tpu.dma_semaphore, #tpu.memory_space<semaphore_mem>>) src(%dma_wait3A_391 : memref<16x64xf32, #tpu.memory_space<hbm>>) dst(%dma_wait3A_388 : memref<16x64xf32, #tpu.memory_space<vmem_shared>>)
        tpu.yield
      }) : () -> ()
      "tpu.region"() ({
        %run_scoped3A = tpu.sem_alloc : memref<!tpu.dma_semaphore, #tpu.memory_space<semaphore_mem>>
        %dma_start3A_380 = arith.constant 9984 : i32
        %dma_start3A_381 = arith.constant 0 : i32
        %dma_start3A_382 = tpu.memref_slice %arg6[%dma_start3A_380, %dma_start3A_381] : memref<10008x64xf32, #tpu.memory_space<vmem_shared>> -> memref<16x64xf32, #tpu.memory_space<vmem_shared>>
        %dma_start3A_383 = arith.constant 9984 : i32
        %dma_start3A_384 = arith.constant 0 : i32
        %dma_start3A_385 = tpu.memref_slice %arg3[%dma_start3A_383, %dma_start3A_384] : memref<10000x64xf32, #tpu.memory_space<hbm>> -> memref<16x64xf32, #tpu.memory_space<hbm>>
        tpu.enqueue_dma source(%dma_start3A_385 : memref<16x64xf32, #tpu.memory_space<hbm>>) target(%dma_start3A_382 : memref<16x64xf32, #tpu.memory_space<vmem_shared>>) target_semaphore(%run_scoped3A : memref<!tpu.dma_semaphore, #tpu.memory_space<semaphore_mem>>)
        %dma_wait3A_386 = arith.constant 9984 : i32
        %dma_wait3A_387 = arith.constant 0 : i32
        %dma_wait3A_388 = tpu.memref_slice %arg6[%dma_wait3A_386, %dma_wait3A_387] : memref<10008x64xf32, #tpu.memory_space<vmem_shared>> -> memref<16x64xf32, #tpu.memory_space<vmem_shared>>
        %dma_wait3A_389 = arith.constant 9984 : i32
        %dma_wait3A_390 = arith.constant 0 : i32
        %dma_wait3A_391 = tpu.memref_slice %arg3[%dma_wait3A_389, %dma_wait3A_390] : memref<10000x64xf32, #tpu.memory_space<hbm>> -> memref<16x64xf32, #tpu.memory_space<hbm>>
        tpu.wait_dma2 semaphore(%run_scoped3A : memref<!tpu.dma_semaphore, #tpu.memory_space<semaphore_mem>>) src(%dma_wait3A_391 : memref<16x64xf32, #tpu.memory_space<hbm>>) dst(%dma_wait3A_388 : memref<16x64xf32, #tpu.memory_space<vmem_shared>>)
        tpu.yield
      }) : () -> ()
    } else {
    }
    %barrier3A = arith.constant 0 : index
    tpu.barrier barrier_id(%barrier3A)
    %add3A_202 = arith.constant 0 : i32
    %add3A_203 = arith.addi %mul3A_2, %add3A_202 : i32
    %dma_wait3A = arith.constant 0 : i32
    %dma_wait3A_204 = arith.constant 0 : i32
    %dma_wait3A_205 = tpu.memref_slice %arg2[%dma_wait3A, %dma_wait3A_204] : memref<2x640000xi32, #tpu.memory_space<hbm>> -> memref<1x640000xi32, #tpu.memory_space<hbm>>
    %dma_wait3A_206 = tpu.memref_squeeze %dma_wait3A_205 : memref<1x640000xi32, #tpu.memory_space<hbm>> -> memref<640000xi32, #tpu.memory_space<hbm>>
    %dma_wait3A_207 = tpu.memref_slice %dma_wait3A_206[%add3A_203] : memref<640000xi32, #tpu.memory_space<hbm>> -> memref<128xi32, #tpu.memory_space<hbm>>
    %dma_wait3A_208 = arith.constant 0 : i32
    %dma_wait3A_209 = tpu.memref_slice %arg2[%dma_wait3A, %dma_wait3A_208] : memref<2x640000xi32, #tpu.memory_space<hbm>> -> memref<1x640000xi32, #tpu.memory_space<hbm>>
    %dma_wait3A_210 = tpu.memref_squeeze %dma_wait3A_209 : memref<1x640000xi32, #tpu.memory_space<hbm>> -> memref<640000xi32, #tpu.memory_space<hbm>>
    %dma_wait3A_211 = tpu.memref_slice %dma_wait3A_210[%add3A_203] : memref<640000xi32, #tpu.memory_space<hbm>> -> memref<128xi32, #tpu.memory_space<hbm>>
    tpu.wait_dma2 semaphore(%arg30 : memref<!tpu.dma_semaphore, #tpu.memory_space<semaphore_mem>>) src(%dma_wait3A_211 : memref<128xi32, #tpu.memory_space<hbm>>) dst(%arg7 : memref<128xi32, #tpu.memory_space<vmem>>)
    %add3A_212 = arith.constant 0 : i32
    %add3A_213 = arith.addi %mul3A_2, %add3A_212 : i32
    %dma_wait3A_214 = arith.constant 1 : i32
    %dma_wait3A_215 = arith.constant 0 : i32
    %dma_wait3A_216 = tpu.memref_slice %arg2[%dma_wait3A_214, %dma_wait3A_215] : memref<2x640000xi32, #tpu.memory_space<hbm>> -> memref<1x640000xi32, #tpu.memory_space<hbm>>
    %dma_wait3A_217 = tpu.memref_squeeze %dma_wait3A_216 : memref<1x640000xi32, #tpu.memory_space<hbm>> -> memref<640000xi32, #tpu.memory_space<hbm>>
    %dma_wait3A_218 = tpu.memref_slice %dma_wait3A_217[%add3A_213] : memref<640000xi32, #tpu.memory_space<hbm>> -> memref<128xi32, #tpu.memory_space<hbm>>
    %dma_wait3A_219 = arith.constant 0 : i32
    %dma_wait3A_220 = tpu.memref_slice %arg2[%dma_wait3A_214, %dma_wait3A_219] : memref<2x640000xi32, #tpu.memory_space<hbm>> -> memref<1x640000xi32, #tpu.memory_space<hbm>>
    %dma_wait3A_221 = tpu.memref_squeeze %dma_wait3A_220 : memref<1x640000xi32, #tpu.memory_space<hbm>> -> memref<640000xi32, #tpu.memory_space<hbm>>
    %dma_wait3A_222 = tpu.memref_slice %dma_wait3A_221[%add3A_213] : memref<640000xi32, #tpu.memory_space<hbm>> -> memref<128xi32, #tpu.memory_space<hbm>>
    tpu.wait_dma2 semaphore(%arg38 : memref<!tpu.dma_semaphore, #tpu.memory_space<semaphore_mem>>) src(%dma_wait3A_222 : memref<128xi32, #tpu.memory_space<hbm>>) dst(%arg15 : memref<128xi32, #tpu.memory_space<vmem>>)
    %dma_start3A_223 = arith.constant 0 : i32
    %dma_start3A_224 = arith.constant 0 : i32
    %dma_start3A_225 = tpu.memref_slice %arg5[%dma_start3A_223, %dma_start3A_224] : memref<10000x64xf32, #tpu.memory_space<vmem_shared>> -> memref<10000x64xf32, #tpu.memory_space<vmem_shared>>
    tpu.enqueue_indirect_dma source(%dma_start3A_225 : memref<10000x64xf32, #tpu.memory_space<vmem_shared>>) target(%arg23 : memref<128x64xf32, #tpu.memory_space<vmem>>) offsets(%arg7 : memref<128xi32, #tpu.memory_space<vmem>>) semaphore(%arg46 : memref<!tpu.dma_semaphore, #tpu.memory_space<semaphore_mem>>)
    %add3A_226 = arith.constant 128 : i32
    %add3A_227 = arith.addi %mul3A_2, %add3A_226 : i32
    %dma_wait3A_228 = arith.constant 0 : i32
    %dma_wait3A_229 = arith.constant 0 : i32
    %dma_wait3A_230 = tpu.memref_slice %arg2[%dma_wait3A_228, %dma_wait3A_229] : memref<2x640000xi32, #tpu.memory_space<hbm>> -> memref<1x640000xi32, #tpu.memory_space<hbm>>
    %dma_wait3A_231 = tpu.memref_squeeze %dma_wait3A_230 : memref<1x640000xi32, #tpu.memory_space<hbm>> -> memref<640000xi32, #tpu.memory_space<hbm>>
    %dma_wait3A_232 = tpu.memref_slice %dma_wait3A_231[%add3A_227] : memref<640000xi32, #tpu.memory_space<hbm>> -> memref<128xi32, #tpu.memory_space<hbm>>
    %dma_wait3A_233 = arith.constant 0 : i32
    %dma_wait3A_234 = tpu.memref_slice %arg2[%dma_wait3A_228, %dma_wait3A_233] : memref<2x640000xi32, #tpu.memory_space<hbm>> -> memref<1x640000xi32, #tpu.memory_space<hbm>>
    %dma_wait3A_235 = tpu.memref_squeeze %dma_wait3A_234 : memref<1x640000xi32, #tpu.memory_space<hbm>> -> memref<640000xi32, #tpu.memory_space<hbm>>
    %dma_wait3A_236 = tpu.memref_slice %dma_wait3A_235[%add3A_227] : memref<640000xi32, #tpu.memory_space<hbm>> -> memref<128xi32, #tpu.memory_space<hbm>>
    tpu.wait_dma2 semaphore(%arg31 : memref<!tpu.dma_semaphore, #tpu.memory_space<semaphore_mem>>) src(%dma_wait3A_236 : memref<128xi32, #tpu.memory_space<hbm>>) dst(%arg8 : memref<128xi32, #tpu.memory_space<vmem>>)
    %add3A_237 = arith.constant 128 : i32
    %add3A_238 = arith.addi %mul3A_2, %add3A_237 : i32
    %dma_wait3A_239 = arith.constant 1 : i32
    %dma_wait3A_240 = arith.constant 0 : i32
    %dma_wait3A_241 = tpu.memref_slice %arg2[%dma_wait3A_239, %dma_wait3A_240] : memref<2x640000xi32, #tpu.memory_space<hbm>> -> memref<1x640000xi32, #tpu.memory_space<hbm>>
    %dma_wait3A_242 = tpu.memref_squeeze %dma_wait3A_241 : memref<1x640000xi32, #tpu.memory_space<hbm>> -> memref<640000xi32, #tpu.memory_space<hbm>>
    %dma_wait3A_243 = tpu.memref_slice %dma_wait3A_242[%add3A_238] : memref<640000xi32, #tpu.memory_space<hbm>> -> memref<128xi32, #tpu.memory_space<hbm>>
    %dma_wait3A_244 = arith.constant 0 : i32
    %dma_wait3A_245 = tpu.memref_slice %arg2[%dma_wait3A_239, %dma_wait3A_244] : memref<2x640000xi32, #tpu.memory_space<hbm>> -> memref<1x640000xi32, #tpu.memory_space<hbm>>
    %dma_wait3A_246 = tpu.memref_squeeze %dma_wait3A_245 : memref<1x640000xi32, #tpu.memory_space<hbm>> -> memref<640000xi32, #tpu.memory_space<hbm>>
    %dma_wait3A_247 = tpu.memref_slice %dma_wait3A_246[%add3A_238] : memref<640000xi32, #tpu.memory_space<hbm>> -> memref<128xi32, #tpu.memory_space<hbm>>
    tpu.wait_dma2 semaphore(%arg39 : memref<!tpu.dma_semaphore, #tpu.memory_space<semaphore_mem>>) src(%dma_wait3A_247 : memref<128xi32, #tpu.memory_space<hbm>>) dst(%arg16 : memref<128xi32, #tpu.memory_space<vmem>>)
    %dma_start3A_248 = arith.constant 0 : i32
    %dma_start3A_249 = arith.constant 0 : i32
    %dma_start3A_250 = tpu.memref_slice %arg5[%dma_start3A_248, %dma_start3A_249] : memref<10000x64xf32, #tpu.memory_space<vmem_shared>> -> memref<10000x64xf32, #tpu.memory_space<vmem_shared>>
    tpu.enqueue_indirect_dma source(%dma_start3A_250 : memref<10000x64xf32, #tpu.memory_space<vmem_shared>>) target(%arg24 : memref<128x64xf32, #tpu.memory_space<vmem>>) offsets(%arg8 : memref<128xi32, #tpu.memory_space<vmem>>) semaphore(%arg47 : memref<!tpu.dma_semaphore, #tpu.memory_space<semaphore_mem>>)
    %add3A_251 = arith.constant 256 : i32
    %add3A_252 = arith.addi %mul3A_2, %add3A_251 : i32
    %dma_wait3A_253 = arith.constant 0 : i32
    %dma_wait3A_254 = arith.constant 0 : i32
    %dma_wait3A_255 = tpu.memref_slice %arg2[%dma_wait3A_253, %dma_wait3A_254] : memref<2x640000xi32, #tpu.memory_space<hbm>> -> memref<1x640000xi32, #tpu.memory_space<hbm>>
    %dma_wait3A_256 = tpu.memref_squeeze %dma_wait3A_255 : memref<1x640000xi32, #tpu.memory_space<hbm>> -> memref<640000xi32, #tpu.memory_space<hbm>>
    %dma_wait3A_257 = tpu.memref_slice %dma_wait3A_256[%add3A_252] : memref<640000xi32, #tpu.memory_space<hbm>> -> memref<128xi32, #tpu.memory_space<hbm>>
    %dma_wait3A_258 = arith.constant 0 : i32
    %dma_wait3A_259 = tpu.memref_slice %arg2[%dma_wait3A_253, %dma_wait3A_258] : memref<2x640000xi32, #tpu.memory_space<hbm>> -> memref<1x640000xi32, #tpu.memory_space<hbm>>
    %dma_wait3A_260 = tpu.memref_squeeze %dma_wait3A_259 : memref<1x640000xi32, #tpu.memory_space<hbm>> -> memref<640000xi32, #tpu.memory_space<hbm>>
    %dma_wait3A_261 = tpu.memref_slice %dma_wait3A_260[%add3A_252] : memref<640000xi32, #tpu.memory_space<hbm>> -> memref<128xi32, #tpu.memory_space<hbm>>
    tpu.wait_dma2 semaphore(%arg32 : memref<!tpu.dma_semaphore, #tpu.memory_space<semaphore_mem>>) src(%dma_wait3A_261 : memref<128xi32, #tpu.memory_space<hbm>>) dst(%arg9 : memref<128xi32, #tpu.memory_space<vmem>>)
    %add3A_262 = arith.constant 256 : i32
    %add3A_263 = arith.addi %mul3A_2, %add3A_262 : i32
    %dma_wait3A_264 = arith.constant 1 : i32
    %dma_wait3A_265 = arith.constant 0 : i32
    %dma_wait3A_266 = tpu.memref_slice %arg2[%dma_wait3A_264, %dma_wait3A_265] : memref<2x640000xi32, #tpu.memory_space<hbm>> -> memref<1x640000xi32, #tpu.memory_space<hbm>>
    %dma_wait3A_267 = tpu.memref_squeeze %dma_wait3A_266 : memref<1x640000xi32, #tpu.memory_space<hbm>> -> memref<640000xi32, #tpu.memory_space<hbm>>
    %dma_wait3A_268 = tpu.memref_slice %dma_wait3A_267[%add3A_263] : memref<640000xi32, #tpu.memory_space<hbm>> -> memref<128xi32, #tpu.memory_space<hbm>>
    %dma_wait3A_269 = arith.constant 0 : i32
    %dma_wait3A_270 = tpu.memref_slice %arg2[%dma_wait3A_264, %dma_wait3A_269] : memref<2x640000xi32, #tpu.memory_space<hbm>> -> memref<1x640000xi32, #tpu.memory_space<hbm>>
    %dma_wait3A_271 = tpu.memref_squeeze %dma_wait3A_270 : memref<1x640000xi32, #tpu.memory_space<hbm>> -> memref<640000xi32, #tpu.memory_space<hbm>>
    %dma_wait3A_272 = tpu.memref_slice %dma_wait3A_271[%add3A_263] : memref<640000xi32, #tpu.memory_space<hbm>> -> memref<128xi32, #tpu.memory_space<hbm>>
    tpu.wait_dma2 semaphore(%arg40 : memref<!tpu.dma_semaphore, #tpu.memory_space<semaphore_mem>>) src(%dma_wait3A_272 : memref<128xi32, #tpu.memory_space<hbm>>) dst(%arg17 : memref<128xi32, #tpu.memory_space<vmem>>)
    %dma_start3A_273 = arith.constant 0 : i32
    %dma_start3A_274 = arith.constant 0 : i32
    %dma_start3A_275 = tpu.memref_slice %arg5[%dma_start3A_273, %dma_start3A_274] : memref<10000x64xf32, #tpu.memory_space<vmem_shared>> -> memref<10000x64xf32, #tpu.memory_space<vmem_shared>>
    tpu.enqueue_indirect_dma source(%dma_start3A_275 : memref<10000x64xf32, #tpu.memory_space<vmem_shared>>) target(%arg25 : memref<128x64xf32, #tpu.memory_space<vmem>>) offsets(%arg9 : memref<128xi32, #tpu.memory_space<vmem>>) semaphore(%arg48 : memref<!tpu.dma_semaphore, #tpu.memory_space<semaphore_mem>>)
    %add3A_276 = arith.constant 384 : i32
    %add3A_277 = arith.addi %mul3A_2, %add3A_276 : i32
    %dma_wait3A_278 = arith.constant 0 : i32
    %dma_wait3A_279 = arith.constant 0 : i32
    %dma_wait3A_280 = tpu.memref_slice %arg2[%dma_wait3A_278, %dma_wait3A_279] : memref<2x640000xi32, #tpu.memory_space<hbm>> -> memref<1x640000xi32, #tpu.memory_space<hbm>>
    %dma_wait3A_281 = tpu.memref_squeeze %dma_wait3A_280 : memref<1x640000xi32, #tpu.memory_space<hbm>> -> memref<640000xi32, #tpu.memory_space<hbm>>
    %dma_wait3A_282 = tpu.memref_slice %dma_wait3A_281[%add3A_277] : memref<640000xi32, #tpu.memory_space<hbm>> -> memref<128xi32, #tpu.memory_space<hbm>>
    %dma_wait3A_283 = arith.constant 0 : i32
    %dma_wait3A_284 = tpu.memref_slice %arg2[%dma_wait3A_278, %dma_wait3A_283] : memref<2x640000xi32, #tpu.memory_space<hbm>> -> memref<1x640000xi32, #tpu.memory_space<hbm>>
    %dma_wait3A_285 = tpu.memref_squeeze %dma_wait3A_284 : memref<1x640000xi32, #tpu.memory_space<hbm>> -> memref<640000xi32, #tpu.memory_space<hbm>>
    %dma_wait3A_286 = tpu.memref_slice %dma_wait3A_285[%add3A_277] : memref<640000xi32, #tpu.memory_space<hbm>> -> memref<128xi32, #tpu.memory_space<hbm>>
    tpu.wait_dma2 semaphore(%arg33 : memref<!tpu.dma_semaphore, #tpu.memory_space<semaphore_mem>>) src(%dma_wait3A_286 : memref<128xi32, #tpu.memory_space<hbm>>) dst(%arg10 : memref<128xi32, #tpu.memory_space<vmem>>)
    %add3A_287 = arith.constant 384 : i32
    %add3A_288 = arith.addi %mul3A_2, %add3A_287 : i32
    %dma_wait3A_289 = arith.constant 1 : i32
    %dma_wait3A_290 = arith.constant 0 : i32
    %dma_wait3A_291 = tpu.memref_slice %arg2[%dma_wait3A_289, %dma_wait3A_290] : memref<2x640000xi32, #tpu.memory_space<hbm>> -> memref<1x640000xi32, #tpu.memory_space<hbm>>
    %dma_wait3A_292 = tpu.memref_squeeze %dma_wait3A_291 : memref<1x640000xi32, #tpu.memory_space<hbm>> -> memref<640000xi32, #tpu.memory_space<hbm>>
    %dma_wait3A_293 = tpu.memref_slice %dma_wait3A_292[%add3A_288] : memref<640000xi32, #tpu.memory_space<hbm>> -> memref<128xi32, #tpu.memory_space<hbm>>
    %dma_wait3A_294 = arith.constant 0 : i32
    %dma_wait3A_295 = tpu.memref_slice %arg2[%dma_wait3A_289, %dma_wait3A_294] : memref<2x640000xi32, #tpu.memory_space<hbm>> -> memref<1x640000xi32, #tpu.memory_space<hbm>>
    %dma_wait3A_296 = tpu.memref_squeeze %dma_wait3A_295 : memref<1x640000xi32, #tpu.memory_space<hbm>> -> memref<640000xi32, #tpu.memory_space<hbm>>
    %dma_wait3A_297 = tpu.memref_slice %dma_wait3A_296[%add3A_288] : memref<640000xi32, #tpu.memory_space<hbm>> -> memref<128xi32, #tpu.memory_space<hbm>>
    tpu.wait_dma2 semaphore(%arg41 : memref<!tpu.dma_semaphore, #tpu.memory_space<semaphore_mem>>) src(%dma_wait3A_297 : memref<128xi32, #tpu.memory_space<hbm>>) dst(%arg18 : memref<128xi32, #tpu.memory_space<vmem>>)
    %dma_start3A_298 = arith.constant 0 : i32
    %dma_start3A_299 = arith.constant 0 : i32
    %dma_start3A_300 = tpu.memref_slice %arg5[%dma_start3A_298, %dma_start3A_299] : memref<10000x64xf32, #tpu.memory_space<vmem_shared>> -> memref<10000x64xf32, #tpu.memory_space<vmem_shared>>
    tpu.enqueue_indirect_dma source(%dma_start3A_300 : memref<10000x64xf32, #tpu.memory_space<vmem_shared>>) target(%arg26 : memref<128x64xf32, #tpu.memory_space<vmem>>) offsets(%arg10 : memref<128xi32, #tpu.memory_space<vmem>>) semaphore(%arg49 : memref<!tpu.dma_semaphore, #tpu.memory_space<semaphore_mem>>)
    %scan3A = arith.constant 0 : i32
    %scan3A_301 = arith.constant 0 : i32
    %scan3A_302 = arith.constant 1 : i32
    %scan3A_303 = arith.constant 0 : i32
    %scan3A_304 = arith.constant 19 : i32
    %scan3A_305 = arith.addi %scan3A_303, %scan3A_304 : i32
    %scan3A_306 = arith.constant 1 : i32
    scf.for %scan3A_380 = %scan3A_303 to %scan3A_305 step %scan3A_306  : i32 {
      %mul3A_381 = arith.constant 2 : i32
      %mul3A_382 = arith.muli %mul3A_381, %scan3A_380 : i32
      %mul3A_383 = arith.constant 4 : i32
      %mul3A_384 = arith.muli %mul3A_382, %mul3A_383 : i32
      %add3A_385 = arith.constant 0 : i32
      %add3A_386 = arith.addi %mul3A_384, %add3A_385 : i32
      %dma_wait3A_387 = arith.constant 0 : i32
      %dma_wait3A_388 = arith.constant 0 : i32
      %dma_wait3A_389 = tpu.memref_slice %arg5[%dma_wait3A_387, %dma_wait3A_388] : memref<10000x64xf32, #tpu.memory_space<vmem_shared>> -> memref<10000x64xf32, #tpu.memory_space<vmem_shared>>
      tpu.wait_indirect_dma semaphore(%arg46 : memref<!tpu.dma_semaphore, #tpu.memory_space<semaphore_mem>>) src(%dma_wait3A_389 : memref<10000x64xf32, #tpu.memory_space<vmem_shared>>) dst(%arg23 : memref<128x64xf32, #tpu.memory_space<vmem>>)
      %add3A_390 = arith.constant 0 : i32
      %add3A_391 = arith.addi %mul3A_384, %add3A_390 : i32
      %dma_start3A_392 = arith.constant 0 : i32
      %dma_start3A_393 = arith.constant 0 : i32
      %dma_start3A_394 = tpu.memref_slice %arg6[%dma_start3A_392, %dma_start3A_393] : memref<10008x64xf32, #tpu.memory_space<vmem_shared>> -> memref<10008x64xf32, #tpu.memory_space<vmem_shared>>
      tpu.enqueue_indirect_dma source(%arg23 : memref<128x64xf32, #tpu.memory_space<vmem>>) target(%dma_start3A_394 : memref<10008x64xf32, #tpu.memory_space<vmem_shared>>) offsets(%arg15 : memref<128xi32, #tpu.memory_space<vmem>>) semaphore(%arg50 : memref<!tpu.dma_semaphore, #tpu.memory_space<semaphore_mem>>) {add = true}
      %add3A_395 = arith.constant 1 : i32
      %add3A_396 = arith.addi %mul3A_384, %add3A_395 : i32
      %dma_wait3A_397 = arith.constant 0 : i32
      %dma_wait3A_398 = arith.constant 0 : i32
      %dma_wait3A_399 = tpu.memref_slice %arg5[%dma_wait3A_397, %dma_wait3A_398] : memref<10000x64xf32, #tpu.memory_space<vmem_shared>> -> memref<10000x64xf32, #tpu.memory_space<vmem_shared>>
      tpu.wait_indirect_dma semaphore(%arg47 : memref<!tpu.dma_semaphore, #tpu.memory_space<semaphore_mem>>) src(%dma_wait3A_399 : memref<10000x64xf32, #tpu.memory_space<vmem_shared>>) dst(%arg24 : memref<128x64xf32, #tpu.memory_space<vmem>>)
      %add3A_400 = arith.constant 1 : i32
      %add3A_401 = arith.addi %mul3A_384, %add3A_400 : i32
      %dma_start3A_402 = arith.constant 0 : i32
      %dma_start3A_403 = arith.constant 0 : i32
      %dma_start3A_404 = tpu.memref_slice %arg6[%dma_start3A_402, %dma_start3A_403] : memref<10008x64xf32, #tpu.memory_space<vmem_shared>> -> memref<10008x64xf32, #tpu.memory_space<vmem_shared>>
      tpu.enqueue_indirect_dma source(%arg24 : memref<128x64xf32, #tpu.memory_space<vmem>>) target(%dma_start3A_404 : memref<10008x64xf32, #tpu.memory_space<vmem_shared>>) offsets(%arg16 : memref<128xi32, #tpu.memory_space<vmem>>) semaphore(%arg51 : memref<!tpu.dma_semaphore, #tpu.memory_space<semaphore_mem>>) {add = true}
      %add3A_405 = arith.constant 2 : i32
      %add3A_406 = arith.addi %mul3A_384, %add3A_405 : i32
      %dma_wait3A_407 = arith.constant 0 : i32
      %dma_wait3A_408 = arith.constant 0 : i32
      %dma_wait3A_409 = tpu.memref_slice %arg5[%dma_wait3A_407, %dma_wait3A_408] : memref<10000x64xf32, #tpu.memory_space<vmem_shared>> -> memref<10000x64xf32, #tpu.memory_space<vmem_shared>>
      tpu.wait_indirect_dma semaphore(%arg48 : memref<!tpu.dma_semaphore, #tpu.memory_space<semaphore_mem>>) src(%dma_wait3A_409 : memref<10000x64xf32, #tpu.memory_space<vmem_shared>>) dst(%arg25 : memref<128x64xf32, #tpu.memory_space<vmem>>)
      %add3A_410 = arith.constant 2 : i32
      %add3A_411 = arith.addi %mul3A_384, %add3A_410 : i32
      %dma_start3A_412 = arith.constant 0 : i32
      %dma_start3A_413 = arith.constant 0 : i32
      %dma_start3A_414 = tpu.memref_slice %arg6[%dma_start3A_412, %dma_start3A_413] : memref<10008x64xf32, #tpu.memory_space<vmem_shared>> -> memref<10008x64xf32, #tpu.memory_space<vmem_shared>>
      tpu.enqueue_indirect_dma source(%arg25 : memref<128x64xf32, #tpu.memory_space<vmem>>) target(%dma_start3A_414 : memref<10008x64xf32, #tpu.memory_space<vmem_shared>>) offsets(%arg17 : memref<128xi32, #tpu.memory_space<vmem>>) semaphore(%arg52 : memref<!tpu.dma_semaphore, #tpu.memory_space<semaphore_mem>>) {add = true}
      %add3A_415 = arith.constant 3 : i32
      %add3A_416 = arith.addi %mul3A_384, %add3A_415 : i32
      %dma_wait3A_417 = arith.constant 0 : i32
      %dma_wait3A_418 = arith.constant 0 : i32
      %dma_wait3A_419 = tpu.memref_slice %arg5[%dma_wait3A_417, %dma_wait3A_418] : memref<10000x64xf32, #tpu.memory_space<vmem_shared>> -> memref<10000x64xf32, #tpu.memory_space<vmem_shared>>
      tpu.wait_indirect_dma semaphore(%arg49 : memref<!tpu.dma_semaphore, #tpu.memory_space<semaphore_mem>>) src(%dma_wait3A_419 : memref<10000x64xf32, #tpu.memory_space<vmem_shared>>) dst(%arg26 : memref<128x64xf32, #tpu.memory_space<vmem>>)
      %add3A_420 = arith.constant 3 : i32
      %add3A_421 = arith.addi %mul3A_384, %add3A_420 : i32
      %dma_start3A_422 = arith.constant 0 : i32
      %dma_start3A_423 = arith.constant 0 : i32
      %dma_start3A_424 = tpu.memref_slice %arg6[%dma_start3A_422, %dma_start3A_423] : memref<10008x64xf32, #tpu.memory_space<vmem_shared>> -> memref<10008x64xf32, #tpu.memory_space<vmem_shared>>
      tpu.enqueue_indirect_dma source(%arg26 : memref<128x64xf32, #tpu.memory_space<vmem>>) target(%dma_start3A_424 : memref<10008x64xf32, #tpu.memory_space<vmem_shared>>) offsets(%arg18 : memref<128xi32, #tpu.memory_space<vmem>>) semaphore(%arg53 : memref<!tpu.dma_semaphore, #tpu.memory_space<semaphore_mem>>) {add = true}
      %add3A_425 = arith.constant 0 : i32
      %add3A_426 = arith.addi %mul3A_384, %add3A_425 : i32
      %dma_wait3A_427 = arith.constant 0 : i32
      %dma_wait3A_428 = arith.constant 0 : i32
      %dma_wait3A_429 = tpu.memref_slice %arg6[%dma_wait3A_427, %dma_wait3A_428] : memref<10008x64xf32, #tpu.memory_space<vmem_shared>> -> memref<10008x64xf32, #tpu.memory_space<vmem_shared>>
      tpu.wait_indirect_dma semaphore(%arg50 : memref<!tpu.dma_semaphore, #tpu.memory_space<semaphore_mem>>) src(%arg23 : memref<128x64xf32, #tpu.memory_space<vmem>>) dst(%dma_wait3A_429 : memref<10008x64xf32, #tpu.memory_space<vmem_shared>>)
      %add3A_430 = arith.constant 1 : i32
      %add3A_431 = arith.addi %mul3A_382, %add3A_430 : i32
      %lt3A = arith.constant 39 : i32
      %lt3A_432 = arith.cmpi slt, %add3A_431, %lt3A : i32
      %convert_element_type3A_433 = arith.extui %lt3A_432 : i1 to i32
      %cond3A_434 = arith.constant 0 : i32
      %cond3A_435 = arith.cmpi ne, %convert_element_type3A_433, %cond3A_434 : i32
      scf.if %cond3A_435 {
        %add3A_622 = arith.constant 4 : i32
        %add3A_623 = arith.addi %mul3A_384, %add3A_622 : i32
        %add3A_624 = arith.constant 0 : i32
        %add3A_625 = arith.addi %add3A_623, %add3A_624 : i32
        %mul3A_626 = arith.constant 128 : i32
        %mul3A_627 = arith.muli %add3A_625, %mul3A_626 : i32
        %add3A_628 = arith.addi %mul3A_2, %mul3A_627 : i32
        %dma_wait3A_629 = arith.constant 0 : i32
        %dma_wait3A_630 = tpu.memref_slice %arg2[%scan3A_301, %dma_wait3A_629] : memref<2x640000xi32, #tpu.memory_space<hbm>> -> memref<1x640000xi32, #tpu.memory_space<hbm>>
        %dma_wait3A_631 = tpu.memref_squeeze %dma_wait3A_630 : memref<1x640000xi32, #tpu.memory_space<hbm>> -> memref<640000xi32, #tpu.memory_space<hbm>>
        %dma_wait3A_632 = tpu.memref_slice %dma_wait3A_631[%add3A_628] : memref<640000xi32, #tpu.memory_space<hbm>> -> memref<128xi32, #tpu.memory_space<hbm>>
        %dma_wait3A_633 = arith.constant 0 : i32
        %dma_wait3A_634 = tpu.memref_slice %arg2[%scan3A_301, %dma_wait3A_633] : memref<2x640000xi32, #tpu.memory_space<hbm>> -> memref<1x640000xi32, #tpu.memory_space<hbm>>
        %dma_wait3A_635 = tpu.memref_squeeze %dma_wait3A_634 : memref<1x640000xi32, #tpu.memory_space<hbm>> -> memref<640000xi32, #tpu.memory_space<hbm>>
        %dma_wait3A_636 = tpu.memref_slice %dma_wait3A_635[%add3A_628] : memref<640000xi32, #tpu.memory_space<hbm>> -> memref<128xi32, #tpu.memory_space<hbm>>
        tpu.wait_dma2 semaphore(%arg34 : memref<!tpu.dma_semaphore, #tpu.memory_space<semaphore_mem>>) src(%dma_wait3A_636 : memref<128xi32, #tpu.memory_space<hbm>>) dst(%arg11 : memref<128xi32, #tpu.memory_space<vmem>>)
        %mul3A_637 = arith.constant 128 : i32
        %mul3A_638 = arith.muli %add3A_625, %mul3A_637 : i32
        %add3A_639 = arith.addi %mul3A_2, %mul3A_638 : i32
        %dma_wait3A_640 = arith.constant 0 : i32
        %dma_wait3A_641 = tpu.memref_slice %arg2[%scan3A_302, %dma_wait3A_640] : memref<2x640000xi32, #tpu.memory_space<hbm>> -> memref<1x640000xi32, #tpu.memory_space<hbm>>
        %dma_wait3A_642 = tpu.memref_squeeze %dma_wait3A_641 : memref<1x640000xi32, #tpu.memory_space<hbm>> -> memref<640000xi32, #tpu.memory_space<hbm>>
        %dma_wait3A_643 = tpu.memref_slice %dma_wait3A_642[%add3A_639] : memref<640000xi32, #tpu.memory_space<hbm>> -> memref<128xi32, #tpu.memory_space<hbm>>
        %dma_wait3A_644 = arith.constant 0 : i32
        %dma_wait3A_645 = tpu.memref_slice %arg2[%scan3A_302, %dma_wait3A_644] : memref<2x640000xi32, #tpu.memory_space<hbm>> -> memref<1x640000xi32, #tpu.memory_space<hbm>>
        %dma_wait3A_646 = tpu.memref_squeeze %dma_wait3A_645 : memref<1x640000xi32, #tpu.memory_space<hbm>> -> memref<640000xi32, #tpu.memory_space<hbm>>
        %dma_wait3A_647 = tpu.memref_slice %dma_wait3A_646[%add3A_639] : memref<640000xi32, #tpu.memory_space<hbm>> -> memref<128xi32, #tpu.memory_space<hbm>>
        tpu.wait_dma2 semaphore(%arg42 : memref<!tpu.dma_semaphore, #tpu.memory_space<semaphore_mem>>) src(%dma_wait3A_647 : memref<128xi32, #tpu.memory_space<hbm>>) dst(%arg19 : memref<128xi32, #tpu.memory_space<vmem>>)
        %add3A_648 = arith.constant 4 : i32
        %add3A_649 = arith.addi %mul3A_384, %add3A_648 : i32
        %add3A_650 = arith.constant 0 : i32
        %add3A_651 = arith.addi %add3A_649, %add3A_650 : i32
        %dma_start3A_652 = arith.constant 0 : i32
        %dma_start3A_653 = arith.constant 0 : i32
        %dma_start3A_654 = tpu.memref_slice %arg5[%dma_start3A_652, %dma_start3A_653] : memref<10000x64xf32, #tpu.memory_space<vmem_shared>> -> memref<10000x64xf32, #tpu.memory_space<vmem_shared>>
        tpu.enqueue_indirect_dma source(%dma_start3A_654 : memref<10000x64xf32, #tpu.memory_space<vmem_shared>>) target(%arg23 : memref<128x64xf32, #tpu.memory_space<vmem>>) offsets(%arg11 : memref<128xi32, #tpu.memory_space<vmem>>) semaphore(%arg46 : memref<!tpu.dma_semaphore, #tpu.memory_space<semaphore_mem>>)
      } else {
      }
      %add3A_436 = arith.constant 2 : i32
      %add3A_437 = arith.addi %mul3A_382, %add3A_436 : i32
      %lt3A_438 = arith.constant 39 : i32
      %lt3A_439 = arith.cmpi slt, %add3A_437, %lt3A_438 : i32
      %convert_element_type3A_440 = arith.extui %lt3A_439 : i1 to i32
      %cond3A_441 = arith.constant 0 : i32
      %cond3A_442 = arith.cmpi ne, %convert_element_type3A_440, %cond3A_441 : i32
      scf.if %cond3A_442 {
        %add3A_622 = arith.constant 8 : i32
        %add3A_623 = arith.addi %mul3A_384, %add3A_622 : i32
        %add3A_624 = arith.constant 0 : i32
        %add3A_625 = arith.addi %add3A_623, %add3A_624 : i32
        %mul3A_626 = arith.constant 128 : i32
        %mul3A_627 = arith.muli %add3A_625, %mul3A_626 : i32
        %add3A_628 = arith.addi %mul3A_2, %mul3A_627 : i32
        %dma_start3A_629 = arith.constant 0 : i32
        %dma_start3A_630 = tpu.memref_slice %arg2[%scan3A_301, %dma_start3A_629] : memref<2x640000xi32, #tpu.memory_space<hbm>> -> memref<1x640000xi32, #tpu.memory_space<hbm>>
        %dma_start3A_631 = tpu.memref_squeeze %dma_start3A_630 : memref<1x640000xi32, #tpu.memory_space<hbm>> -> memref<640000xi32, #tpu.memory_space<hbm>>
        %dma_start3A_632 = tpu.memref_slice %dma_start3A_631[%add3A_628] : memref<640000xi32, #tpu.memory_space<hbm>> -> memref<128xi32, #tpu.memory_space<hbm>>
        %dma_start3A_633 = arith.constant 0 : i32
        %dma_start3A_634 = tpu.memref_slice %arg2[%scan3A_301, %dma_start3A_633] : memref<2x640000xi32, #tpu.memory_space<hbm>> -> memref<1x640000xi32, #tpu.memory_space<hbm>>
        %dma_start3A_635 = tpu.memref_squeeze %dma_start3A_634 : memref<1x640000xi32, #tpu.memory_space<hbm>> -> memref<640000xi32, #tpu.memory_space<hbm>>
        %dma_start3A_636 = tpu.memref_slice %dma_start3A_635[%add3A_628] : memref<640000xi32, #tpu.memory_space<hbm>> -> memref<128xi32, #tpu.memory_space<hbm>>
        tpu.enqueue_dma source(%dma_start3A_636 : memref<128xi32, #tpu.memory_space<hbm>>) target(%arg7 : memref<128xi32, #tpu.memory_space<vmem>>) target_semaphore(%arg30 : memref<!tpu.dma_semaphore, #tpu.memory_space<semaphore_mem>>)
        %mul3A_637 = arith.constant 128 : i32
        %mul3A_638 = arith.muli %add3A_625, %mul3A_637 : i32
        %add3A_639 = arith.addi %mul3A_2, %mul3A_638 : i32
        %dma_start3A_640 = arith.constant 0 : i32
        %dma_start3A_641 = tpu.memref_slice %arg2[%scan3A_302, %dma_start3A_640] : memref<2x640000xi32, #tpu.memory_space<hbm>> -> memref<1x640000xi32, #tpu.memory_space<hbm>>
        %dma_start3A_642 = tpu.memref_squeeze %dma_start3A_641 : memref<1x640000xi32, #tpu.memory_space<hbm>> -> memref<640000xi32, #tpu.memory_space<hbm>>
        %dma_start3A_643 = tpu.memref_slice %dma_start3A_642[%add3A_639] : memref<640000xi32, #tpu.memory_space<hbm>> -> memref<128xi32, #tpu.memory_space<hbm>>
        %dma_start3A_644 = arith.constant 0 : i32
        %dma_start3A_645 = tpu.memref_slice %arg2[%scan3A_302, %dma_start3A_644] : memref<2x640000xi32, #tpu.memory_space<hbm>> -> memref<1x640000xi32, #tpu.memory_space<hbm>>
        %dma_start3A_646 = tpu.memref_squeeze %dma_start3A_645 : memref<1x640000xi32, #tpu.memory_space<hbm>> -> memref<640000xi32, #tpu.memory_space<hbm>>
        %dma_start3A_647 = tpu.memref_slice %dma_start3A_646[%add3A_639] : memref<640000xi32, #tpu.memory_space<hbm>> -> memref<128xi32, #tpu.memory_space<hbm>>
        tpu.enqueue_dma source(%dma_start3A_647 : memref<128xi32, #tpu.memory_space<hbm>>) target(%arg15 : memref<128xi32, #tpu.memory_space<vmem>>) target_semaphore(%arg38 : memref<!tpu.dma_semaphore, #tpu.memory_space<semaphore_mem>>)
      } else {
      }
      %add3A_443 = arith.constant 1 : i32
      %add3A_444 = arith.addi %mul3A_384, %add3A_443 : i32
      %dma_wait3A_445 = arith.constant 0 : i32
      %dma_wait3A_446 = arith.constant 0 : i32
      %dma_wait3A_447 = tpu.memref_slice %arg6[%dma_wait3A_445, %dma_wait3A_446] : memref<10008x64xf32, #tpu.memory_space<vmem_shared>> -> memref<10008x64xf32, #tpu.memory_space<vmem_shared>>
      tpu.wait_indirect_dma semaphore(%arg51 : memref<!tpu.dma_semaphore, #tpu.memory_space<semaphore_mem>>) src(%arg24 : memref<128x64xf32, #tpu.memory_space<vmem>>) dst(%dma_wait3A_447 : memref<10008x64xf32, #tpu.memory_space<vmem_shared>>)
      %add3A_448 = arith.constant 1 : i32
      %add3A_449 = arith.addi %mul3A_382, %add3A_448 : i32
      %lt3A_450 = arith.constant 39 : i32
      %lt3A_451 = arith.cmpi slt, %add3A_449, %lt3A_450 : i32
      %convert_element_type3A_452 = arith.extui %lt3A_451 : i1 to i32
      %cond3A_453 = arith.constant 0 : i32
      %cond3A_454 = arith.cmpi ne, %convert_element_type3A_452, %cond3A_453 : i32
      scf.if %cond3A_454 {
        %add3A_622 = arith.constant 4 : i32
        %add3A_623 = arith.addi %mul3A_384, %add3A_622 : i32
        %add3A_624 = arith.constant 1 : i32
        %add3A_625 = arith.addi %add3A_623, %add3A_624 : i32
        %mul3A_626 = arith.constant 128 : i32
        %mul3A_627 = arith.muli %add3A_625, %mul3A_626 : i32
        %add3A_628 = arith.addi %mul3A_2, %mul3A_627 : i32
        %dma_wait3A_629 = arith.constant 0 : i32
        %dma_wait3A_630 = tpu.memref_slice %arg2[%scan3A_301, %dma_wait3A_629] : memref<2x640000xi32, #tpu.memory_space<hbm>> -> memref<1x640000xi32, #tpu.memory_space<hbm>>
        %dma_wait3A_631 = tpu.memref_squeeze %dma_wait3A_630 : memref<1x640000xi32, #tpu.memory_space<hbm>> -> memref<640000xi32, #tpu.memory_space<hbm>>
        %dma_wait3A_632 = tpu.memref_slice %dma_wait3A_631[%add3A_628] : memref<640000xi32, #tpu.memory_space<hbm>> -> memref<128xi32, #tpu.memory_space<hbm>>
        %dma_wait3A_633 = arith.constant 0 : i32
        %dma_wait3A_634 = tpu.memref_slice %arg2[%scan3A_301, %dma_wait3A_633] : memref<2x640000xi32, #tpu.memory_space<hbm>> -> memref<1x640000xi32, #tpu.memory_space<hbm>>
        %dma_wait3A_635 = tpu.memref_squeeze %dma_wait3A_634 : memref<1x640000xi32, #tpu.memory_space<hbm>> -> memref<640000xi32, #tpu.memory_space<hbm>>
        %dma_wait3A_636 = tpu.memref_slice %dma_wait3A_635[%add3A_628] : memref<640000xi32, #tpu.memory_space<hbm>> -> memref<128xi32, #tpu.memory_space<hbm>>
        tpu.wait_dma2 semaphore(%arg35 : memref<!tpu.dma_semaphore, #tpu.memory_space<semaphore_mem>>) src(%dma_wait3A_636 : memref<128xi32, #tpu.memory_space<hbm>>) dst(%arg12 : memref<128xi32, #tpu.memory_space<vmem>>)
        %mul3A_637 = arith.constant 128 : i32
        %mul3A_638 = arith.muli %add3A_625, %mul3A_637 : i32
        %add3A_639 = arith.addi %mul3A_2, %mul3A_638 : i32
        %dma_wait3A_640 = arith.constant 0 : i32
        %dma_wait3A_641 = tpu.memref_slice %arg2[%scan3A_302, %dma_wait3A_640] : memref<2x640000xi32, #tpu.memory_space<hbm>> -> memref<1x640000xi32, #tpu.memory_space<hbm>>
        %dma_wait3A_642 = tpu.memref_squeeze %dma_wait3A_641 : memref<1x640000xi32, #tpu.memory_space<hbm>> -> memref<640000xi32, #tpu.memory_space<hbm>>
        %dma_wait3A_643 = tpu.memref_slice %dma_wait3A_642[%add3A_639] : memref<640000xi32, #tpu.memory_space<hbm>> -> memref<128xi32, #tpu.memory_space<hbm>>
        %dma_wait3A_644 = arith.constant 0 : i32
        %dma_wait3A_645 = tpu.memref_slice %arg2[%scan3A_302, %dma_wait3A_644] : memref<2x640000xi32, #tpu.memory_space<hbm>> -> memref<1x640000xi32, #tpu.memory_space<hbm>>
        %dma_wait3A_646 = tpu.memref_squeeze %dma_wait3A_645 : memref<1x640000xi32, #tpu.memory_space<hbm>> -> memref<640000xi32, #tpu.memory_space<hbm>>
        %dma_wait3A_647 = tpu.memref_slice %dma_wait3A_646[%add3A_639] : memref<640000xi32, #tpu.memory_space<hbm>> -> memref<128xi32, #tpu.memory_space<hbm>>
        tpu.wait_dma2 semaphore(%arg43 : memref<!tpu.dma_semaphore, #tpu.memory_space<semaphore_mem>>) src(%dma_wait3A_647 : memref<128xi32, #tpu.memory_space<hbm>>) dst(%arg20 : memref<128xi32, #tpu.memory_space<vmem>>)
        %add3A_648 = arith.constant 4 : i32
        %add3A_649 = arith.addi %mul3A_384, %add3A_648 : i32
        %add3A_650 = arith.constant 1 : i32
        %add3A_651 = arith.addi %add3A_649, %add3A_650 : i32
        %dma_start3A_652 = arith.constant 0 : i32
        %dma_start3A_653 = arith.constant 0 : i32
        %dma_start3A_654 = tpu.memref_slice %arg5[%dma_start3A_652, %dma_start3A_653] : memref<10000x64xf32, #tpu.memory_space<vmem_shared>> -> memref<10000x64xf32, #tpu.memory_space<vmem_shared>>
        tpu.enqueue_indirect_dma source(%dma_start3A_654 : memref<10000x64xf32, #tpu.memory_space<vmem_shared>>) target(%arg24 : memref<128x64xf32, #tpu.memory_space<vmem>>) offsets(%arg12 : memref<128xi32, #tpu.memory_space<vmem>>) semaphore(%arg47 : memref<!tpu.dma_semaphore, #tpu.memory_space<semaphore_mem>>)
      } else {
      }
      %add3A_455 = arith.constant 2 : i32
      %add3A_456 = arith.addi %mul3A_382, %add3A_455 : i32
      %lt3A_457 = arith.constant 39 : i32
      %lt3A_458 = arith.cmpi slt, %add3A_456, %lt3A_457 : i32
      %convert_element_type3A_459 = arith.extui %lt3A_458 : i1 to i32
      %cond3A_460 = arith.constant 0 : i32
      %cond3A_461 = arith.cmpi ne, %convert_element_type3A_459, %cond3A_460 : i32
      scf.if %cond3A_461 {
        %add3A_622 = arith.constant 8 : i32
        %add3A_623 = arith.addi %mul3A_384, %add3A_622 : i32
        %add3A_624 = arith.constant 1 : i32
        %add3A_625 = arith.addi %add3A_623, %add3A_624 : i32
        %mul3A_626 = arith.constant 128 : i32
        %mul3A_627 = arith.muli %add3A_625, %mul3A_626 : i32
        %add3A_628 = arith.addi %mul3A_2, %mul3A_627 : i32
        %dma_start3A_629 = arith.constant 0 : i32
        %dma_start3A_630 = tpu.memref_slice %arg2[%scan3A_301, %dma_start3A_629] : memref<2x640000xi32, #tpu.memory_space<hbm>> -> memref<1x640000xi32, #tpu.memory_space<hbm>>
        %dma_start3A_631 = tpu.memref_squeeze %dma_start3A_630 : memref<1x640000xi32, #tpu.memory_space<hbm>> -> memref<640000xi32, #tpu.memory_space<hbm>>
        %dma_start3A_632 = tpu.memref_slice %dma_start3A_631[%add3A_628] : memref<640000xi32, #tpu.memory_space<hbm>> -> memref<128xi32, #tpu.memory_space<hbm>>
        %dma_start3A_633 = arith.constant 0 : i32
        %dma_start3A_634 = tpu.memref_slice %arg2[%scan3A_301, %dma_start3A_633] : memref<2x640000xi32, #tpu.memory_space<hbm>> -> memref<1x640000xi32, #tpu.memory_space<hbm>>
        %dma_start3A_635 = tpu.memref_squeeze %dma_start3A_634 : memref<1x640000xi32, #tpu.memory_space<hbm>> -> memref<640000xi32, #tpu.memory_space<hbm>>
        %dma_start3A_636 = tpu.memref_slice %dma_start3A_635[%add3A_628] : memref<640000xi32, #tpu.memory_space<hbm>> -> memref<128xi32, #tpu.memory_space<hbm>>
        tpu.enqueue_dma source(%dma_start3A_636 : memref<128xi32, #tpu.memory_space<hbm>>) target(%arg8 : memref<128xi32, #tpu.memory_space<vmem>>) target_semaphore(%arg31 : memref<!tpu.dma_semaphore, #tpu.memory_space<semaphore_mem>>)
        %mul3A_637 = arith.constant 128 : i32
        %mul3A_638 = arith.muli %add3A_625, %mul3A_637 : i32
        %add3A_639 = arith.addi %mul3A_2, %mul3A_638 : i32
        %dma_start3A_640 = arith.constant 0 : i32
        %dma_start3A_641 = tpu.memref_slice %arg2[%scan3A_302, %dma_start3A_640] : memref<2x640000xi32, #tpu.memory_space<hbm>> -> memref<1x640000xi32, #tpu.memory_space<hbm>>
        %dma_start3A_642 = tpu.memref_squeeze %dma_start3A_641 : memref<1x640000xi32, #tpu.memory_space<hbm>> -> memref<640000xi32, #tpu.memory_space<hbm>>
        %dma_start3A_643 = tpu.memref_slice %dma_start3A_642[%add3A_639] : memref<640000xi32, #tpu.memory_space<hbm>> -> memref<128xi32, #tpu.memory_space<hbm>>
        %dma_start3A_644 = arith.constant 0 : i32
        %dma_start3A_645 = tpu.memref_slice %arg2[%scan3A_302, %dma_start3A_644] : memref<2x640000xi32, #tpu.memory_space<hbm>> -> memref<1x640000xi32, #tpu.memory_space<hbm>>
        %dma_start3A_646 = tpu.memref_squeeze %dma_start3A_645 : memref<1x640000xi32, #tpu.memory_space<hbm>> -> memref<640000xi32, #tpu.memory_space<hbm>>
        %dma_start3A_647 = tpu.memref_slice %dma_start3A_646[%add3A_639] : memref<640000xi32, #tpu.memory_space<hbm>> -> memref<128xi32, #tpu.memory_space<hbm>>
        tpu.enqueue_dma source(%dma_start3A_647 : memref<128xi32, #tpu.memory_space<hbm>>) target(%arg16 : memref<128xi32, #tpu.memory_space<vmem>>) target_semaphore(%arg39 : memref<!tpu.dma_semaphore, #tpu.memory_space<semaphore_mem>>)
      } else {
      }
      %add3A_462 = arith.constant 2 : i32
      %add3A_463 = arith.addi %mul3A_384, %add3A_462 : i32
      %dma_wait3A_464 = arith.constant 0 : i32
      %dma_wait3A_465 = arith.constant 0 : i32
      %dma_wait3A_466 = tpu.memref_slice %arg6[%dma_wait3A_464, %dma_wait3A_465] : memref<10008x64xf32, #tpu.memory_space<vmem_shared>> -> memref<10008x64xf32, #tpu.memory_space<vmem_shared>>
      tpu.wait_indirect_dma semaphore(%arg52 : memref<!tpu.dma_semaphore, #tpu.memory_space<semaphore_mem>>) src(%arg25 : memref<128x64xf32, #tpu.memory_space<vmem>>) dst(%dma_wait3A_466 : memref<10008x64xf32, #tpu.memory_space<vmem_shared>>)
      %add3A_467 = arith.constant 1 : i32
      %add3A_468 = arith.addi %mul3A_382, %add3A_467 : i32
      %lt3A_469 = arith.constant 39 : i32
      %lt3A_470 = arith.cmpi slt, %add3A_468, %lt3A_469 : i32
      %convert_element_type3A_471 = arith.extui %lt3A_470 : i1 to i32
      %cond3A_472 = arith.constant 0 : i32
      %cond3A_473 = arith.cmpi ne, %convert_element_type3A_471, %cond3A_472 : i32
      scf.if %cond3A_473 {
        %add3A_622 = arith.constant 4 : i32
        %add3A_623 = arith.addi %mul3A_384, %add3A_622 : i32
        %add3A_624 = arith.constant 2 : i32
        %add3A_625 = arith.addi %add3A_623, %add3A_624 : i32
        %mul3A_626 = arith.constant 128 : i32
        %mul3A_627 = arith.muli %add3A_625, %mul3A_626 : i32
        %add3A_628 = arith.addi %mul3A_2, %mul3A_627 : i32
        %dma_wait3A_629 = arith.constant 0 : i32
        %dma_wait3A_630 = tpu.memref_slice %arg2[%scan3A_301, %dma_wait3A_629] : memref<2x640000xi32, #tpu.memory_space<hbm>> -> memref<1x640000xi32, #tpu.memory_space<hbm>>
        %dma_wait3A_631 = tpu.memref_squeeze %dma_wait3A_630 : memref<1x640000xi32, #tpu.memory_space<hbm>> -> memref<640000xi32, #tpu.memory_space<hbm>>
        %dma_wait3A_632 = tpu.memref_slice %dma_wait3A_631[%add3A_628] : memref<640000xi32, #tpu.memory_space<hbm>> -> memref<128xi32, #tpu.memory_space<hbm>>
        %dma_wait3A_633 = arith.constant 0 : i32
        %dma_wait3A_634 = tpu.memref_slice %arg2[%scan3A_301, %dma_wait3A_633] : memref<2x640000xi32, #tpu.memory_space<hbm>> -> memref<1x640000xi32, #tpu.memory_space<hbm>>
        %dma_wait3A_635 = tpu.memref_squeeze %dma_wait3A_634 : memref<1x640000xi32, #tpu.memory_space<hbm>> -> memref<640000xi32, #tpu.memory_space<hbm>>
        %dma_wait3A_636 = tpu.memref_slice %dma_wait3A_635[%add3A_628] : memref<640000xi32, #tpu.memory_space<hbm>> -> memref<128xi32, #tpu.memory_space<hbm>>
        tpu.wait_dma2 semaphore(%arg36 : memref<!tpu.dma_semaphore, #tpu.memory_space<semaphore_mem>>) src(%dma_wait3A_636 : memref<128xi32, #tpu.memory_space<hbm>>) dst(%arg13 : memref<128xi32, #tpu.memory_space<vmem>>)
        %mul3A_637 = arith.constant 128 : i32
        %mul3A_638 = arith.muli %add3A_625, %mul3A_637 : i32
        %add3A_639 = arith.addi %mul3A_2, %mul3A_638 : i32
        %dma_wait3A_640 = arith.constant 0 : i32
        %dma_wait3A_641 = tpu.memref_slice %arg2[%scan3A_302, %dma_wait3A_640] : memref<2x640000xi32, #tpu.memory_space<hbm>> -> memref<1x640000xi32, #tpu.memory_space<hbm>>
        %dma_wait3A_642 = tpu.memref_squeeze %dma_wait3A_641 : memref<1x640000xi32, #tpu.memory_space<hbm>> -> memref<640000xi32, #tpu.memory_space<hbm>>
        %dma_wait3A_643 = tpu.memref_slice %dma_wait3A_642[%add3A_639] : memref<640000xi32, #tpu.memory_space<hbm>> -> memref<128xi32, #tpu.memory_space<hbm>>
        %dma_wait3A_644 = arith.constant 0 : i32
        %dma_wait3A_645 = tpu.memref_slice %arg2[%scan3A_302, %dma_wait3A_644] : memref<2x640000xi32, #tpu.memory_space<hbm>> -> memref<1x640000xi32, #tpu.memory_space<hbm>>
        %dma_wait3A_646 = tpu.memref_squeeze %dma_wait3A_645 : memref<1x640000xi32, #tpu.memory_space<hbm>> -> memref<640000xi32, #tpu.memory_space<hbm>>
        %dma_wait3A_647 = tpu.memref_slice %dma_wait3A_646[%add3A_639] : memref<640000xi32, #tpu.memory_space<hbm>> -> memref<128xi32, #tpu.memory_space<hbm>>
        tpu.wait_dma2 semaphore(%arg44 : memref<!tpu.dma_semaphore, #tpu.memory_space<semaphore_mem>>) src(%dma_wait3A_647 : memref<128xi32, #tpu.memory_space<hbm>>) dst(%arg21 : memref<128xi32, #tpu.memory_space<vmem>>)
        %add3A_648 = arith.constant 4 : i32
        %add3A_649 = arith.addi %mul3A_384, %add3A_648 : i32
        %add3A_650 = arith.constant 2 : i32
        %add3A_651 = arith.addi %add3A_649, %add3A_650 : i32
        %dma_start3A_652 = arith.constant 0 : i32
        %dma_start3A_653 = arith.constant 0 : i32
        %dma_start3A_654 = tpu.memref_slice %arg5[%dma_start3A_652, %dma_start3A_653] : memref<10000x64xf32, #tpu.memory_space<vmem_shared>> -> memref<10000x64xf32, #tpu.memory_space<vmem_shared>>
        tpu.enqueue_indirect_dma source(%dma_start3A_654 : memref<10000x64xf32, #tpu.memory_space<vmem_shared>>) target(%arg25 : memref<128x64xf32, #tpu.memory_space<vmem>>) offsets(%arg13 : memref<128xi32, #tpu.memory_space<vmem>>) semaphore(%arg48 : memref<!tpu.dma_semaphore, #tpu.memory_space<semaphore_mem>>)
      } else {
      }
      %add3A_474 = arith.constant 2 : i32
      %add3A_475 = arith.addi %mul3A_382, %add3A_474 : i32
      %lt3A_476 = arith.constant 39 : i32
      %lt3A_477 = arith.cmpi slt, %add3A_475, %lt3A_476 : i32
      %convert_element_type3A_478 = arith.extui %lt3A_477 : i1 to i32
      %cond3A_479 = arith.constant 0 : i32
      %cond3A_480 = arith.cmpi ne, %convert_element_type3A_478, %cond3A_479 : i32
      scf.if %cond3A_480 {
        %add3A_622 = arith.constant 8 : i32
        %add3A_623 = arith.addi %mul3A_384, %add3A_622 : i32
        %add3A_624 = arith.constant 2 : i32
        %add3A_625 = arith.addi %add3A_623, %add3A_624 : i32
        %mul3A_626 = arith.constant 128 : i32
        %mul3A_627 = arith.muli %add3A_625, %mul3A_626 : i32
        %add3A_628 = arith.addi %mul3A_2, %mul3A_627 : i32
        %dma_start3A_629 = arith.constant 0 : i32
        %dma_start3A_630 = tpu.memref_slice %arg2[%scan3A_301, %dma_start3A_629] : memref<2x640000xi32, #tpu.memory_space<hbm>> -> memref<1x640000xi32, #tpu.memory_space<hbm>>
        %dma_start3A_631 = tpu.memref_squeeze %dma_start3A_630 : memref<1x640000xi32, #tpu.memory_space<hbm>> -> memref<640000xi32, #tpu.memory_space<hbm>>
        %dma_start3A_632 = tpu.memref_slice %dma_start3A_631[%add3A_628] : memref<640000xi32, #tpu.memory_space<hbm>> -> memref<128xi32, #tpu.memory_space<hbm>>
        %dma_start3A_633 = arith.constant 0 : i32
        %dma_start3A_634 = tpu.memref_slice %arg2[%scan3A_301, %dma_start3A_633] : memref<2x640000xi32, #tpu.memory_space<hbm>> -> memref<1x640000xi32, #tpu.memory_space<hbm>>
        %dma_start3A_635 = tpu.memref_squeeze %dma_start3A_634 : memref<1x640000xi32, #tpu.memory_space<hbm>> -> memref<640000xi32, #tpu.memory_space<hbm>>
        %dma_start3A_636 = tpu.memref_slice %dma_start3A_635[%add3A_628] : memref<640000xi32, #tpu.memory_space<hbm>> -> memref<128xi32, #tpu.memory_space<hbm>>
        tpu.enqueue_dma source(%dma_start3A_636 : memref<128xi32, #tpu.memory_space<hbm>>) target(%arg9 : memref<128xi32, #tpu.memory_space<vmem>>) target_semaphore(%arg32 : memref<!tpu.dma_semaphore, #tpu.memory_space<semaphore_mem>>)
        %mul3A_637 = arith.constant 128 : i32
        %mul3A_638 = arith.muli %add3A_625, %mul3A_637 : i32
        %add3A_639 = arith.addi %mul3A_2, %mul3A_638 : i32
        %dma_start3A_640 = arith.constant 0 : i32
        %dma_start3A_641 = tpu.memref_slice %arg2[%scan3A_302, %dma_start3A_640] : memref<2x640000xi32, #tpu.memory_space<hbm>> -> memref<1x640000xi32, #tpu.memory_space<hbm>>
        %dma_start3A_642 = tpu.memref_squeeze %dma_start3A_641 : memref<1x640000xi32, #tpu.memory_space<hbm>> -> memref<640000xi32, #tpu.memory_space<hbm>>
        %dma_start3A_643 = tpu.memref_slice %dma_start3A_642[%add3A_639] : memref<640000xi32, #tpu.memory_space<hbm>> -> memref<128xi32, #tpu.memory_space<hbm>>
        %dma_start3A_644 = arith.constant 0 : i32
        %dma_start3A_645 = tpu.memref_slice %arg2[%scan3A_302, %dma_start3A_644] : memref<2x640000xi32, #tpu.memory_space<hbm>> -> memref<1x640000xi32, #tpu.memory_space<hbm>>
        %dma_start3A_646 = tpu.memref_squeeze %dma_start3A_645 : memref<1x640000xi32, #tpu.memory_space<hbm>> -> memref<640000xi32, #tpu.memory_space<hbm>>
        %dma_start3A_647 = tpu.memref_slice %dma_start3A_646[%add3A_639] : memref<640000xi32, #tpu.memory_space<hbm>> -> memref<128xi32, #tpu.memory_space<hbm>>
        tpu.enqueue_dma source(%dma_start3A_647 : memref<128xi32, #tpu.memory_space<hbm>>) target(%arg17 : memref<128xi32, #tpu.memory_space<vmem>>) target_semaphore(%arg40 : memref<!tpu.dma_semaphore, #tpu.memory_space<semaphore_mem>>)
      } else {
      }
      %add3A_481 = arith.constant 3 : i32
      %add3A_482 = arith.addi %mul3A_384, %add3A_481 : i32
      %dma_wait3A_483 = arith.constant 0 : i32
      %dma_wait3A_484 = arith.constant 0 : i32
      %dma_wait3A_485 = tpu.memref_slice %arg6[%dma_wait3A_483, %dma_wait3A_484] : memref<10008x64xf32, #tpu.memory_space<vmem_shared>> -> memref<10008x64xf32, #tpu.memory_space<vmem_shared>>
      tpu.wait_indirect_dma semaphore(%arg53 : memref<!tpu.dma_semaphore, #tpu.memory_space<semaphore_mem>>) src(%arg26 : memref<128x64xf32, #tpu.memory_space<vmem>>) dst(%dma_wait3A_485 : memref<10008x64xf32, #tpu.memory_space<vmem_shared>>)
      %add3A_486 = arith.constant 1 : i32
      %add3A_487 = arith.addi %mul3A_382, %add3A_486 : i32
      %lt3A_488 = arith.constant 39 : i32
      %lt3A_489 = arith.cmpi slt, %add3A_487, %lt3A_488 : i32
      %convert_element_type3A_490 = arith.extui %lt3A_489 : i1 to i32
      %cond3A_491 = arith.constant 0 : i32
      %cond3A_492 = arith.cmpi ne, %convert_element_type3A_490, %cond3A_491 : i32
      scf.if %cond3A_492 {
        %add3A_622 = arith.constant 4 : i32
        %add3A_623 = arith.addi %mul3A_384, %add3A_622 : i32
        %add3A_624 = arith.constant 3 : i32
        %add3A_625 = arith.addi %add3A_623, %add3A_624 : i32
        %mul3A_626 = arith.constant 128 : i32
        %mul3A_627 = arith.muli %add3A_625, %mul3A_626 : i32
        %add3A_628 = arith.addi %mul3A_2, %mul3A_627 : i32
        %dma_wait3A_629 = arith.constant 0 : i32
        %dma_wait3A_630 = tpu.memref_slice %arg2[%scan3A_301, %dma_wait3A_629] : memref<2x640000xi32, #tpu.memory_space<hbm>> -> memref<1x640000xi32, #tpu.memory_space<hbm>>
        %dma_wait3A_631 = tpu.memref_squeeze %dma_wait3A_630 : memref<1x640000xi32, #tpu.memory_space<hbm>> -> memref<640000xi32, #tpu.memory_space<hbm>>
        %dma_wait3A_632 = tpu.memref_slice %dma_wait3A_631[%add3A_628] : memref<640000xi32, #tpu.memory_space<hbm>> -> memref<128xi32, #tpu.memory_space<hbm>>
        %dma_wait3A_633 = arith.constant 0 : i32
        %dma_wait3A_634 = tpu.memref_slice %arg2[%scan3A_301, %dma_wait3A_633] : memref<2x640000xi32, #tpu.memory_space<hbm>> -> memref<1x640000xi32, #tpu.memory_space<hbm>>
        %dma_wait3A_635 = tpu.memref_squeeze %dma_wait3A_634 : memref<1x640000xi32, #tpu.memory_space<hbm>> -> memref<640000xi32, #tpu.memory_space<hbm>>
        %dma_wait3A_636 = tpu.memref_slice %dma_wait3A_635[%add3A_628] : memref<640000xi32, #tpu.memory_space<hbm>> -> memref<128xi32, #tpu.memory_space<hbm>>
        tpu.wait_dma2 semaphore(%arg37 : memref<!tpu.dma_semaphore, #tpu.memory_space<semaphore_mem>>) src(%dma_wait3A_636 : memref<128xi32, #tpu.memory_space<hbm>>) dst(%arg14 : memref<128xi32, #tpu.memory_space<vmem>>)
        %mul3A_637 = arith.constant 128 : i32
        %mul3A_638 = arith.muli %add3A_625, %mul3A_637 : i32
        %add3A_639 = arith.addi %mul3A_2, %mul3A_638 : i32
        %dma_wait3A_640 = arith.constant 0 : i32
        %dma_wait3A_641 = tpu.memref_slice %arg2[%scan3A_302, %dma_wait3A_640] : memref<2x640000xi32, #tpu.memory_space<hbm>> -> memref<1x640000xi32, #tpu.memory_space<hbm>>
        %dma_wait3A_642 = tpu.memref_squeeze %dma_wait3A_641 : memref<1x640000xi32, #tpu.memory_space<hbm>> -> memref<640000xi32, #tpu.memory_space<hbm>>
        %dma_wait3A_643 = tpu.memref_slice %dma_wait3A_642[%add3A_639] : memref<640000xi32, #tpu.memory_space<hbm>> -> memref<128xi32, #tpu.memory_space<hbm>>
        %dma_wait3A_644 = arith.constant 0 : i32
        %dma_wait3A_645 = tpu.memref_slice %arg2[%scan3A_302, %dma_wait3A_644] : memref<2x640000xi32, #tpu.memory_space<hbm>> -> memref<1x640000xi32, #tpu.memory_space<hbm>>
        %dma_wait3A_646 = tpu.memref_squeeze %dma_wait3A_645 : memref<1x640000xi32, #tpu.memory_space<hbm>> -> memref<640000xi32, #tpu.memory_space<hbm>>
        %dma_wait3A_647 = tpu.memref_slice %dma_wait3A_646[%add3A_639] : memref<640000xi32, #tpu.memory_space<hbm>> -> memref<128xi32, #tpu.memory_space<hbm>>
        tpu.wait_dma2 semaphore(%arg45 : memref<!tpu.dma_semaphore, #tpu.memory_space<semaphore_mem>>) src(%dma_wait3A_647 : memref<128xi32, #tpu.memory_space<hbm>>) dst(%arg22 : memref<128xi32, #tpu.memory_space<vmem>>)
        %add3A_648 = arith.constant 4 : i32
        %add3A_649 = arith.addi %mul3A_384, %add3A_648 : i32
        %add3A_650 = arith.constant 3 : i32
        %add3A_651 = arith.addi %add3A_649, %add3A_650 : i32
        %dma_start3A_652 = arith.constant 0 : i32
        %dma_start3A_653 = arith.constant 0 : i32
        %dma_start3A_654 = tpu.memref_slice %arg5[%dma_start3A_652, %dma_start3A_653] : memref<10000x64xf32, #tpu.memory_space<vmem_shared>> -> memref<10000x64xf32, #tpu.memory_space<vmem_shared>>
        tpu.enqueue_indirect_dma source(%dma_start3A_654 : memref<10000x64xf32, #tpu.memory_space<vmem_shared>>) target(%arg26 : memref<128x64xf32, #tpu.memory_space<vmem>>) offsets(%arg14 : memref<128xi32, #tpu.memory_space<vmem>>) semaphore(%arg49 : memref<!tpu.dma_semaphore, #tpu.memory_space<semaphore_mem>>)
      } else {
      }
      %add3A_493 = arith.constant 2 : i32
      %add3A_494 = arith.addi %mul3A_382, %add3A_493 : i32
      %lt3A_495 = arith.constant 39 : i32
      %lt3A_496 = arith.cmpi slt, %add3A_494, %lt3A_495 : i32
      %convert_element_type3A_497 = arith.extui %lt3A_496 : i1 to i32
      %cond3A_498 = arith.constant 0 : i32
      %cond3A_499 = arith.cmpi ne, %convert_element_type3A_497, %cond3A_498 : i32
      scf.if %cond3A_499 {
        %add3A_622 = arith.constant 8 : i32
        %add3A_623 = arith.addi %mul3A_384, %add3A_622 : i32
        %add3A_624 = arith.constant 3 : i32
        %add3A_625 = arith.addi %add3A_623, %add3A_624 : i32
        %mul3A_626 = arith.constant 128 : i32
        %mul3A_627 = arith.muli %add3A_625, %mul3A_626 : i32
        %add3A_628 = arith.addi %mul3A_2, %mul3A_627 : i32
        %dma_start3A_629 = arith.constant 0 : i32
        %dma_start3A_630 = tpu.memref_slice %arg2[%scan3A_301, %dma_start3A_629] : memref<2x640000xi32, #tpu.memory_space<hbm>> -> memref<1x640000xi32, #tpu.memory_space<hbm>>
        %dma_start3A_631 = tpu.memref_squeeze %dma_start3A_630 : memref<1x640000xi32, #tpu.memory_space<hbm>> -> memref<640000xi32, #tpu.memory_space<hbm>>
        %dma_start3A_632 = tpu.memref_slice %dma_start3A_631[%add3A_628] : memref<640000xi32, #tpu.memory_space<hbm>> -> memref<128xi32, #tpu.memory_space<hbm>>
        %dma_start3A_633 = arith.constant 0 : i32
        %dma_start3A_634 = tpu.memref_slice %arg2[%scan3A_301, %dma_start3A_633] : memref<2x640000xi32, #tpu.memory_space<hbm>> -> memref<1x640000xi32, #tpu.memory_space<hbm>>
        %dma_start3A_635 = tpu.memref_squeeze %dma_start3A_634 : memref<1x640000xi32, #tpu.memory_space<hbm>> -> memref<640000xi32, #tpu.memory_space<hbm>>
        %dma_start3A_636 = tpu.memref_slice %dma_start3A_635[%add3A_628] : memref<640000xi32, #tpu.memory_space<hbm>> -> memref<128xi32, #tpu.memory_space<hbm>>
        tpu.enqueue_dma source(%dma_start3A_636 : memref<128xi32, #tpu.memory_space<hbm>>) target(%arg10 : memref<128xi32, #tpu.memory_space<vmem>>) target_semaphore(%arg33 : memref<!tpu.dma_semaphore, #tpu.memory_space<semaphore_mem>>)
        %mul3A_637 = arith.constant 128 : i32
        %mul3A_638 = arith.muli %add3A_625, %mul3A_637 : i32
        %add3A_639 = arith.addi %mul3A_2, %mul3A_638 : i32
        %dma_start3A_640 = arith.constant 0 : i32
        %dma_start3A_641 = tpu.memref_slice %arg2[%scan3A_302, %dma_start3A_640] : memref<2x640000xi32, #tpu.memory_space<hbm>> -> memref<1x640000xi32, #tpu.memory_space<hbm>>
        %dma_start3A_642 = tpu.memref_squeeze %dma_start3A_641 : memref<1x640000xi32, #tpu.memory_space<hbm>> -> memref<640000xi32, #tpu.memory_space<hbm>>
        %dma_start3A_643 = tpu.memref_slice %dma_start3A_642[%add3A_639] : memref<640000xi32, #tpu.memory_space<hbm>> -> memref<128xi32, #tpu.memory_space<hbm>>
        %dma_start3A_644 = arith.constant 0 : i32
        %dma_start3A_645 = tpu.memref_slice %arg2[%scan3A_302, %dma_start3A_644] : memref<2x640000xi32, #tpu.memory_space<hbm>> -> memref<1x640000xi32, #tpu.memory_space<hbm>>
        %dma_start3A_646 = tpu.memref_squeeze %dma_start3A_645 : memref<1x640000xi32, #tpu.memory_space<hbm>> -> memref<640000xi32, #tpu.memory_space<hbm>>
        %dma_start3A_647 = tpu.memref_slice %dma_start3A_646[%add3A_639] : memref<640000xi32, #tpu.memory_space<hbm>> -> memref<128xi32, #tpu.memory_space<hbm>>
        tpu.enqueue_dma source(%dma_start3A_647 : memref<128xi32, #tpu.memory_space<hbm>>) target(%arg18 : memref<128xi32, #tpu.memory_space<vmem>>) target_semaphore(%arg41 : memref<!tpu.dma_semaphore, #tpu.memory_space<semaphore_mem>>)
      } else {
      }
      %mul3A_500 = arith.constant 2 : i32
      %mul3A_501 = arith.muli %mul3A_500, %scan3A_380 : i32
      %add3A_502 = arith.constant 1 : i32
      %add3A_503 = arith.addi %mul3A_501, %add3A_502 : i32
      %mul3A_504 = arith.constant 4 : i32
      %mul3A_505 = arith.muli %add3A_503, %mul3A_504 : i32
      %add3A_506 = arith.constant 0 : i32
      %add3A_507 = arith.addi %mul3A_505, %add3A_506 : i32
      %dma_wait3A_508 = arith.constant 0 : i32
      %dma_wait3A_509 = arith.constant 0 : i32
      %dma_wait3A_510 = tpu.memref_slice %arg5[%dma_wait3A_508, %dma_wait3A_509] : memref<10000x64xf32, #tpu.memory_space<vmem_shared>> -> memref<10000x64xf32, #tpu.memory_space<vmem_shared>>
      tpu.wait_indirect_dma semaphore(%arg46 : memref<!tpu.dma_semaphore, #tpu.memory_space<semaphore_mem>>) src(%dma_wait3A_510 : memref<10000x64xf32, #tpu.memory_space<vmem_shared>>) dst(%arg23 : memref<128x64xf32, #tpu.memory_space<vmem>>)
      %add3A_511 = arith.constant 0 : i32
      %add3A_512 = arith.addi %mul3A_505, %add3A_511 : i32
      %dma_start3A_513 = arith.constant 0 : i32
      %dma_start3A_514 = arith.constant 0 : i32
      %dma_start3A_515 = tpu.memref_slice %arg6[%dma_start3A_513, %dma_start3A_514] : memref<10008x64xf32, #tpu.memory_space<vmem_shared>> -> memref<10008x64xf32, #tpu.memory_space<vmem_shared>>
      tpu.enqueue_indirect_dma source(%arg23 : memref<128x64xf32, #tpu.memory_space<vmem>>) target(%dma_start3A_515 : memref<10008x64xf32, #tpu.memory_space<vmem_shared>>) offsets(%arg19 : memref<128xi32, #tpu.memory_space<vmem>>) semaphore(%arg50 : memref<!tpu.dma_semaphore, #tpu.memory_space<semaphore_mem>>) {add = true}
      %add3A_516 = arith.constant 1 : i32
      %add3A_517 = arith.addi %mul3A_505, %add3A_516 : i32
      %dma_wait3A_518 = arith.constant 0 : i32
      %dma_wait3A_519 = arith.constant 0 : i32
      %dma_wait3A_520 = tpu.memref_slice %arg5[%dma_wait3A_518, %dma_wait3A_519] : memref<10000x64xf32, #tpu.memory_space<vmem_shared>> -> memref<10000x64xf32, #tpu.memory_space<vmem_shared>>
      tpu.wait_indirect_dma semaphore(%arg47 : memref<!tpu.dma_semaphore, #tpu.memory_space<semaphore_mem>>) src(%dma_wait3A_520 : memref<10000x64xf32, #tpu.memory_space<vmem_shared>>) dst(%arg24 : memref<128x64xf32, #tpu.memory_space<vmem>>)
      %add3A_521 = arith.constant 1 : i32
      %add3A_522 = arith.addi %mul3A_505, %add3A_521 : i32
      %dma_start3A_523 = arith.constant 0 : i32
      %dma_start3A_524 = arith.constant 0 : i32
      %dma_start3A_525 = tpu.memref_slice %arg6[%dma_start3A_523, %dma_start3A_524] : memref<10008x64xf32, #tpu.memory_space<vmem_shared>> -> memref<10008x64xf32, #tpu.memory_space<vmem_shared>>
      tpu.enqueue_indirect_dma source(%arg24 : memref<128x64xf32, #tpu.memory_space<vmem>>) target(%dma_start3A_525 : memref<10008x64xf32, #tpu.memory_space<vmem_shared>>) offsets(%arg20 : memref<128xi32, #tpu.memory_space<vmem>>) semaphore(%arg51 : memref<!tpu.dma_semaphore, #tpu.memory_space<semaphore_mem>>) {add = true}
      %add3A_526 = arith.constant 2 : i32
      %add3A_527 = arith.addi %mul3A_505, %add3A_526 : i32
      %dma_wait3A_528 = arith.constant 0 : i32
      %dma_wait3A_529 = arith.constant 0 : i32
      %dma_wait3A_530 = tpu.memref_slice %arg5[%dma_wait3A_528, %dma_wait3A_529] : memref<10000x64xf32, #tpu.memory_space<vmem_shared>> -> memref<10000x64xf32, #tpu.memory_space<vmem_shared>>
      tpu.wait_indirect_dma semaphore(%arg48 : memref<!tpu.dma_semaphore, #tpu.memory_space<semaphore_mem>>) src(%dma_wait3A_530 : memref<10000x64xf32, #tpu.memory_space<vmem_shared>>) dst(%arg25 : memref<128x64xf32, #tpu.memory_space<vmem>>)
      %add3A_531 = arith.constant 2 : i32
      %add3A_532 = arith.addi %mul3A_505, %add3A_531 : i32
      %dma_start3A_533 = arith.constant 0 : i32
      %dma_start3A_534 = arith.constant 0 : i32
      %dma_start3A_535 = tpu.memref_slice %arg6[%dma_start3A_533, %dma_start3A_534] : memref<10008x64xf32, #tpu.memory_space<vmem_shared>> -> memref<10008x64xf32, #tpu.memory_space<vmem_shared>>
      tpu.enqueue_indirect_dma source(%arg25 : memref<128x64xf32, #tpu.memory_space<vmem>>) target(%dma_start3A_535 : memref<10008x64xf32, #tpu.memory_space<vmem_shared>>) offsets(%arg21 : memref<128xi32, #tpu.memory_space<vmem>>) semaphore(%arg52 : memref<!tpu.dma_semaphore, #tpu.memory_space<semaphore_mem>>) {add = true}
      %add3A_536 = arith.constant 3 : i32
      %add3A_537 = arith.addi %mul3A_505, %add3A_536 : i32
      %dma_wait3A_538 = arith.constant 0 : i32
      %dma_wait3A_539 = arith.constant 0 : i32
      %dma_wait3A_540 = tpu.memref_slice %arg5[%dma_wait3A_538, %dma_wait3A_539] : memref<10000x64xf32, #tpu.memory_space<vmem_shared>> -> memref<10000x64xf32, #tpu.memory_space<vmem_shared>>
      tpu.wait_indirect_dma semaphore(%arg49 : memref<!tpu.dma_semaphore, #tpu.memory_space<semaphore_mem>>) src(%dma_wait3A_540 : memref<10000x64xf32, #tpu.memory_space<vmem_shared>>) dst(%arg26 : memref<128x64xf32, #tpu.memory_space<vmem>>)
      %add3A_541 = arith.constant 3 : i32
      %add3A_542 = arith.addi %mul3A_505, %add3A_541 : i32
      %dma_start3A_543 = arith.constant 0 : i32
      %dma_start3A_544 = arith.constant 0 : i32
      %dma_start3A_545 = tpu.memref_slice %arg6[%dma_start3A_543, %dma_start3A_544] : memref<10008x64xf32, #tpu.memory_space<vmem_shared>> -> memref<10008x64xf32, #tpu.memory_space<vmem_shared>>
      tpu.enqueue_indirect_dma source(%arg26 : memref<128x64xf32, #tpu.memory_space<vmem>>) target(%dma_start3A_545 : memref<10008x64xf32, #tpu.memory_space<vmem_shared>>) offsets(%arg22 : memref<128xi32, #tpu.memory_space<vmem>>) semaphore(%arg53 : memref<!tpu.dma_semaphore, #tpu.memory_space<semaphore_mem>>) {add = true}
      %add3A_546 = arith.constant 0 : i32
      %add3A_547 = arith.addi %mul3A_505, %add3A_546 : i32
      %dma_wait3A_548 = arith.constant 0 : i32
      %dma_wait3A_549 = arith.constant 0 : i32
      %dma_wait3A_550 = tpu.memref_slice %arg6[%dma_wait3A_548, %dma_wait3A_549] : memref<10008x64xf32, #tpu.memory_space<vmem_shared>> -> memref<10008x64xf32, #tpu.memory_space<vmem_shared>>
      tpu.wait_indirect_dma semaphore(%arg50 : memref<!tpu.dma_semaphore, #tpu.memory_space<semaphore_mem>>) src(%arg23 : memref<128x64xf32, #tpu.memory_space<vmem>>) dst(%dma_wait3A_550 : memref<10008x64xf32, #tpu.memory_space<vmem_shared>>)
      %add3A_551 = arith.constant 1 : i32
      %add3A_552 = arith.addi %add3A_503, %add3A_551 : i32
      %lt3A_553 = arith.constant 39 : i32
      %lt3A_554 = arith.cmpi slt, %add3A_552, %lt3A_553 : i32
      %convert_element_type3A_555 = arith.extui %lt3A_554 : i1 to i32
      %cond3A_556 = arith.constant 0 : i32
      %cond3A_557 = arith.cmpi ne, %convert_element_type3A_555, %cond3A_556 : i32
      scf.if %cond3A_557 {
        %add3A_622 = arith.constant 4 : i32
        %add3A_623 = arith.addi %mul3A_505, %add3A_622 : i32
        %add3A_624 = arith.constant 0 : i32
        %add3A_625 = arith.addi %add3A_623, %add3A_624 : i32
        %mul3A_626 = arith.constant 128 : i32
        %mul3A_627 = arith.muli %add3A_625, %mul3A_626 : i32
        %add3A_628 = arith.addi %mul3A_2, %mul3A_627 : i32
        %dma_wait3A_629 = arith.constant 0 : i32
        %dma_wait3A_630 = tpu.memref_slice %arg2[%scan3A_301, %dma_wait3A_629] : memref<2x640000xi32, #tpu.memory_space<hbm>> -> memref<1x640000xi32, #tpu.memory_space<hbm>>
        %dma_wait3A_631 = tpu.memref_squeeze %dma_wait3A_630 : memref<1x640000xi32, #tpu.memory_space<hbm>> -> memref<640000xi32, #tpu.memory_space<hbm>>
        %dma_wait3A_632 = tpu.memref_slice %dma_wait3A_631[%add3A_628] : memref<640000xi32, #tpu.memory_space<hbm>> -> memref<128xi32, #tpu.memory_space<hbm>>
        %dma_wait3A_633 = arith.constant 0 : i32
        %dma_wait3A_634 = tpu.memref_slice %arg2[%scan3A_301, %dma_wait3A_633] : memref<2x640000xi32, #tpu.memory_space<hbm>> -> memref<1x640000xi32, #tpu.memory_space<hbm>>
        %dma_wait3A_635 = tpu.memref_squeeze %dma_wait3A_634 : memref<1x640000xi32, #tpu.memory_space<hbm>> -> memref<640000xi32, #tpu.memory_space<hbm>>
        %dma_wait3A_636 = tpu.memref_slice %dma_wait3A_635[%add3A_628] : memref<640000xi32, #tpu.memory_space<hbm>> -> memref<128xi32, #tpu.memory_space<hbm>>
        tpu.wait_dma2 semaphore(%arg30 : memref<!tpu.dma_semaphore, #tpu.memory_space<semaphore_mem>>) src(%dma_wait3A_636 : memref<128xi32, #tpu.memory_space<hbm>>) dst(%arg7 : memref<128xi32, #tpu.memory_space<vmem>>)
        %mul3A_637 = arith.constant 128 : i32
        %mul3A_638 = arith.muli %add3A_625, %mul3A_637 : i32
        %add3A_639 = arith.addi %mul3A_2, %mul3A_638 : i32
        %dma_wait3A_640 = arith.constant 0 : i32
        %dma_wait3A_641 = tpu.memref_slice %arg2[%scan3A_302, %dma_wait3A_640] : memref<2x640000xi32, #tpu.memory_space<hbm>> -> memref<1x640000xi32, #tpu.memory_space<hbm>>
        %dma_wait3A_642 = tpu.memref_squeeze %dma_wait3A_641 : memref<1x640000xi32, #tpu.memory_space<hbm>> -> memref<640000xi32, #tpu.memory_space<hbm>>
        %dma_wait3A_643 = tpu.memref_slice %dma_wait3A_642[%add3A_639] : memref<640000xi32, #tpu.memory_space<hbm>> -> memref<128xi32, #tpu.memory_space<hbm>>
        %dma_wait3A_644 = arith.constant 0 : i32
        %dma_wait3A_645 = tpu.memref_slice %arg2[%scan3A_302, %dma_wait3A_644] : memref<2x640000xi32, #tpu.memory_space<hbm>> -> memref<1x640000xi32, #tpu.memory_space<hbm>>
        %dma_wait3A_646 = tpu.memref_squeeze %dma_wait3A_645 : memref<1x640000xi32, #tpu.memory_space<hbm>> -> memref<640000xi32, #tpu.memory_space<hbm>>
        %dma_wait3A_647 = tpu.memref_slice %dma_wait3A_646[%add3A_639] : memref<640000xi32, #tpu.memory_space<hbm>> -> memref<128xi32, #tpu.memory_space<hbm>>
        tpu.wait_dma2 semaphore(%arg38 : memref<!tpu.dma_semaphore, #tpu.memory_space<semaphore_mem>>) src(%dma_wait3A_647 : memref<128xi32, #tpu.memory_space<hbm>>) dst(%arg15 : memref<128xi32, #tpu.memory_space<vmem>>)
        %add3A_648 = arith.constant 4 : i32
        %add3A_649 = arith.addi %mul3A_505, %add3A_648 : i32
        %add3A_650 = arith.constant 0 : i32
        %add3A_651 = arith.addi %add3A_649, %add3A_650 : i32
        %dma_start3A_652 = arith.constant 0 : i32
        %dma_start3A_653 = arith.constant 0 : i32
        %dma_start3A_654 = tpu.memref_slice %arg5[%dma_start3A_652, %dma_start3A_653] : memref<10000x64xf32, #tpu.memory_space<vmem_shared>> -> memref<10000x64xf32, #tpu.memory_space<vmem_shared>>
        tpu.enqueue_indirect_dma source(%dma_start3A_654 : memref<10000x64xf32, #tpu.memory_space<vmem_shared>>) target(%arg23 : memref<128x64xf32, #tpu.memory_space<vmem>>) offsets(%arg7 : memref<128xi32, #tpu.memory_space<vmem>>) semaphore(%arg46 : memref<!tpu.dma_semaphore, #tpu.memory_space<semaphore_mem>>)
      } else {
      }
      %add3A_558 = arith.constant 2 : i32
      %add3A_559 = arith.addi %add3A_503, %add3A_558 : i32
      %lt3A_560 = arith.constant 39 : i32
      %lt3A_561 = arith.cmpi slt, %add3A_559, %lt3A_560 : i32
      %convert_element_type3A_562 = arith.extui %lt3A_561 : i1 to i32
      %cond3A_563 = arith.constant 0 : i32
      %cond3A_564 = arith.cmpi ne, %convert_element_type3A_562, %cond3A_563 : i32
      scf.if %cond3A_564 {
        %add3A_622 = arith.constant 8 : i32
        %add3A_623 = arith.addi %mul3A_505, %add3A_622 : i32
        %add3A_624 = arith.constant 0 : i32
        %add3A_625 = arith.addi %add3A_623, %add3A_624 : i32
        %mul3A_626 = arith.constant 128 : i32
        %mul3A_627 = arith.muli %add3A_625, %mul3A_626 : i32
        %add3A_628 = arith.addi %mul3A_2, %mul3A_627 : i32
        %dma_start3A_629 = arith.constant 0 : i32
        %dma_start3A_630 = tpu.memref_slice %arg2[%scan3A_301, %dma_start3A_629] : memref<2x640000xi32, #tpu.memory_space<hbm>> -> memref<1x640000xi32, #tpu.memory_space<hbm>>
        %dma_start3A_631 = tpu.memref_squeeze %dma_start3A_630 : memref<1x640000xi32, #tpu.memory_space<hbm>> -> memref<640000xi32, #tpu.memory_space<hbm>>
        %dma_start3A_632 = tpu.memref_slice %dma_start3A_631[%add3A_628] : memref<640000xi32, #tpu.memory_space<hbm>> -> memref<128xi32, #tpu.memory_space<hbm>>
        %dma_start3A_633 = arith.constant 0 : i32
        %dma_start3A_634 = tpu.memref_slice %arg2[%scan3A_301, %dma_start3A_633] : memref<2x640000xi32, #tpu.memory_space<hbm>> -> memref<1x640000xi32, #tpu.memory_space<hbm>>
        %dma_start3A_635 = tpu.memref_squeeze %dma_start3A_634 : memref<1x640000xi32, #tpu.memory_space<hbm>> -> memref<640000xi32, #tpu.memory_space<hbm>>
        %dma_start3A_636 = tpu.memref_slice %dma_start3A_635[%add3A_628] : memref<640000xi32, #tpu.memory_space<hbm>> -> memref<128xi32, #tpu.memory_space<hbm>>
        tpu.enqueue_dma source(%dma_start3A_636 : memref<128xi32, #tpu.memory_space<hbm>>) target(%arg11 : memref<128xi32, #tpu.memory_space<vmem>>) target_semaphore(%arg34 : memref<!tpu.dma_semaphore, #tpu.memory_space<semaphore_mem>>)
        %mul3A_637 = arith.constant 128 : i32
        %mul3A_638 = arith.muli %add3A_625, %mul3A_637 : i32
        %add3A_639 = arith.addi %mul3A_2, %mul3A_638 : i32
        %dma_start3A_640 = arith.constant 0 : i32
        %dma_start3A_641 = tpu.memref_slice %arg2[%scan3A_302, %dma_start3A_640] : memref<2x640000xi32, #tpu.memory_space<hbm>> -> memref<1x640000xi32, #tpu.memory_space<hbm>>
        %dma_start3A_642 = tpu.memref_squeeze %dma_start3A_641 : memref<1x640000xi32, #tpu.memory_space<hbm>> -> memref<640000xi32, #tpu.memory_space<hbm>>
        %dma_start3A_643 = tpu.memref_slice %dma_start3A_642[%add3A_639] : memref<640000xi32, #tpu.memory_space<hbm>> -> memref<128xi32, #tpu.memory_space<hbm>>
        %dma_start3A_644 = arith.constant 0 : i32
        %dma_start3A_645 = tpu.memref_slice %arg2[%scan3A_302, %dma_start3A_644] : memref<2x640000xi32, #tpu.memory_space<hbm>> -> memref<1x640000xi32, #tpu.memory_space<hbm>>
        %dma_start3A_646 = tpu.memref_squeeze %dma_start3A_645 : memref<1x640000xi32, #tpu.memory_space<hbm>> -> memref<640000xi32, #tpu.memory_space<hbm>>
        %dma_start3A_647 = tpu.memref_slice %dma_start3A_646[%add3A_639] : memref<640000xi32, #tpu.memory_space<hbm>> -> memref<128xi32, #tpu.memory_space<hbm>>
        tpu.enqueue_dma source(%dma_start3A_647 : memref<128xi32, #tpu.memory_space<hbm>>) target(%arg19 : memref<128xi32, #tpu.memory_space<vmem>>) target_semaphore(%arg42 : memref<!tpu.dma_semaphore, #tpu.memory_space<semaphore_mem>>)
      } else {
      }
      %add3A_565 = arith.constant 1 : i32
      %add3A_566 = arith.addi %mul3A_505, %add3A_565 : i32
      %dma_wait3A_567 = arith.constant 0 : i32
      %dma_wait3A_568 = arith.constant 0 : i32
      %dma_wait3A_569 = tpu.memref_slice %arg6[%dma_wait3A_567, %dma_wait3A_568] : memref<10008x64xf32, #tpu.memory_space<vmem_shared>> -> memref<10008x64xf32, #tpu.memory_space<vmem_shared>>
      tpu.wait_indirect_dma semaphore(%arg51 : memref<!tpu.dma_semaphore, #tpu.memory_space<semaphore_mem>>) src(%arg24 : memref<128x64xf32, #tpu.memory_space<vmem>>) dst(%dma_wait3A_569 : memref<10008x64xf32, #tpu.memory_space<vmem_shared>>)
      %add3A_570 = arith.constant 1 : i32
      %add3A_571 = arith.addi %add3A_503, %add3A_570 : i32
      %lt3A_572 = arith.constant 39 : i32
      %lt3A_573 = arith.cmpi slt, %add3A_571, %lt3A_572 : i32
      %convert_element_type3A_574 = arith.extui %lt3A_573 : i1 to i32
      %cond3A_575 = arith.constant 0 : i32
      %cond3A_576 = arith.cmpi ne, %convert_element_type3A_574, %cond3A_575 : i32
      scf.if %cond3A_576 {
        %add3A_622 = arith.constant 4 : i32
        %add3A_623 = arith.addi %mul3A_505, %add3A_622 : i32
        %add3A_624 = arith.constant 1 : i32
        %add3A_625 = arith.addi %add3A_623, %add3A_624 : i32
        %mul3A_626 = arith.constant 128 : i32
        %mul3A_627 = arith.muli %add3A_625, %mul3A_626 : i32
        %add3A_628 = arith.addi %mul3A_2, %mul3A_627 : i32
        %dma_wait3A_629 = arith.constant 0 : i32
        %dma_wait3A_630 = tpu.memref_slice %arg2[%scan3A_301, %dma_wait3A_629] : memref<2x640000xi32, #tpu.memory_space<hbm>> -> memref<1x640000xi32, #tpu.memory_space<hbm>>
        %dma_wait3A_631 = tpu.memref_squeeze %dma_wait3A_630 : memref<1x640000xi32, #tpu.memory_space<hbm>> -> memref<640000xi32, #tpu.memory_space<hbm>>
        %dma_wait3A_632 = tpu.memref_slice %dma_wait3A_631[%add3A_628] : memref<640000xi32, #tpu.memory_space<hbm>> -> memref<128xi32, #tpu.memory_space<hbm>>
        %dma_wait3A_633 = arith.constant 0 : i32
        %dma_wait3A_634 = tpu.memref_slice %arg2[%scan3A_301, %dma_wait3A_633] : memref<2x640000xi32, #tpu.memory_space<hbm>> -> memref<1x640000xi32, #tpu.memory_space<hbm>>
        %dma_wait3A_635 = tpu.memref_squeeze %dma_wait3A_634 : memref<1x640000xi32, #tpu.memory_space<hbm>> -> memref<640000xi32, #tpu.memory_space<hbm>>
        %dma_wait3A_636 = tpu.memref_slice %dma_wait3A_635[%add3A_628] : memref<640000xi32, #tpu.memory_space<hbm>> -> memref<128xi32, #tpu.memory_space<hbm>>
        tpu.wait_dma2 semaphore(%arg31 : memref<!tpu.dma_semaphore, #tpu.memory_space<semaphore_mem>>) src(%dma_wait3A_636 : memref<128xi32, #tpu.memory_space<hbm>>) dst(%arg8 : memref<128xi32, #tpu.memory_space<vmem>>)
        %mul3A_637 = arith.constant 128 : i32
        %mul3A_638 = arith.muli %add3A_625, %mul3A_637 : i32
        %add3A_639 = arith.addi %mul3A_2, %mul3A_638 : i32
        %dma_wait3A_640 = arith.constant 0 : i32
        %dma_wait3A_641 = tpu.memref_slice %arg2[%scan3A_302, %dma_wait3A_640] : memref<2x640000xi32, #tpu.memory_space<hbm>> -> memref<1x640000xi32, #tpu.memory_space<hbm>>
        %dma_wait3A_642 = tpu.memref_squeeze %dma_wait3A_641 : memref<1x640000xi32, #tpu.memory_space<hbm>> -> memref<640000xi32, #tpu.memory_space<hbm>>
        %dma_wait3A_643 = tpu.memref_slice %dma_wait3A_642[%add3A_639] : memref<640000xi32, #tpu.memory_space<hbm>> -> memref<128xi32, #tpu.memory_space<hbm>>
        %dma_wait3A_644 = arith.constant 0 : i32
        %dma_wait3A_645 = tpu.memref_slice %arg2[%scan3A_302, %dma_wait3A_644] : memref<2x640000xi32, #tpu.memory_space<hbm>> -> memref<1x640000xi32, #tpu.memory_space<hbm>>
        %dma_wait3A_646 = tpu.memref_squeeze %dma_wait3A_645 : memref<1x640000xi32, #tpu.memory_space<hbm>> -> memref<640000xi32, #tpu.memory_space<hbm>>
        %dma_wait3A_647 = tpu.memref_slice %dma_wait3A_646[%add3A_639] : memref<640000xi32, #tpu.memory_space<hbm>> -> memref<128xi32, #tpu.memory_space<hbm>>
        tpu.wait_dma2 semaphore(%arg39 : memref<!tpu.dma_semaphore, #tpu.memory_space<semaphore_mem>>) src(%dma_wait3A_647 : memref<128xi32, #tpu.memory_space<hbm>>) dst(%arg16 : memref<128xi32, #tpu.memory_space<vmem>>)
        %add3A_648 = arith.constant 4 : i32
        %add3A_649 = arith.addi %mul3A_505, %add3A_648 : i32
        %add3A_650 = arith.constant 1 : i32
        %add3A_651 = arith.addi %add3A_649, %add3A_650 : i32
        %dma_start3A_652 = arith.constant 0 : i32
        %dma_start3A_653 = arith.constant 0 : i32
        %dma_start3A_654 = tpu.memref_slice %arg5[%dma_start3A_652, %dma_start3A_653] : memref<10000x64xf32, #tpu.memory_space<vmem_shared>> -> memref<10000x64xf32, #tpu.memory_space<vmem_shared>>
        tpu.enqueue_indirect_dma source(%dma_start3A_654 : memref<10000x64xf32, #tpu.memory_space<vmem_shared>>) target(%arg24 : memref<128x64xf32, #tpu.memory_space<vmem>>) offsets(%arg8 : memref<128xi32, #tpu.memory_space<vmem>>) semaphore(%arg47 : memref<!tpu.dma_semaphore, #tpu.memory_space<semaphore_mem>>)
      } else {
      }
      %add3A_577 = arith.constant 2 : i32
      %add3A_578 = arith.addi %add3A_503, %add3A_577 : i32
      %lt3A_579 = arith.constant 39 : i32
      %lt3A_580 = arith.cmpi slt, %add3A_578, %lt3A_579 : i32
      %convert_element_type3A_581 = arith.extui %lt3A_580 : i1 to i32
      %cond3A_582 = arith.constant 0 : i32
      %cond3A_583 = arith.cmpi ne, %convert_element_type3A_581, %cond3A_582 : i32
      scf.if %cond3A_583 {
        %add3A_622 = arith.constant 8 : i32
        %add3A_623 = arith.addi %mul3A_505, %add3A_622 : i32
        %add3A_624 = arith.constant 1 : i32
        %add3A_625 = arith.addi %add3A_623, %add3A_624 : i32
        %mul3A_626 = arith.constant 128 : i32
        %mul3A_627 = arith.muli %add3A_625, %mul3A_626 : i32
        %add3A_628 = arith.addi %mul3A_2, %mul3A_627 : i32
        %dma_start3A_629 = arith.constant 0 : i32
        %dma_start3A_630 = tpu.memref_slice %arg2[%scan3A_301, %dma_start3A_629] : memref<2x640000xi32, #tpu.memory_space<hbm>> -> memref<1x640000xi32, #tpu.memory_space<hbm>>
        %dma_start3A_631 = tpu.memref_squeeze %dma_start3A_630 : memref<1x640000xi32, #tpu.memory_space<hbm>> -> memref<640000xi32, #tpu.memory_space<hbm>>
        %dma_start3A_632 = tpu.memref_slice %dma_start3A_631[%add3A_628] : memref<640000xi32, #tpu.memory_space<hbm>> -> memref<128xi32, #tpu.memory_space<hbm>>
        %dma_start3A_633 = arith.constant 0 : i32
        %dma_start3A_634 = tpu.memref_slice %arg2[%scan3A_301, %dma_start3A_633] : memref<2x640000xi32, #tpu.memory_space<hbm>> -> memref<1x640000xi32, #tpu.memory_space<hbm>>
        %dma_start3A_635 = tpu.memref_squeeze %dma_start3A_634 : memref<1x640000xi32, #tpu.memory_space<hbm>> -> memref<640000xi32, #tpu.memory_space<hbm>>
        %dma_start3A_636 = tpu.memref_slice %dma_start3A_635[%add3A_628] : memref<640000xi32, #tpu.memory_space<hbm>> -> memref<128xi32, #tpu.memory_space<hbm>>
        tpu.enqueue_dma source(%dma_start3A_636 : memref<128xi32, #tpu.memory_space<hbm>>) target(%arg12 : memref<128xi32, #tpu.memory_space<vmem>>) target_semaphore(%arg35 : memref<!tpu.dma_semaphore, #tpu.memory_space<semaphore_mem>>)
        %mul3A_637 = arith.constant 128 : i32
        %mul3A_638 = arith.muli %add3A_625, %mul3A_637 : i32
        %add3A_639 = arith.addi %mul3A_2, %mul3A_638 : i32
        %dma_start3A_640 = arith.constant 0 : i32
        %dma_start3A_641 = tpu.memref_slice %arg2[%scan3A_302, %dma_start3A_640] : memref<2x640000xi32, #tpu.memory_space<hbm>> -> memref<1x640000xi32, #tpu.memory_space<hbm>>
        %dma_start3A_642 = tpu.memref_squeeze %dma_start3A_641 : memref<1x640000xi32, #tpu.memory_space<hbm>> -> memref<640000xi32, #tpu.memory_space<hbm>>
        %dma_start3A_643 = tpu.memref_slice %dma_start3A_642[%add3A_639] : memref<640000xi32, #tpu.memory_space<hbm>> -> memref<128xi32, #tpu.memory_space<hbm>>
        %dma_start3A_644 = arith.constant 0 : i32
        %dma_start3A_645 = tpu.memref_slice %arg2[%scan3A_302, %dma_start3A_644] : memref<2x640000xi32, #tpu.memory_space<hbm>> -> memref<1x640000xi32, #tpu.memory_space<hbm>>
        %dma_start3A_646 = tpu.memref_squeeze %dma_start3A_645 : memref<1x640000xi32, #tpu.memory_space<hbm>> -> memref<640000xi32, #tpu.memory_space<hbm>>
        %dma_start3A_647 = tpu.memref_slice %dma_start3A_646[%add3A_639] : memref<640000xi32, #tpu.memory_space<hbm>> -> memref<128xi32, #tpu.memory_space<hbm>>
        tpu.enqueue_dma source(%dma_start3A_647 : memref<128xi32, #tpu.memory_space<hbm>>) target(%arg20 : memref<128xi32, #tpu.memory_space<vmem>>) target_semaphore(%arg43 : memref<!tpu.dma_semaphore, #tpu.memory_space<semaphore_mem>>)
      } else {
      }
      %add3A_584 = arith.constant 2 : i32
      %add3A_585 = arith.addi %mul3A_505, %add3A_584 : i32
      %dma_wait3A_586 = arith.constant 0 : i32
      %dma_wait3A_587 = arith.constant 0 : i32
      %dma_wait3A_588 = tpu.memref_slice %arg6[%dma_wait3A_586, %dma_wait3A_587] : memref<10008x64xf32, #tpu.memory_space<vmem_shared>> -> memref<10008x64xf32, #tpu.memory_space<vmem_shared>>
      tpu.wait_indirect_dma semaphore(%arg52 : memref<!tpu.dma_semaphore, #tpu.memory_space<semaphore_mem>>) src(%arg25 : memref<128x64xf32, #tpu.memory_space<vmem>>) dst(%dma_wait3A_588 : memref<10008x64xf32, #tpu.memory_space<vmem_shared>>)
      %add3A_589 = arith.constant 1 : i32
      %add3A_590 = arith.addi %add3A_503, %add3A_589 : i32
      %lt3A_591 = arith.constant 39 : i32
      %lt3A_592 = arith.cmpi slt, %add3A_590, %lt3A_591 : i32
      %convert_element_type3A_593 = arith.extui %lt3A_592 : i1 to i32
      %cond3A_594 = arith.constant 0 : i32
      %cond3A_595 = arith.cmpi ne, %convert_element_type3A_593, %cond3A_594 : i32
      scf.if %cond3A_595 {
        %add3A_622 = arith.constant 4 : i32
        %add3A_623 = arith.addi %mul3A_505, %add3A_622 : i32
        %add3A_624 = arith.constant 2 : i32
        %add3A_625 = arith.addi %add3A_623, %add3A_624 : i32
        %mul3A_626 = arith.constant 128 : i32
        %mul3A_627 = arith.muli %add3A_625, %mul3A_626 : i32
        %add3A_628 = arith.addi %mul3A_2, %mul3A_627 : i32
        %dma_wait3A_629 = arith.constant 0 : i32
        %dma_wait3A_630 = tpu.memref_slice %arg2[%scan3A_301, %dma_wait3A_629] : memref<2x640000xi32, #tpu.memory_space<hbm>> -> memref<1x640000xi32, #tpu.memory_space<hbm>>
        %dma_wait3A_631 = tpu.memref_squeeze %dma_wait3A_630 : memref<1x640000xi32, #tpu.memory_space<hbm>> -> memref<640000xi32, #tpu.memory_space<hbm>>
        %dma_wait3A_632 = tpu.memref_slice %dma_wait3A_631[%add3A_628] : memref<640000xi32, #tpu.memory_space<hbm>> -> memref<128xi32, #tpu.memory_space<hbm>>
        %dma_wait3A_633 = arith.constant 0 : i32
        %dma_wait3A_634 = tpu.memref_slice %arg2[%scan3A_301, %dma_wait3A_633] : memref<2x640000xi32, #tpu.memory_space<hbm>> -> memref<1x640000xi32, #tpu.memory_space<hbm>>
        %dma_wait3A_635 = tpu.memref_squeeze %dma_wait3A_634 : memref<1x640000xi32, #tpu.memory_space<hbm>> -> memref<640000xi32, #tpu.memory_space<hbm>>
        %dma_wait3A_636 = tpu.memref_slice %dma_wait3A_635[%add3A_628] : memref<640000xi32, #tpu.memory_space<hbm>> -> memref<128xi32, #tpu.memory_space<hbm>>
        tpu.wait_dma2 semaphore(%arg32 : memref<!tpu.dma_semaphore, #tpu.memory_space<semaphore_mem>>) src(%dma_wait3A_636 : memref<128xi32, #tpu.memory_space<hbm>>) dst(%arg9 : memref<128xi32, #tpu.memory_space<vmem>>)
        %mul3A_637 = arith.constant 128 : i32
        %mul3A_638 = arith.muli %add3A_625, %mul3A_637 : i32
        %add3A_639 = arith.addi %mul3A_2, %mul3A_638 : i32
        %dma_wait3A_640 = arith.constant 0 : i32
        %dma_wait3A_641 = tpu.memref_slice %arg2[%scan3A_302, %dma_wait3A_640] : memref<2x640000xi32, #tpu.memory_space<hbm>> -> memref<1x640000xi32, #tpu.memory_space<hbm>>
        %dma_wait3A_642 = tpu.memref_squeeze %dma_wait3A_641 : memref<1x640000xi32, #tpu.memory_space<hbm>> -> memref<640000xi32, #tpu.memory_space<hbm>>
        %dma_wait3A_643 = tpu.memref_slice %dma_wait3A_642[%add3A_639] : memref<640000xi32, #tpu.memory_space<hbm>> -> memref<128xi32, #tpu.memory_space<hbm>>
        %dma_wait3A_644 = arith.constant 0 : i32
        %dma_wait3A_645 = tpu.memref_slice %arg2[%scan3A_302, %dma_wait3A_644] : memref<2x640000xi32, #tpu.memory_space<hbm>> -> memref<1x640000xi32, #tpu.memory_space<hbm>>
        %dma_wait3A_646 = tpu.memref_squeeze %dma_wait3A_645 : memref<1x640000xi32, #tpu.memory_space<hbm>> -> memref<640000xi32, #tpu.memory_space<hbm>>
        %dma_wait3A_647 = tpu.memref_slice %dma_wait3A_646[%add3A_639] : memref<640000xi32, #tpu.memory_space<hbm>> -> memref<128xi32, #tpu.memory_space<hbm>>
        tpu.wait_dma2 semaphore(%arg40 : memref<!tpu.dma_semaphore, #tpu.memory_space<semaphore_mem>>) src(%dma_wait3A_647 : memref<128xi32, #tpu.memory_space<hbm>>) dst(%arg17 : memref<128xi32, #tpu.memory_space<vmem>>)
        %add3A_648 = arith.constant 4 : i32
        %add3A_649 = arith.addi %mul3A_505, %add3A_648 : i32
        %add3A_650 = arith.constant 2 : i32
        %add3A_651 = arith.addi %add3A_649, %add3A_650 : i32
        %dma_start3A_652 = arith.constant 0 : i32
        %dma_start3A_653 = arith.constant 0 : i32
        %dma_start3A_654 = tpu.memref_slice %arg5[%dma_start3A_652, %dma_start3A_653] : memref<10000x64xf32, #tpu.memory_space<vmem_shared>> -> memref<10000x64xf32, #tpu.memory_space<vmem_shared>>
        tpu.enqueue_indirect_dma source(%dma_start3A_654 : memref<10000x64xf32, #tpu.memory_space<vmem_shared>>) target(%arg25 : memref<128x64xf32, #tpu.memory_space<vmem>>) offsets(%arg9 : memref<128xi32, #tpu.memory_space<vmem>>) semaphore(%arg48 : memref<!tpu.dma_semaphore, #tpu.memory_space<semaphore_mem>>)
      } else {
      }
      %add3A_596 = arith.constant 2 : i32
      %add3A_597 = arith.addi %add3A_503, %add3A_596 : i32
      %lt3A_598 = arith.constant 39 : i32
      %lt3A_599 = arith.cmpi slt, %add3A_597, %lt3A_598 : i32
      %convert_element_type3A_600 = arith.extui %lt3A_599 : i1 to i32
      %cond3A_601 = arith.constant 0 : i32
      %cond3A_602 = arith.cmpi ne, %convert_element_type3A_600, %cond3A_601 : i32
      scf.if %cond3A_602 {
        %add3A_622 = arith.constant 8 : i32
        %add3A_623 = arith.addi %mul3A_505, %add3A_622 : i32
        %add3A_624 = arith.constant 2 : i32
        %add3A_625 = arith.addi %add3A_623, %add3A_624 : i32
        %mul3A_626 = arith.constant 128 : i32
        %mul3A_627 = arith.muli %add3A_625, %mul3A_626 : i32
        %add3A_628 = arith.addi %mul3A_2, %mul3A_627 : i32
        %dma_start3A_629 = arith.constant 0 : i32
        %dma_start3A_630 = tpu.memref_slice %arg2[%scan3A_301, %dma_start3A_629] : memref<2x640000xi32, #tpu.memory_space<hbm>> -> memref<1x640000xi32, #tpu.memory_space<hbm>>
        %dma_start3A_631 = tpu.memref_squeeze %dma_start3A_630 : memref<1x640000xi32, #tpu.memory_space<hbm>> -> memref<640000xi32, #tpu.memory_space<hbm>>
        %dma_start3A_632 = tpu.memref_slice %dma_start3A_631[%add3A_628] : memref<640000xi32, #tpu.memory_space<hbm>> -> memref<128xi32, #tpu.memory_space<hbm>>
        %dma_start3A_633 = arith.constant 0 : i32
        %dma_start3A_634 = tpu.memref_slice %arg2[%scan3A_301, %dma_start3A_633] : memref<2x640000xi32, #tpu.memory_space<hbm>> -> memref<1x640000xi32, #tpu.memory_space<hbm>>
        %dma_start3A_635 = tpu.memref_squeeze %dma_start3A_634 : memref<1x640000xi32, #tpu.memory_space<hbm>> -> memref<640000xi32, #tpu.memory_space<hbm>>
        %dma_start3A_636 = tpu.memref_slice %dma_start3A_635[%add3A_628] : memref<640000xi32, #tpu.memory_space<hbm>> -> memref<128xi32, #tpu.memory_space<hbm>>
        tpu.enqueue_dma source(%dma_start3A_636 : memref<128xi32, #tpu.memory_space<hbm>>) target(%arg13 : memref<128xi32, #tpu.memory_space<vmem>>) target_semaphore(%arg36 : memref<!tpu.dma_semaphore, #tpu.memory_space<semaphore_mem>>)
        %mul3A_637 = arith.constant 128 : i32
        %mul3A_638 = arith.muli %add3A_625, %mul3A_637 : i32
        %add3A_639 = arith.addi %mul3A_2, %mul3A_638 : i32
        %dma_start3A_640 = arith.constant 0 : i32
        %dma_start3A_641 = tpu.memref_slice %arg2[%scan3A_302, %dma_start3A_640] : memref<2x640000xi32, #tpu.memory_space<hbm>> -> memref<1x640000xi32, #tpu.memory_space<hbm>>
        %dma_start3A_642 = tpu.memref_squeeze %dma_start3A_641 : memref<1x640000xi32, #tpu.memory_space<hbm>> -> memref<640000xi32, #tpu.memory_space<hbm>>
        %dma_start3A_643 = tpu.memref_slice %dma_start3A_642[%add3A_639] : memref<640000xi32, #tpu.memory_space<hbm>> -> memref<128xi32, #tpu.memory_space<hbm>>
        %dma_start3A_644 = arith.constant 0 : i32
        %dma_start3A_645 = tpu.memref_slice %arg2[%scan3A_302, %dma_start3A_644] : memref<2x640000xi32, #tpu.memory_space<hbm>> -> memref<1x640000xi32, #tpu.memory_space<hbm>>
        %dma_start3A_646 = tpu.memref_squeeze %dma_start3A_645 : memref<1x640000xi32, #tpu.memory_space<hbm>> -> memref<640000xi32, #tpu.memory_space<hbm>>
        %dma_start3A_647 = tpu.memref_slice %dma_start3A_646[%add3A_639] : memref<640000xi32, #tpu.memory_space<hbm>> -> memref<128xi32, #tpu.memory_space<hbm>>
        tpu.enqueue_dma source(%dma_start3A_647 : memref<128xi32, #tpu.memory_space<hbm>>) target(%arg21 : memref<128xi32, #tpu.memory_space<vmem>>) target_semaphore(%arg44 : memref<!tpu.dma_semaphore, #tpu.memory_space<semaphore_mem>>)
      } else {
      }
      %add3A_603 = arith.constant 3 : i32
      %add3A_604 = arith.addi %mul3A_505, %add3A_603 : i32
      %dma_wait3A_605 = arith.constant 0 : i32
      %dma_wait3A_606 = arith.constant 0 : i32
      %dma_wait3A_607 = tpu.memref_slice %arg6[%dma_wait3A_605, %dma_wait3A_606] : memref<10008x64xf32, #tpu.memory_space<vmem_shared>> -> memref<10008x64xf32, #tpu.memory_space<vmem_shared>>
      tpu.wait_indirect_dma semaphore(%arg53 : memref<!tpu.dma_semaphore, #tpu.memory_space<semaphore_mem>>) src(%arg26 : memref<128x64xf32, #tpu.memory_space<vmem>>) dst(%dma_wait3A_607 : memref<10008x64xf32, #tpu.memory_space<vmem_shared>>)
      %add3A_608 = arith.constant 1 : i32
      %add3A_609 = arith.addi %add3A_503, %add3A_608 : i32
      %lt3A_610 = arith.constant 39 : i32
      %lt3A_611 = arith.cmpi slt, %add3A_609, %lt3A_610 : i32
      %convert_element_type3A_612 = arith.extui %lt3A_611 : i1 to i32
      %cond3A_613 = arith.constant 0 : i32
      %cond3A_614 = arith.cmpi ne, %convert_element_type3A_612, %cond3A_613 : i32
      scf.if %cond3A_614 {
        %add3A_622 = arith.constant 4 : i32
        %add3A_623 = arith.addi %mul3A_505, %add3A_622 : i32
        %add3A_624 = arith.constant 3 : i32
        %add3A_625 = arith.addi %add3A_623, %add3A_624 : i32
        %mul3A_626 = arith.constant 128 : i32
        %mul3A_627 = arith.muli %add3A_625, %mul3A_626 : i32
        %add3A_628 = arith.addi %mul3A_2, %mul3A_627 : i32
        %dma_wait3A_629 = arith.constant 0 : i32
        %dma_wait3A_630 = tpu.memref_slice %arg2[%scan3A_301, %dma_wait3A_629] : memref<2x640000xi32, #tpu.memory_space<hbm>> -> memref<1x640000xi32, #tpu.memory_space<hbm>>
        %dma_wait3A_631 = tpu.memref_squeeze %dma_wait3A_630 : memref<1x640000xi32, #tpu.memory_space<hbm>> -> memref<640000xi32, #tpu.memory_space<hbm>>
        %dma_wait3A_632 = tpu.memref_slice %dma_wait3A_631[%add3A_628] : memref<640000xi32, #tpu.memory_space<hbm>> -> memref<128xi32, #tpu.memory_space<hbm>>
        %dma_wait3A_633 = arith.constant 0 : i32
        %dma_wait3A_634 = tpu.memref_slice %arg2[%scan3A_301, %dma_wait3A_633] : memref<2x640000xi32, #tpu.memory_space<hbm>> -> memref<1x640000xi32, #tpu.memory_space<hbm>>
        %dma_wait3A_635 = tpu.memref_squeeze %dma_wait3A_634 : memref<1x640000xi32, #tpu.memory_space<hbm>> -> memref<640000xi32, #tpu.memory_space<hbm>>
        %dma_wait3A_636 = tpu.memref_slice %dma_wait3A_635[%add3A_628] : memref<640000xi32, #tpu.memory_space<hbm>> -> memref<128xi32, #tpu.memory_space<hbm>>
        tpu.wait_dma2 semaphore(%arg33 : memref<!tpu.dma_semaphore, #tpu.memory_space<semaphore_mem>>) src(%dma_wait3A_636 : memref<128xi32, #tpu.memory_space<hbm>>) dst(%arg10 : memref<128xi32, #tpu.memory_space<vmem>>)
        %mul3A_637 = arith.constant 128 : i32
        %mul3A_638 = arith.muli %add3A_625, %mul3A_637 : i32
        %add3A_639 = arith.addi %mul3A_2, %mul3A_638 : i32
        %dma_wait3A_640 = arith.constant 0 : i32
        %dma_wait3A_641 = tpu.memref_slice %arg2[%scan3A_302, %dma_wait3A_640] : memref<2x640000xi32, #tpu.memory_space<hbm>> -> memref<1x640000xi32, #tpu.memory_space<hbm>>
        %dma_wait3A_642 = tpu.memref_squeeze %dma_wait3A_641 : memref<1x640000xi32, #tpu.memory_space<hbm>> -> memref<640000xi32, #tpu.memory_space<hbm>>
        %dma_wait3A_643 = tpu.memref_slice %dma_wait3A_642[%add3A_639] : memref<640000xi32, #tpu.memory_space<hbm>> -> memref<128xi32, #tpu.memory_space<hbm>>
        %dma_wait3A_644 = arith.constant 0 : i32
        %dma_wait3A_645 = tpu.memref_slice %arg2[%scan3A_302, %dma_wait3A_644] : memref<2x640000xi32, #tpu.memory_space<hbm>> -> memref<1x640000xi32, #tpu.memory_space<hbm>>
        %dma_wait3A_646 = tpu.memref_squeeze %dma_wait3A_645 : memref<1x640000xi32, #tpu.memory_space<hbm>> -> memref<640000xi32, #tpu.memory_space<hbm>>
        %dma_wait3A_647 = tpu.memref_slice %dma_wait3A_646[%add3A_639] : memref<640000xi32, #tpu.memory_space<hbm>> -> memref<128xi32, #tpu.memory_space<hbm>>
        tpu.wait_dma2 semaphore(%arg41 : memref<!tpu.dma_semaphore, #tpu.memory_space<semaphore_mem>>) src(%dma_wait3A_647 : memref<128xi32, #tpu.memory_space<hbm>>) dst(%arg18 : memref<128xi32, #tpu.memory_space<vmem>>)
        %add3A_648 = arith.constant 4 : i32
        %add3A_649 = arith.addi %mul3A_505, %add3A_648 : i32
        %add3A_650 = arith.constant 3 : i32
        %add3A_651 = arith.addi %add3A_649, %add3A_650 : i32
        %dma_start3A_652 = arith.constant 0 : i32
        %dma_start3A_653 = arith.constant 0 : i32
        %dma_start3A_654 = tpu.memref_slice %arg5[%dma_start3A_652, %dma_start3A_653] : memref<10000x64xf32, #tpu.memory_space<vmem_shared>> -> memref<10000x64xf32, #tpu.memory_space<vmem_shared>>
        tpu.enqueue_indirect_dma source(%dma_start3A_654 : memref<10000x64xf32, #tpu.memory_space<vmem_shared>>) target(%arg26 : memref<128x64xf32, #tpu.memory_space<vmem>>) offsets(%arg10 : memref<128xi32, #tpu.memory_space<vmem>>) semaphore(%arg49 : memref<!tpu.dma_semaphore, #tpu.memory_space<semaphore_mem>>)
      } else {
      }
      %add3A_615 = arith.constant 2 : i32
      %add3A_616 = arith.addi %add3A_503, %add3A_615 : i32
      %lt3A_617 = arith.constant 39 : i32
      %lt3A_618 = arith.cmpi slt, %add3A_616, %lt3A_617 : i32
      %convert_element_type3A_619 = arith.extui %lt3A_618 : i1 to i32
      %cond3A_620 = arith.constant 0 : i32
      %cond3A_621 = arith.cmpi ne, %convert_element_type3A_619, %cond3A_620 : i32
      scf.if %cond3A_621 {
        %add3A_622 = arith.constant 8 : i32
        %add3A_623 = arith.addi %mul3A_505, %add3A_622 : i32
        %add3A_624 = arith.constant 3 : i32
        %add3A_625 = arith.addi %add3A_623, %add3A_624 : i32
        %mul3A_626 = arith.constant 128 : i32
        %mul3A_627 = arith.muli %add3A_625, %mul3A_626 : i32
        %add3A_628 = arith.addi %mul3A_2, %mul3A_627 : i32
        %dma_start3A_629 = arith.constant 0 : i32
        %dma_start3A_630 = tpu.memref_slice %arg2[%scan3A_301, %dma_start3A_629] : memref<2x640000xi32, #tpu.memory_space<hbm>> -> memref<1x640000xi32, #tpu.memory_space<hbm>>
        %dma_start3A_631 = tpu.memref_squeeze %dma_start3A_630 : memref<1x640000xi32, #tpu.memory_space<hbm>> -> memref<640000xi32, #tpu.memory_space<hbm>>
        %dma_start3A_632 = tpu.memref_slice %dma_start3A_631[%add3A_628] : memref<640000xi32, #tpu.memory_space<hbm>> -> memref<128xi32, #tpu.memory_space<hbm>>
        %dma_start3A_633 = arith.constant 0 : i32
        %dma_start3A_634 = tpu.memref_slice %arg2[%scan3A_301, %dma_start3A_633] : memref<2x640000xi32, #tpu.memory_space<hbm>> -> memref<1x640000xi32, #tpu.memory_space<hbm>>
        %dma_start3A_635 = tpu.memref_squeeze %dma_start3A_634 : memref<1x640000xi32, #tpu.memory_space<hbm>> -> memref<640000xi32, #tpu.memory_space<hbm>>
        %dma_start3A_636 = tpu.memref_slice %dma_start3A_635[%add3A_628] : memref<640000xi32, #tpu.memory_space<hbm>> -> memref<128xi32, #tpu.memory_space<hbm>>
        tpu.enqueue_dma source(%dma_start3A_636 : memref<128xi32, #tpu.memory_space<hbm>>) target(%arg14 : memref<128xi32, #tpu.memory_space<vmem>>) target_semaphore(%arg37 : memref<!tpu.dma_semaphore, #tpu.memory_space<semaphore_mem>>)
        %mul3A_637 = arith.constant 128 : i32
        %mul3A_638 = arith.muli %add3A_625, %mul3A_637 : i32
        %add3A_639 = arith.addi %mul3A_2, %mul3A_638 : i32
        %dma_start3A_640 = arith.constant 0 : i32
        %dma_start3A_641 = tpu.memref_slice %arg2[%scan3A_302, %dma_start3A_640] : memref<2x640000xi32, #tpu.memory_space<hbm>> -> memref<1x640000xi32, #tpu.memory_space<hbm>>
        %dma_start3A_642 = tpu.memref_squeeze %dma_start3A_641 : memref<1x640000xi32, #tpu.memory_space<hbm>> -> memref<640000xi32, #tpu.memory_space<hbm>>
        %dma_start3A_643 = tpu.memref_slice %dma_start3A_642[%add3A_639] : memref<640000xi32, #tpu.memory_space<hbm>> -> memref<128xi32, #tpu.memory_space<hbm>>
        %dma_start3A_644 = arith.constant 0 : i32
        %dma_start3A_645 = tpu.memref_slice %arg2[%scan3A_302, %dma_start3A_644] : memref<2x640000xi32, #tpu.memory_space<hbm>> -> memref<1x640000xi32, #tpu.memory_space<hbm>>
        %dma_start3A_646 = tpu.memref_squeeze %dma_start3A_645 : memref<1x640000xi32, #tpu.memory_space<hbm>> -> memref<640000xi32, #tpu.memory_space<hbm>>
        %dma_start3A_647 = tpu.memref_slice %dma_start3A_646[%add3A_639] : memref<640000xi32, #tpu.memory_space<hbm>> -> memref<128xi32, #tpu.memory_space<hbm>>
        tpu.enqueue_dma source(%dma_start3A_647 : memref<128xi32, #tpu.memory_space<hbm>>) target(%arg22 : memref<128xi32, #tpu.memory_space<vmem>>) target_semaphore(%arg45 : memref<!tpu.dma_semaphore, #tpu.memory_space<semaphore_mem>>)
      } else {
      }
    }
    %scan3A_307 = arith.constant 19 : i32
    %dma_wait3A_308 = arith.constant 0 : i32
    %dma_wait3A_309 = arith.constant 0 : i32
    %dma_wait3A_310 = tpu.memref_slice %arg5[%dma_wait3A_308, %dma_wait3A_309] : memref<10000x64xf32, #tpu.memory_space<vmem_shared>> -> memref<10000x64xf32, #tpu.memory_space<vmem_shared>>
    tpu.wait_indirect_dma semaphore(%arg46 : memref<!tpu.dma_semaphore, #tpu.memory_space<semaphore_mem>>) src(%dma_wait3A_310 : memref<10000x64xf32, #tpu.memory_space<vmem_shared>>) dst(%arg23 : memref<128x64xf32, #tpu.memory_space<vmem>>)
    %dma_start3A_311 = arith.constant 0 : i32
    %dma_start3A_312 = arith.constant 0 : i32
    %dma_start3A_313 = tpu.memref_slice %arg6[%dma_start3A_311, %dma_start3A_312] : memref<10008x64xf32, #tpu.memory_space<vmem_shared>> -> memref<10008x64xf32, #tpu.memory_space<vmem_shared>>
    tpu.enqueue_indirect_dma source(%arg23 : memref<128x64xf32, #tpu.memory_space<vmem>>) target(%dma_start3A_313 : memref<10008x64xf32, #tpu.memory_space<vmem_shared>>) offsets(%arg15 : memref<128xi32, #tpu.memory_space<vmem>>) semaphore(%arg50 : memref<!tpu.dma_semaphore, #tpu.memory_space<semaphore_mem>>) {add = true}
    %dma_wait3A_314 = arith.constant 0 : i32
    %dma_wait3A_315 = arith.constant 0 : i32
    %dma_wait3A_316 = tpu.memref_slice %arg5[%dma_wait3A_314, %dma_wait3A_315] : memref<10000x64xf32, #tpu.memory_space<vmem_shared>> -> memref<10000x64xf32, #tpu.memory_space<vmem_shared>>
    tpu.wait_indirect_dma semaphore(%arg47 : memref<!tpu.dma_semaphore, #tpu.memory_space<semaphore_mem>>) src(%dma_wait3A_316 : memref<10000x64xf32, #tpu.memory_space<vmem_shared>>) dst(%arg24 : memref<128x64xf32, #tpu.memory_space<vmem>>)
    %dma_start3A_317 = arith.constant 0 : i32
    %dma_start3A_318 = arith.constant 0 : i32
    %dma_start3A_319 = tpu.memref_slice %arg6[%dma_start3A_317, %dma_start3A_318] : memref<10008x64xf32, #tpu.memory_space<vmem_shared>> -> memref<10008x64xf32, #tpu.memory_space<vmem_shared>>
    tpu.enqueue_indirect_dma source(%arg24 : memref<128x64xf32, #tpu.memory_space<vmem>>) target(%dma_start3A_319 : memref<10008x64xf32, #tpu.memory_space<vmem_shared>>) offsets(%arg16 : memref<128xi32, #tpu.memory_space<vmem>>) semaphore(%arg51 : memref<!tpu.dma_semaphore, #tpu.memory_space<semaphore_mem>>) {add = true}
    %dma_wait3A_320 = arith.constant 0 : i32
    %dma_wait3A_321 = arith.constant 0 : i32
    %dma_wait3A_322 = tpu.memref_slice %arg5[%dma_wait3A_320, %dma_wait3A_321] : memref<10000x64xf32, #tpu.memory_space<vmem_shared>> -> memref<10000x64xf32, #tpu.memory_space<vmem_shared>>
    tpu.wait_indirect_dma semaphore(%arg48 : memref<!tpu.dma_semaphore, #tpu.memory_space<semaphore_mem>>) src(%dma_wait3A_322 : memref<10000x64xf32, #tpu.memory_space<vmem_shared>>) dst(%arg25 : memref<128x64xf32, #tpu.memory_space<vmem>>)
    %dma_start3A_323 = arith.constant 0 : i32
    %dma_start3A_324 = arith.constant 0 : i32
    %dma_start3A_325 = tpu.memref_slice %arg6[%dma_start3A_323, %dma_start3A_324] : memref<10008x64xf32, #tpu.memory_space<vmem_shared>> -> memref<10008x64xf32, #tpu.memory_space<vmem_shared>>
    tpu.enqueue_indirect_dma source(%arg25 : memref<128x64xf32, #tpu.memory_space<vmem>>) target(%dma_start3A_325 : memref<10008x64xf32, #tpu.memory_space<vmem_shared>>) offsets(%arg17 : memref<128xi32, #tpu.memory_space<vmem>>) semaphore(%arg52 : memref<!tpu.dma_semaphore, #tpu.memory_space<semaphore_mem>>) {add = true}
    %dma_wait3A_326 = arith.constant 0 : i32
    %dma_wait3A_327 = arith.constant 0 : i32
    %dma_wait3A_328 = tpu.memref_slice %arg5[%dma_wait3A_326, %dma_wait3A_327] : memref<10000x64xf32, #tpu.memory_space<vmem_shared>> -> memref<10000x64xf32, #tpu.memory_space<vmem_shared>>
    tpu.wait_indirect_dma semaphore(%arg49 : memref<!tpu.dma_semaphore, #tpu.memory_space<semaphore_mem>>) src(%dma_wait3A_328 : memref<10000x64xf32, #tpu.memory_space<vmem_shared>>) dst(%arg26 : memref<128x64xf32, #tpu.memory_space<vmem>>)
    %dma_start3A_329 = arith.constant 0 : i32
    %dma_start3A_330 = arith.constant 0 : i32
    %dma_start3A_331 = tpu.memref_slice %arg6[%dma_start3A_329, %dma_start3A_330] : memref<10008x64xf32, #tpu.memory_space<vmem_shared>> -> memref<10008x64xf32, #tpu.memory_space<vmem_shared>>
    tpu.enqueue_indirect_dma source(%arg26 : memref<128x64xf32, #tpu.memory_space<vmem>>) target(%dma_start3A_331 : memref<10008x64xf32, #tpu.memory_space<vmem_shared>>) offsets(%arg18 : memref<128xi32, #tpu.memory_space<vmem>>) semaphore(%arg53 : memref<!tpu.dma_semaphore, #tpu.memory_space<semaphore_mem>>) {add = true}
    %dma_wait3A_332 = arith.constant 0 : i32
    %dma_wait3A_333 = arith.constant 0 : i32
    %dma_wait3A_334 = tpu.memref_slice %arg6[%dma_wait3A_332, %dma_wait3A_333] : memref<10008x64xf32, #tpu.memory_space<vmem_shared>> -> memref<10008x64xf32, #tpu.memory_space<vmem_shared>>
    tpu.wait_indirect_dma semaphore(%arg50 : memref<!tpu.dma_semaphore, #tpu.memory_space<semaphore_mem>>) src(%arg23 : memref<128x64xf32, #tpu.memory_space<vmem>>) dst(%dma_wait3A_334 : memref<10008x64xf32, #tpu.memory_space<vmem_shared>>)
    %dma_wait3A_335 = arith.constant 0 : i32
    %dma_wait3A_336 = arith.constant 0 : i32
    %dma_wait3A_337 = tpu.memref_slice %arg6[%dma_wait3A_335, %dma_wait3A_336] : memref<10008x64xf32, #tpu.memory_space<vmem_shared>> -> memref<10008x64xf32, #tpu.memory_space<vmem_shared>>
    tpu.wait_indirect_dma semaphore(%arg51 : memref<!tpu.dma_semaphore, #tpu.memory_space<semaphore_mem>>) src(%arg24 : memref<128x64xf32, #tpu.memory_space<vmem>>) dst(%dma_wait3A_337 : memref<10008x64xf32, #tpu.memory_space<vmem_shared>>)
    %dma_wait3A_338 = arith.constant 0 : i32
    %dma_wait3A_339 = arith.constant 0 : i32
    %dma_wait3A_340 = tpu.memref_slice %arg6[%dma_wait3A_338, %dma_wait3A_339] : memref<10008x64xf32, #tpu.memory_space<vmem_shared>> -> memref<10008x64xf32, #tpu.memory_space<vmem_shared>>
    tpu.wait_indirect_dma semaphore(%arg52 : memref<!tpu.dma_semaphore, #tpu.memory_space<semaphore_mem>>) src(%arg25 : memref<128x64xf32, #tpu.memory_space<vmem>>) dst(%dma_wait3A_340 : memref<10008x64xf32, #tpu.memory_space<vmem_shared>>)
    %dma_wait3A_341 = arith.constant 0 : i32
    %dma_wait3A_342 = arith.constant 0 : i32
    %dma_wait3A_343 = tpu.memref_slice %arg6[%dma_wait3A_341, %dma_wait3A_342] : memref<10008x64xf32, #tpu.memory_space<vmem_shared>> -> memref<10008x64xf32, #tpu.memory_space<vmem_shared>>
    tpu.wait_indirect_dma semaphore(%arg53 : memref<!tpu.dma_semaphore, #tpu.memory_space<semaphore_mem>>) src(%arg26 : memref<128x64xf32, #tpu.memory_space<vmem>>) dst(%dma_wait3A_343 : memref<10008x64xf32, #tpu.memory_space<vmem_shared>>)
    %dma_wait3A_344 = arith.constant 0 : i32
    %dma_wait3A_345 = arith.constant 0 : i32
    %dma_wait3A_346 = tpu.memref_slice %arg2[%dma_wait3A_344, %dma_wait3A_345] : memref<2x640000xi32, #tpu.memory_space<hbm>> -> memref<1x640000xi32, #tpu.memory_space<hbm>>
    %dma_wait3A_347 = tpu.memref_squeeze %dma_wait3A_346 : memref<1x640000xi32, #tpu.memory_space<hbm>> -> memref<640000xi32, #tpu.memory_space<hbm>>
    %dma_wait3A_348 = tpu.memref_slice %dma_wait3A_347[%add3A_181] : memref<640000xi32, #tpu.memory_space<hbm>> -> memref<32xi32, #tpu.memory_space<hbm>>
    %dma_wait3A_349 = arith.constant 0 : i32
    %dma_wait3A_350 = tpu.memref_slice %arg2[%dma_wait3A_344, %dma_wait3A_349] : memref<2x640000xi32, #tpu.memory_space<hbm>> -> memref<1x640000xi32, #tpu.memory_space<hbm>>
    %dma_wait3A_351 = tpu.memref_squeeze %dma_wait3A_350 : memref<1x640000xi32, #tpu.memory_space<hbm>> -> memref<640000xi32, #tpu.memory_space<hbm>>
    %dma_wait3A_352 = tpu.memref_slice %dma_wait3A_351[%add3A_181] : memref<640000xi32, #tpu.memory_space<hbm>> -> memref<32xi32, #tpu.memory_space<hbm>>
    tpu.wait_dma2 semaphore(%arg54 : memref<!tpu.dma_semaphore, #tpu.memory_space<semaphore_mem>>) src(%dma_wait3A_352 : memref<32xi32, #tpu.memory_space<hbm>>) dst(%arg27 : memref<32xi32, #tpu.memory_space<vmem>>)
    %dma_wait3A_353 = arith.constant 1 : i32
    %dma_wait3A_354 = arith.constant 0 : i32
    %dma_wait3A_355 = tpu.memref_slice %arg2[%dma_wait3A_353, %dma_wait3A_354] : memref<2x640000xi32, #tpu.memory_space<hbm>> -> memref<1x640000xi32, #tpu.memory_space<hbm>>
    %dma_wait3A_356 = tpu.memref_squeeze %dma_wait3A_355 : memref<1x640000xi32, #tpu.memory_space<hbm>> -> memref<640000xi32, #tpu.memory_space<hbm>>
    %dma_wait3A_357 = tpu.memref_slice %dma_wait3A_356[%add3A_181] : memref<640000xi32, #tpu.memory_space<hbm>> -> memref<32xi32, #tpu.memory_space<hbm>>
    %dma_wait3A_358 = arith.constant 0 : i32
    %dma_wait3A_359 = tpu.memref_slice %arg2[%dma_wait3A_353, %dma_wait3A_358] : memref<2x640000xi32, #tpu.memory_space<hbm>> -> memref<1x640000xi32, #tpu.memory_space<hbm>>
    %dma_wait3A_360 = tpu.memref_squeeze %dma_wait3A_359 : memref<1x640000xi32, #tpu.memory_space<hbm>> -> memref<640000xi32, #tpu.memory_space<hbm>>
    %dma_wait3A_361 = tpu.memref_slice %dma_wait3A_360[%add3A_181] : memref<640000xi32, #tpu.memory_space<hbm>> -> memref<32xi32, #tpu.memory_space<hbm>>
    tpu.wait_dma2 semaphore(%arg54 : memref<!tpu.dma_semaphore, #tpu.memory_space<semaphore_mem>>) src(%dma_wait3A_361 : memref<32xi32, #tpu.memory_space<hbm>>) dst(%arg28 : memref<32xi32, #tpu.memory_space<vmem>>)
    %dma_start3A_362 = arith.constant 0 : i32
    %dma_start3A_363 = arith.constant 0 : i32
    %dma_start3A_364 = tpu.memref_slice %arg5[%dma_start3A_362, %dma_start3A_363] : memref<10000x64xf32, #tpu.memory_space<vmem_shared>> -> memref<10000x64xf32, #tpu.memory_space<vmem_shared>>
    tpu.enqueue_indirect_dma source(%dma_start3A_364 : memref<10000x64xf32, #tpu.memory_space<vmem_shared>>) target(%arg29 : memref<32x64xf32, #tpu.memory_space<vmem>>) offsets(%arg27 : memref<32xi32, #tpu.memory_space<vmem>>) semaphore(%arg54 : memref<!tpu.dma_semaphore, #tpu.memory_space<semaphore_mem>>)
    %dma_wait3A_365 = arith.constant 0 : i32
    %dma_wait3A_366 = arith.constant 0 : i32
    %dma_wait3A_367 = tpu.memref_slice %arg5[%dma_wait3A_365, %dma_wait3A_366] : memref<10000x64xf32, #tpu.memory_space<vmem_shared>> -> memref<10000x64xf32, #tpu.memory_space<vmem_shared>>
    tpu.wait_indirect_dma semaphore(%arg54 : memref<!tpu.dma_semaphore, #tpu.memory_space<semaphore_mem>>) src(%dma_wait3A_367 : memref<10000x64xf32, #tpu.memory_space<vmem_shared>>) dst(%arg29 : memref<32x64xf32, #tpu.memory_space<vmem>>)
    %dma_start3A_368 = arith.constant 0 : i32
    %dma_start3A_369 = arith.constant 0 : i32
    %dma_start3A_370 = tpu.memref_slice %arg6[%dma_start3A_368, %dma_start3A_369] : memref<10008x64xf32, #tpu.memory_space<vmem_shared>> -> memref<10008x64xf32, #tpu.memory_space<vmem_shared>>
    tpu.enqueue_indirect_dma source(%arg29 : memref<32x64xf32, #tpu.memory_space<vmem>>) target(%dma_start3A_370 : memref<10008x64xf32, #tpu.memory_space<vmem_shared>>) offsets(%arg28 : memref<32xi32, #tpu.memory_space<vmem>>) semaphore(%arg54 : memref<!tpu.dma_semaphore, #tpu.memory_space<semaphore_mem>>) {add = true}
    %dma_wait3A_371 = arith.constant 0 : i32
    %dma_wait3A_372 = arith.constant 0 : i32
    %dma_wait3A_373 = tpu.memref_slice %arg6[%dma_wait3A_371, %dma_wait3A_372] : memref<10008x64xf32, #tpu.memory_space<vmem_shared>> -> memref<10008x64xf32, #tpu.memory_space<vmem_shared>>
    tpu.wait_indirect_dma semaphore(%arg54 : memref<!tpu.dma_semaphore, #tpu.memory_space<semaphore_mem>>) src(%arg29 : memref<32x64xf32, #tpu.memory_space<vmem>>) dst(%dma_wait3A_373 : memref<10008x64xf32, #tpu.memory_space<vmem_shared>>)
    %barrier3A_374 = arith.constant 0 : index
    tpu.barrier barrier_id(%barrier3A_374)
    "tpu.region"() ({
      %run_scoped3A = tpu.sem_alloc : memref<!tpu.dma_semaphore, #tpu.memory_space<semaphore_mem>>
      %dma_start3A_380 = arith.constant 0 : i32
      %dma_start3A_381 = arith.constant 0 : i32
      %dma_start3A_382 = tpu.memref_slice %arg4[%arg0, %dma_start3A_380, %dma_start3A_381] : memref<2x10000x64xf32, #tpu.memory_space<hbm>> -> memref<1x10000x64xf32, #tpu.memory_space<hbm>>
      %dma_start3A_383 = tpu.memref_squeeze %dma_start3A_382 : memref<1x10000x64xf32, #tpu.memory_space<hbm>> -> memref<10000x64xf32, #tpu.memory_space<hbm>>
      %dma_start3A_384 = arith.constant 0 : i32
      %dma_start3A_385 = tpu.memref_slice %dma_start3A_383[%mul3A_4, %dma_start3A_384] : memref<10000x64xf32, #tpu.memory_space<hbm>> -> memref<624x64xf32, #tpu.memory_space<hbm>>
      %dma_start3A_386 = arith.constant 0 : i32
      %dma_start3A_387 = tpu.memref_slice %arg6[%mul3A_4, %dma_start3A_386] : memref<10008x64xf32, #tpu.memory_space<vmem_shared>> -> memref<624x64xf32, #tpu.memory_space<vmem_shared>>
      tpu.enqueue_dma source(%dma_start3A_387 : memref<624x64xf32, #tpu.memory_space<vmem_shared>>) target(%dma_start3A_385 : memref<624x64xf32, #tpu.memory_space<hbm>>) target_semaphore(%run_scoped3A : memref<!tpu.dma_semaphore, #tpu.memory_space<semaphore_mem>>)
      %dma_wait3A_388 = arith.constant 0 : i32
      %dma_wait3A_389 = arith.constant 0 : i32
      %dma_wait3A_390 = tpu.memref_slice %arg4[%arg0, %dma_wait3A_388, %dma_wait3A_389] : memref<2x10000x64xf32, #tpu.memory_space<hbm>> -> memref<1x10000x64xf32, #tpu.memory_space<hbm>>
      %dma_wait3A_391 = tpu.memref_squeeze %dma_wait3A_390 : memref<1x10000x64xf32, #tpu.memory_space<hbm>> -> memref<10000x64xf32, #tpu.memory_space<hbm>>
      %dma_wait3A_392 = arith.constant 0 : i32
      %dma_wait3A_393 = tpu.memref_slice %dma_wait3A_391[%mul3A_4, %dma_wait3A_392] : memref<10000x64xf32, #tpu.memory_space<hbm>> -> memref<624x64xf32, #tpu.memory_space<hbm>>
      %dma_wait3A_394 = arith.constant 0 : i32
      %dma_wait3A_395 = tpu.memref_slice %arg6[%mul3A_4, %dma_wait3A_394] : memref<10008x64xf32, #tpu.memory_space<vmem_shared>> -> memref<624x64xf32, #tpu.memory_space<vmem_shared>>
      tpu.wait_dma2 semaphore(%run_scoped3A : memref<!tpu.dma_semaphore, #tpu.memory_space<semaphore_mem>>) src(%dma_wait3A_395 : memref<624x64xf32, #tpu.memory_space<vmem_shared>>) dst(%dma_wait3A_393 : memref<624x64xf32, #tpu.memory_space<hbm>>)
      tpu.yield
    }) : () -> ()
    %eq3A_375 = arith.constant 0 : i32
    %eq3A_376 = arith.cmpi eq, %arg1, %eq3A_375 : i32
    %convert_element_type3A_377 = arith.extui %eq3A_376 : i1 to i32
    %cond3A_378 = arith.constant 0 : i32
    %cond3A_379 = arith.cmpi ne, %convert_element_type3A_377, %cond3A_378 : i32
    scf.if %cond3A_379 {
      "tpu.region"() ({
        %run_scoped3A = tpu.sem_alloc : memref<!tpu.dma_semaphore, #tpu.memory_space<semaphore_mem>>
        %dma_start3A_380 = arith.constant 0 : i32
        %dma_start3A_381 = arith.constant 0 : i32
        %dma_start3A_382 = tpu.memref_slice %arg4[%arg0, %dma_start3A_380, %dma_start3A_381] : memref<2x10000x64xf32, #tpu.memory_space<hbm>> -> memref<1x10000x64xf32, #tpu.memory_space<hbm>>
        %dma_start3A_383 = tpu.memref_squeeze %dma_start3A_382 : memref<1x10000x64xf32, #tpu.memory_space<hbm>> -> memref<10000x64xf32, #tpu.memory_space<hbm>>
        %dma_start3A_384 = arith.constant 9984 : i32
        %dma_start3A_385 = arith.constant 0 : i32
        %dma_start3A_386 = tpu.memref_slice %dma_start3A_383[%dma_start3A_384, %dma_start3A_385] : memref<10000x64xf32, #tpu.memory_space<hbm>> -> memref<16x64xf32, #tpu.memory_space<hbm>>
        %dma_start3A_387 = arith.constant 9984 : i32
        %dma_start3A_388 = arith.constant 0 : i32
        %dma_start3A_389 = tpu.memref_slice %arg6[%dma_start3A_387, %dma_start3A_388] : memref<10008x64xf32, #tpu.memory_space<vmem_shared>> -> memref<16x64xf32, #tpu.memory_space<vmem_shared>>
        tpu.enqueue_dma source(%dma_start3A_389 : memref<16x64xf32, #tpu.memory_space<vmem_shared>>) target(%dma_start3A_386 : memref<16x64xf32, #tpu.memory_space<hbm>>) target_semaphore(%run_scoped3A : memref<!tpu.dma_semaphore, #tpu.memory_space<semaphore_mem>>)
        %dma_wait3A_390 = arith.constant 0 : i32
        %dma_wait3A_391 = arith.constant 0 : i32
        %dma_wait3A_392 = tpu.memref_slice %arg4[%arg0, %dma_wait3A_390, %dma_wait3A_391] : memref<2x10000x64xf32, #tpu.memory_space<hbm>> -> memref<1x10000x64xf32, #tpu.memory_space<hbm>>
        %dma_wait3A_393 = tpu.memref_squeeze %dma_wait3A_392 : memref<1x10000x64xf32, #tpu.memory_space<hbm>> -> memref<10000x64xf32, #tpu.memory_space<hbm>>
        %dma_wait3A_394 = arith.constant 9984 : i32
        %dma_wait3A_395 = arith.constant 0 : i32
        %dma_wait3A_396 = tpu.memref_slice %dma_wait3A_393[%dma_wait3A_394, %dma_wait3A_395] : memref<10000x64xf32, #tpu.memory_space<hbm>> -> memref<16x64xf32, #tpu.memory_space<hbm>>
        %dma_wait3A_397 = arith.constant 9984 : i32
        %dma_wait3A_398 = arith.constant 0 : i32
        %dma_wait3A_399 = tpu.memref_slice %arg6[%dma_wait3A_397, %dma_wait3A_398] : memref<10008x64xf32, #tpu.memory_space<vmem_shared>> -> memref<16x64xf32, #tpu.memory_space<vmem_shared>>
        tpu.wait_dma2 semaphore(%run_scoped3A : memref<!tpu.dma_semaphore, #tpu.memory_space<semaphore_mem>>) src(%dma_wait3A_399 : memref<16x64xf32, #tpu.memory_space<vmem_shared>>) dst(%dma_wait3A_396 : memref<16x64xf32, #tpu.memory_space<hbm>>)
        tpu.yield
      }) : () -> ()
    } else {
    }
    return
  }
}

module attributes {stable_mosaic.version = 14 : i64} {
  func.func @_head_body(%arg0: i32, %arg1: memref<1000x128xf32, #tpu.memory_space<vmem>>, %arg2: memref<128x64xf32, #tpu.memory_space<vmem>>, %arg3: memref<1x64xf32, #tpu.memory_space<vmem>>, %arg4: memref<1000x64xf32, #tpu.memory_space<vmem>>) attributes {dimension_semantics = [#tpu.dimension_semantics<arbitrary>], iteration_bounds = array<i64: 10>, scalar_prefetch = 0 : i64, scratch_operands = 0 : i64, tpu.core_type = #tpu.core_type<tc>, window_params = [{transform_indices = @transform_0, window_bounds = array<i64: 1000, 128>}, {pipeline_mode = #tpu.pipeline_mode<synchronous>, transform_indices = @transform_1, window_bounds = array<i64: 128, 64>}, {pipeline_mode = #tpu.pipeline_mode<synchronous>, transform_indices = @transform_2, window_bounds = array<i64: 1, 64>}, {transform_indices = @transform_3, window_bounds = array<i64: 1000, 64>}]} {
    %get3A = arith.constant 0 : index
    %get3A_0 = arith.constant 0 : index
    %get3A_1 = vector.load %arg1[%get3A, %get3A_0] : memref<1000x128xf32, #tpu.memory_space<vmem>>, vector<1000x128xf32>
    %get3A_2 = arith.constant 0 : index
    %get3A_3 = arith.constant 0 : index
    %get3A_4 = vector.load %arg2[%get3A_2, %get3A_3] : memref<128x64xf32, #tpu.memory_space<vmem>>, vector<128x64xf32>
    %dot_general3A = arith.constant dense<0.000000e+00> : vector<1000x64xf32>
    %dot_general3A_5 = tpu.matmul %get3A_1, %get3A_4, %dot_general3A {dimension_numbers = #tpu.dot_dimension_numbers<[1], [0], [0], [1], [0, 0, 1, 1], [], []>, transpose_lhs_hint = false} : vector<1000x128xf32>, vector<128x64xf32>, vector<1000x64xf32> -> vector<1000x64xf32>
    %get3A_6 = arith.constant 0 : index
    %get3A_7 = arith.constant 0 : index
    %get3A_8 = vector.load %arg3[%get3A_6, %get3A_7] : memref<1x64xf32, #tpu.memory_space<vmem>>, vector<1x64xf32>
    %add3A = vector.broadcast %get3A_8 : vector<1x64xf32> to vector<1000x64xf32>
    %add3A_9 = arith.addf %dot_general3A_5, %add3A : vector<1000x64xf32>
    %max3A = arith.constant 0.000000e+00 : f32
    %max3A_10 = vector.broadcast %max3A : f32 to vector<1000x64xf32>
    %max3A_11 = arith.maximumf %add3A_9, %max3A_10 : vector<1000x64xf32>
    %swap3A = arith.constant 0 : index
    %swap3A_12 = arith.constant 0 : index
    %swap3A_13 = vector.load %arg4[%swap3A, %swap3A_12] : memref<1000x64xf32, #tpu.memory_space<vmem>>, vector<1000x64xf32>
    tpu.vector_store %arg4[%swap3A, %swap3A_12], %max3A_11 {strides = array<i32>} : memref<1000x64xf32, #tpu.memory_space<vmem>>, vector<1000x64xf32>,
    return
  }
  func.func @transform_0(%arg0: i32) -> (i32, i32) {
    %c0_i32 = arith.constant 0 : i32
    %c0_i32_0 = arith.constant 0 : i32
    return %arg0, %c0_i32 : i32, i32
  }
  func.func @transform_1(%arg0: i32) -> (i32, i32) {
    %c0_i32 = arith.constant 0 : i32
    %c0_i32_0 = arith.constant 0 : i32
    %c0_i32_1 = arith.constant 0 : i32
    return %c0_i32, %c0_i32_0 : i32, i32
  }
  func.func @transform_2(%arg0: i32) -> (i32, i32) {
    %c0_i32 = arith.constant 0 : i32
    %c0_i32_0 = arith.constant 0 : i32
    %c0_i32_1 = arith.constant 0 : i32
    return %c0_i32, %c0_i32_0 : i32, i32
  }
  func.func @transform_3(%arg0: i32) -> (i32, i32) {
    %c0_i32 = arith.constant 0 : i32
    %c0_i32_0 = arith.constant 0 : i32
    return %arg0, %c0_i32 : i32, i32
  }
}

module attributes {stable_mosaic.version = 14 : i64} {
  func.func @_tail_body(%arg0: i32, %arg1: memref<1000x64xf32, #tpu.memory_space<vmem>>, %arg2: memref<1000x64xf32, #tpu.memory_space<vmem>>, %arg3: memref<1000x64xf32, #tpu.memory_space<vmem>>, %arg4: memref<64x64xf32, #tpu.memory_space<vmem>>, %arg5: memref<1x64xf32, #tpu.memory_space<vmem>>, %arg6: memref<64x64xf32, #tpu.memory_space<vmem>>, %arg7: memref<1x64xf32, #tpu.memory_space<vmem>>, %arg8: memref<64x64xf32, #tpu.memory_space<vmem>>, %arg9: memref<1x64xf32, #tpu.memory_space<vmem>>, %arg10: memref<1000x64xf32, #tpu.memory_space<vmem>>) attributes {dimension_semantics = [#tpu.dimension_semantics<arbitrary>], iteration_bounds = array<i64: 10>, scalar_prefetch = 0 : i64, scratch_operands = 0 : i64, tpu.core_type = #tpu.core_type<tc>, window_params = [{transform_indices = @transform_0, window_bounds = array<i64: 1000, 64>}, {transform_indices = @transform_1, window_bounds = array<i64: 1000, 64>}, {transform_indices = @transform_2, window_bounds = array<i64: 1000, 64>}, {pipeline_mode = #tpu.pipeline_mode<synchronous>, transform_indices = @transform_3, window_bounds = array<i64: 64, 64>}, {pipeline_mode = #tpu.pipeline_mode<synchronous>, transform_indices = @transform_4, window_bounds = array<i64: 1, 64>}, {pipeline_mode = #tpu.pipeline_mode<synchronous>, transform_indices = @transform_5, window_bounds = array<i64: 64, 64>}, {pipeline_mode = #tpu.pipeline_mode<synchronous>, transform_indices = @transform_6, window_bounds = array<i64: 1, 64>}, {pipeline_mode = #tpu.pipeline_mode<synchronous>, transform_indices = @transform_7, window_bounds = array<i64: 64, 64>}, {pipeline_mode = #tpu.pipeline_mode<synchronous>, transform_indices = @transform_8, window_bounds = array<i64: 1, 64>}, {transform_indices = @transform_9, window_bounds = array<i64: 1000, 64>}]} {
    %get3A = arith.constant 0 : index
    %get3A_0 = arith.constant 0 : index
    %get3A_1 = vector.load %arg2[%get3A, %get3A_0] : memref<1000x64xf32, #tpu.memory_space<vmem>>, vector<1000x64xf32>
    %get3A_2 = arith.constant 0 : index
    %get3A_3 = arith.constant 0 : index
    %get3A_4 = vector.load %arg3[%get3A_2, %get3A_3] : memref<1000x64xf32, #tpu.memory_space<vmem>>, vector<1000x64xf32>
    %add3A = arith.addf %get3A_1, %get3A_4 : vector<1000x64xf32>
    %get3A_5 = arith.constant 0 : index
    %get3A_6 = arith.constant 0 : index
    %get3A_7 = vector.load %arg1[%get3A_5, %get3A_6] : memref<1000x64xf32, #tpu.memory_space<vmem>>, vector<1000x64xf32>
    %sub3A = arith.subf %add3A, %get3A_7 : vector<1000x64xf32>
    %get3A_8 = arith.constant 0 : index
    %get3A_9 = arith.constant 0 : index
    %get3A_10 = vector.load %arg4[%get3A_8, %get3A_9] : memref<64x64xf32, #tpu.memory_space<vmem>>, vector<64x64xf32>
    %dot_general3A = arith.constant dense<0.000000e+00> : vector<1000x64xf32>
    %dot_general3A_11 = tpu.matmul %sub3A, %get3A_10, %dot_general3A {dimension_numbers = #tpu.dot_dimension_numbers<[1], [0], [0], [1], [0, 0, 1, 1], [], []>, transpose_lhs_hint = false} : vector<1000x64xf32>, vector<64x64xf32>, vector<1000x64xf32> -> vector<1000x64xf32>
    %get3A_12 = arith.constant 0 : index
    %get3A_13 = arith.constant 0 : index
    %get3A_14 = vector.load %arg5[%get3A_12, %get3A_13] : memref<1x64xf32, #tpu.memory_space<vmem>>, vector<1x64xf32>
    %add3A_15 = vector.broadcast %get3A_14 : vector<1x64xf32> to vector<1000x64xf32>
    %add3A_16 = arith.addf %dot_general3A_11, %add3A_15 : vector<1000x64xf32>
    %max3A = arith.constant 0.000000e+00 : f32
    %max3A_17 = vector.broadcast %max3A : f32 to vector<1000x64xf32>
    %max3A_18 = arith.maximumf %add3A_16, %max3A_17 : vector<1000x64xf32>
    %get3A_19 = arith.constant 0 : index
    %get3A_20 = arith.constant 0 : index
    %get3A_21 = vector.load %arg6[%get3A_19, %get3A_20] : memref<64x64xf32, #tpu.memory_space<vmem>>, vector<64x64xf32>
    %dot_general3A_22 = arith.constant dense<0.000000e+00> : vector<1000x64xf32>
    %dot_general3A_23 = tpu.matmul %max3A_18, %get3A_21, %dot_general3A_22 {dimension_numbers = #tpu.dot_dimension_numbers<[1], [0], [0], [1], [0, 0, 1, 1], [], []>, transpose_lhs_hint = false} : vector<1000x64xf32>, vector<64x64xf32>, vector<1000x64xf32> -> vector<1000x64xf32>
    %get3A_24 = arith.constant 0 : index
    %get3A_25 = arith.constant 0 : index
    %get3A_26 = vector.load %arg7[%get3A_24, %get3A_25] : memref<1x64xf32, #tpu.memory_space<vmem>>, vector<1x64xf32>
    %add3A_27 = vector.broadcast %get3A_26 : vector<1x64xf32> to vector<1000x64xf32>
    %add3A_28 = arith.addf %dot_general3A_23, %add3A_27 : vector<1000x64xf32>
    %get3A_29 = arith.constant 0 : index
    %get3A_30 = arith.constant 0 : index
    %get3A_31 = vector.load %arg8[%get3A_29, %get3A_30] : memref<64x64xf32, #tpu.memory_space<vmem>>, vector<64x64xf32>
    %dot_general3A_32 = arith.constant dense<0.000000e+00> : vector<1000x64xf32>
    %dot_general3A_33 = tpu.matmul %add3A_28, %get3A_31, %dot_general3A_32 {dimension_numbers = #tpu.dot_dimension_numbers<[1], [0], [0], [1], [0, 0, 1, 1], [], []>, transpose_lhs_hint = false} : vector<1000x64xf32>, vector<64x64xf32>, vector<1000x64xf32> -> vector<1000x64xf32>
    %get3A_34 = arith.constant 0 : index
    %get3A_35 = arith.constant 0 : index
    %get3A_36 = vector.load %arg9[%get3A_34, %get3A_35] : memref<1x64xf32, #tpu.memory_space<vmem>>, vector<1x64xf32>
    %add3A_37 = vector.broadcast %get3A_36 : vector<1x64xf32> to vector<1000x64xf32>
    %add3A_38 = arith.addf %dot_general3A_33, %add3A_37 : vector<1000x64xf32>
    %swap3A = arith.constant 0 : index
    %swap3A_39 = arith.constant 0 : index
    %swap3A_40 = vector.load %arg10[%swap3A, %swap3A_39] : memref<1000x64xf32, #tpu.memory_space<vmem>>, vector<1000x64xf32>
    tpu.vector_store %arg10[%swap3A, %swap3A_39], %add3A_38 {strides = array<i32>} : memref<1000x64xf32, #tpu.memory_space<vmem>>, vector<1000x64xf32>,
    return
  }
  func.func @transform_0(%arg0: i32) -> (i32, i32) {
    %c0_i32 = arith.constant 0 : i32
    %c0_i32_0 = arith.constant 0 : i32
    return %arg0, %c0_i32 : i32, i32
  }
  func.func @transform_1(%arg0: i32) -> (i32, i32) {
    %c0_i32 = arith.constant 0 : i32
    %c0_i32_0 = arith.constant 0 : i32
    return %arg0, %c0_i32 : i32, i32
  }
  func.func @transform_2(%arg0: i32) -> (i32, i32) {
    %c0_i32 = arith.constant 0 : i32
    %c0_i32_0 = arith.constant 0 : i32
    return %arg0, %c0_i32 : i32, i32
  }
  func.func @transform_3(%arg0: i32) -> (i32, i32) {
    %c0_i32 = arith.constant 0 : i32
    %c0_i32_0 = arith.constant 0 : i32
    %c0_i32_1 = arith.constant 0 : i32
    return %c0_i32, %c0_i32_0 : i32, i32
  }
  func.func @transform_4(%arg0: i32) -> (i32, i32) {
    %c0_i32 = arith.constant 0 : i32
    %c0_i32_0 = arith.constant 0 : i32
    %c0_i32_1 = arith.constant 0 : i32
    return %c0_i32, %c0_i32_0 : i32, i32
  }
  func.func @transform_5(%arg0: i32) -> (i32, i32) {
    %c0_i32 = arith.constant 0 : i32
    %c0_i32_0 = arith.constant 0 : i32
    %c0_i32_1 = arith.constant 0 : i32
    return %c0_i32, %c0_i32_0 : i32, i32
  }
  func.func @transform_6(%arg0: i32) -> (i32, i32) {
    %c0_i32 = arith.constant 0 : i32
    %c0_i32_0 = arith.constant 0 : i32
    %c0_i32_1 = arith.constant 0 : i32
    return %c0_i32, %c0_i32_0 : i32, i32
  }
  func.func @transform_7(%arg0: i32) -> (i32, i32) {
    %c0_i32 = arith.constant 0 : i32
    %c0_i32_0 = arith.constant 0 : i32
    %c0_i32_1 = arith.constant 0 : i32
    return %c0_i32, %c0_i32_0 : i32, i32
  }
  func.func @transform_8(%arg0: i32) -> (i32, i32) {
    %c0_i32 = arith.constant 0 : i32
    %c0_i32_0 = arith.constant 0 : i32
    %c0_i32_1 = arith.constant 0 : i32
    return %c0_i32, %c0_i32_0 : i32, i32
  }
  func.func @transform_9(%arg0: i32) -> (i32, i32) {
    %c0_i32 = arith.constant 0 : i32
    %c0_i32_0 = arith.constant 0 : i32
    return %arg0, %c0_i32 : i32, i32
  }
}

</mosaic_0001>

<sc_bundles>
// kernel: kernel.5.cloned.1.call-start
scs
__scs_entry_jumppad:
0x0: {  	(pc) =	sbr.rel $0x88, $3  }
0x1: {  	(tag) =	ssettag $0x0;
	lr =	simm.s32 $0x1  }
0x2: {  	[smem:$0x3F97] =	sst lr;
	_ =	strace $0xD0000000  }
0x3: {  	_ = 	snop  }
0x4: {  	_ = 	snop  }
0x5: {  	_ = 	snop  }
0x6: {  	_ = 	snop  }
0x7: {  	_ = 	snop  }
__scs_overlays_trampoline_lowered:
0x8: {  	[smem:$0x3FA6] =	sst s0  }
0x9: {  	[smem:$0x3FA7] =	sst s1  }
0xa: {  	[smem:$0x3FA8] =	sst s2  }
0xb: {  	[smem:$0x3FA9] =	sst s3  }
0xc: {  	[smem:$0x3FAA] =	sst s4  }
0xd: {  	[smem:$0x3FAB] =	sst s5  }
0xe: {  	[smem:$0x3FAC] =	sst s6  }
0xf: {  	[smem:$0x3FAD] =	sst s7  }
0x10: {  	[smem:$0x3FAE] =	sst s8  }
0x11: {  	[smem:$0x3FAF] =	sst s9;
	s0 =	simm.s32 @!p0 $0x0  }
0x12: {  	s1 =	sld [smem:$0x3F95];
	s0 =	simm.s32 @p0 $0x1  }
0x13: {  	[smem:$0x3FB0] =	sst s0;
	s0 =	simm.s32 @!p1 $0x0  }
0x14: {  	s2 =	sld [smem:$0x3F94];
	s0 =	simm.s32 @p1 $0x1  }
0x15: {  	[smem:$0x3FB1] =	sst s0;
	s0 =	simm.s32 @!p2 $0x0  }
0x16: {  	s3 =	sld [smem:$0x3FDB];
	s0 =	simm.s32 @p2 $0x1  }
0x17: {  	s4 =	simm.s32 $0x1BF5;
	[smem:$0x3FB3] =	sst s0  }
0x18: {  	s0 =	sld [smem:$0x3F96];
	_ =	swait.ge [sflag:s4], $0x0  }
0x19: {  	s7 =	sld [smem:$0x3F97]  }
0x1a: {  	s8 =	sadd.s32 $0xFFFFE003, lr  }
0x1b: {  	s9 =	sadd.s32 $0xFFFFFEF7, lr;
	s5 =	simm.s32 $0xFFFFFFFF;
	p2 =	slt.u32 s8, $0xFFFFF086  }
0x1c: {  	p1 =	slt.u32 s9, $0xF7A;
	s5 =	simm.s32 @!p2 $0x0  }
0x1d: {  	s5 =	simm.s32 @p1 $0x1;
	p0 =	seq.s32 s7, s2  }
0x1e: {  	s7 =	smul.u32 @!p0 $0xF7A, s2;
	p2 =	seq.s32 @!p0 s5, $0x0  }
0x1f: {  	s9 =	smul.u32 $0xF7A, s1;
	s8 =	simm.s32 @!p0 $0x1BF5;
	p2 =	por !p2, p0  }
0x20: {  	[sflag:s8] =	ssyncset.s32 @!p0 $0xFFFFF086;
	s6 =	sadd.s32 @!p0 s3, s7;
	s7 =	simm.s32 @!p0 $0x108  }
0x21: {  	s3 =	sadd.s32 s3, s9;
	s6 =	sadd.s32 @!p0 $0x88, s6;
	s7 =	simm.s32 @p2 $0x1082  }
0x22: {  	[simem:s7], [sflag:s8] =	dma.local @!p0 [hbm:s6], $0xF7A  }
0x23: {  	s9 =	sor.u32 $0xD0000000, s2;
	s6 =	simm.s32 $0x108;
	_ =	swait.ge @!p0 [sflag:s8], $0x0  }
0x24: {  	s3 =	sadd.s32 $0x88, s3;
	s6 =	simm.s32 @!p1 $0x1082;
	[sflag:s4] =	ssyncset.s32 $0xFFFFF086  }
0x25: {  	[simem:s6], [sflag:s4] =	dma.local [hbm:s3], $0xF7A  }
0x26: {  	[smem:$0x3F97] =	sst s1;
	(tag) =	ssettag s2;
	_ =	strace s9  }
0x27: {  	s1 =	sld [smem:$0x3FA7]  }
0x28: {  	s2 =	sld [smem:$0x3FA8]  }
0x29: {  	s4 =	sld [smem:$0x3FAA]  }
0x2a: {  	p0 =	seq.s32 s5, $0x0;
	s5 =	sld [smem:$0x3FAB]  }
0x2b: {  	s6 =	sld [smem:$0x3FAC]  }
0x2c: {  	s7 =	sld [smem:$0x3FAD]  }
0x2d: {  	s3 =	simm.s32 $0x108;
	s8 =	sld [smem:$0x3FAE]  }
0x2e: {  	s3 =	simm.s32 @!p0 $0x1082;
	s9 =	sld [smem:$0x3FAF]  }
0x2f: {  	lr =	sadd.s32 s0, s3;
	s0 =	sld [smem:$0x3FA6]  }
0x30: {  	s3 =	sld [smem:$0x3FA9]  }
0x31: {  	[smem:$0x3FB2] =	sst s10  }
0x32: {  	s10 =	sld [smem:$0x3FB0];
	_ =	sdelay $0x3  }
0x33: {  	p0 =	seq.s32 s10, $0x1;
	s10 =	sld [smem:$0x3FB2];
	_ =	sdelay $0x3  }
0x34: {  	[smem:$0x3FB2] =	sst s10  }
0x35: {  	s10 =	sld [smem:$0x3FB1];
	_ =	sdelay $0x3  }
0x36: {  	p1 =	seq.s32 s10, $0x1;
	s10 =	sld [smem:$0x3FB2];
	_ =	sdelay $0x3  }
0x37: {  	[smem:$0x3FB2] =	sst s10  }
0x38: {  	s10 =	sld [smem:$0x3FB3]  }
0x39: {  	_ = 	snop;
	(pc) =	sbr.ind lr, $3  }
0x3a: {  	_ = 	snop  }
0x3b: {  	_ = 	snop  }
0x3c: {  	p2 =	seq.s32 s10, $0x1;
	s10 =	sld [smem:$0x3FB2]  }
0x3d: {  	_ =	shalt  }
0x3e: {  	_ =	shalt  }
0x3f: {  	_ =	shalt  }
0x40: {  	_ =	shalt  }
0x41: {  	_ =	shalt  }
0x42: {  	_ =	shalt  }
0x43: {  	_ =	shalt  }
0x44: {  	_ =	shalt  }
0x45: {  	_ =	shalt  }
0x46: {  	_ =	shalt  }
0x47: {  	_ =	shalt  }
0x48: {  	_ =	shalt  }
0x49: {  	_ =	shalt  }
0x4a: {  	_ =	shalt  }
0x4b: {  	_ =	shalt  }
0x4c: {  	_ =	shalt  }
0x4d: {  	_ =	shalt  }
0x4e: {  	_ =	shalt  }
0x4f: {  	_ =	shalt  }
0x50: {  	_ =	shalt  }
0x51: {  	_ =	shalt  }
0x52: {  	_ =	shalt  }
0x53: {  	_ =	shalt  }
0x54: {  	_ =	shalt  }
0x55: {  	_ =	shalt  }
0x56: {  	_ =	shalt  }
0x57: {  	_ =	shalt  }
0x58: {  	_ =	shalt  }
0x59: {  	_ =	shalt  }
0x5a: {  	_ =	shalt  }
0x5b: {  	_ =	shalt  }
0x5c: {  	_ =	shalt  }
0x5d: {  	_ =	shalt  }
0x5e: {  	_ =	shalt  }
0x5f: {  	_ =	shalt  }
0x60: {  	_ =	shalt  }
0x61: {  	_ =	shalt  }
0x62: {  	_ =	shalt  }
0x63: {  	_ =	shalt  }
0x64: {  	_ =	shalt  }
0x65: {  	_ =	shalt  }
0x66: {  	_ =	shalt  }
0x67: {  	_ =	shalt  }
0x68: {  	_ =	shalt  }
0x69: {  	_ =	shalt  }
0x6a: {  	_ =	shalt  }
0x6b: {  	_ =	shalt  }
0x6c: {  	_ =	shalt  }
0x6d: {  	_ =	shalt  }
0x6e: {  	_ =	shalt  }
0x6f: {  	_ =	shalt  }
0x70: {  	_ =	shalt  }
0x71: {  	_ =	shalt  }
0x72: {  	_ =	shalt  }
0x73: {  	_ =	shalt  }
0x74: {  	_ =	shalt  }
0x75: {  	_ =	shalt  }
0x76: {  	_ =	shalt  }
0x77: {  	_ =	shalt  }
0x78: {  	_ =	shalt  }
0x79: {  	_ =	shalt  }
0x7a: {  	_ =	shalt  }
0x7b: {  	_ =	shalt  }
0x7c: {  	_ =	shalt  }
0x7d: {  	_ =	shalt  }
0x7e: {  	_ =	shalt  }
0x7f: {  	_ =	shalt  }
0x80: {  	_ =	shalt  }
0x81: {  	_ =	shalt  }
0x82: {  	_ =	shalt  }
0x83: {  	_ =	shalt  }
0x84: {  	_ =	shalt  }
0x85: {  	_ =	shalt  }
0x86: {  	_ =	shalt  }
0x87: {  	_ =	shalt  }
.Lfunc_end0:
.L_simem_size_0:
called_computation_lowered:
.L_overlay_start_0:
0x88: {  	s2 =	sld [smem:$0x3FD9]  }
0x89: {  	s3 =	sld [smem:$0x3FFE];
	_ =	sdelay $0x1  }
0x8a: {  	s1 =	srdreg.scid  }
0x8b: {  	s0 =	sand.u32 $0x1, s1  }
0x8c: {  	s17 =	sshll.u32 s0, $0xA;
	s2 =	sadd.s32 s3, s2  }
0x8d: {  	s2 =	sadd.s32 s2, s17  }
0x8e: {  	[smem:$0x3FBE] =	sst s2  }
0x8f: {  	_ = 	snop  }
0x90: {  	s2 =	sld [smem:$0x3FD0];
	(tm) =	ssettm $0x1  }
0x91: {  	s18 =	sld [smem:$0x3FFB];
	_ =	sdelay $0x3  }
0x92: {  	_ =	strace s18  }
0x93: {  	s3 =	sld [smem:$0x3FFC];
	_ =	sdelay $0x3  }
0x94: {  	_ =	strace s3  }
0x95: {  	s3 =	sld [smem:$0x3FFD];
	_ =	sdelay $0x3  }
0x96: {  	_ =	strace s3  }
0x97: {  	_ =	strace $0x8FFFFFFF  }
0x98: {  	s19 =	sld [smem:$0x3FDB];
	_ =	sdelay $0x1  }
0x99: {  	s4 =	simm.s32 $_scs_section_size  }
0x9a: {  	s5 =	simm.s32 $_size__tile_overlayer_lowered;
	s6 =	simm.s32 $_tile_overlayer_lowered  }
0x9b: {  	s22 =	simm.s32 $0x1BFF;
	s21 =	sshll.u32 s6, $0x1;
	s3 =	sadd.s32 s4, s19  }
0x9c: {  	s7 =	simm.s32 $0x0;
	s20 =	sshll.u32 s5, $0x1;
	s5 =	sadd.s32 s21, s3  }
0x9d: {  	[timem:s7], [sflag:s22] =	dma.local [hbm:s5], s20  }
0x9e: {  	_ =	swait.ge [sflag:s22], s20  }
0x9f: {  	s4 =	ssub.s32 $0x0, s20;
	[sflag:s22] =	ssyncset.done $0x0  }
0xa0: {  	[sflag:s22] =	ssyncadd.s32 s4;
	_ =	sdelay $0x1  }
0xa1: {  	s23 =	simm.s32 $0x1B8B  }
0xa2: {  	_ =	swait.ge [sflag:s23], $0x1  }
0xa3: {  	[sflag:s23] =	ssyncset.done $0x0  }
0xa4: {  	s25 =	simm.s32 $0x1B8E;
	s24 =	sld [smem:$0x3FFE];
	[sflag:s23] =	ssyncadd.s32 $0xFFFFFFFF  }
0xa5: {  	s26 =	simm.s32 $execute0_lowered;
	[smem:$0x3FD2] =	sst s25  }
0xa6: {  	s5 =	sshll.u32 s26, $0x1;
	_ =	strace $0x80000046;
	[dreg:$0x1] =	wrdreg $0xFFFFFFFF  }
0xa7: {  	s28 =	simm.s32 $_size_execute0_lowered;
	s3 =	sadd.s32 s3, s5;
	[dreg:$0x0] =	wrdreg $0x0  }
0xa8: {  	s5 =	sshll.u32 s28, $0x1;
	[dreg:$0x2] =	wrdreg s3  }
0xa9: {  	[dreg:$0x3] =	wrdreg s5  }
0xaa: {  	[dreg:$0x4] =	wrdreg $0xC0  }
0xab: {  	_ =	task [dreg:s7], $0x5FFFF  }
0xac: {  	[dreg:$0x1] =	wrdreg $0xFFFFFFFF  }
0xad: {  	[dreg:$0x0] =	wrdreg $0x60  }
0xae: {  	[dreg:$0x2] =	wrdreg s24  }
0xaf: {  	[dreg:$0x3] =	wrdreg s2  }
0xb0: {  	[dreg:$0x4] =	wrdreg $0x0  }
0xb1: {  	[dreg:$0x5] =	wrdreg $0x9C400  }
0xb2: {  	[dreg:$0x6] =	wrdreg $0x9  }
0xb3: {  	_ =	task.clear_ibuf [dreg:s7], $0x7FFFF;
	_ =	strace $0x90000046  }
0xb4: {  	s29 =	simm.s32 $0x9;
	_ =	strace $0x80000048  }
0xb5: {  	_ =	swait.ge [sflag:s29], $0x1  }
0xb6: {  	[sflag:s29] =	ssyncadd.s32 $0xFFFFFFFF  }
0xb7: {  	_ =	strace $0x90000048  }
0xb8: {  	_ =	sfence  }
0xb9: {  	s30 =	sld [smem:$0x0];
	_ =	sdelay $0x2  }
0xba: {  	s31 =	sshll.u32 s1, $0xD;
	s1 =	sshrl.u32 s1, $0x2  }
0xbb: {  	s3 =	sand.u32 $0x4000, s31;
	s1 =	sadd.s32 s1, s30  }
0xbc: {  	s0 =	sor.u32 s3, s0;
	s1 =	sshll.u32 s1, $0x11  }
0xbd: {  	s0 =	sor.u32 s1, s0  }
0xbe: {  	s0 =	sadd.s32 $0x8F2B, s0  }
0xbf: {  	[sflag:s0] =	ssyncadd.remote.s32 $0x1  }
0xc0: {  	_ =	sfence.sel $0xFFFF  }
0xc1: {  	[dreg:$0x0] =	wrdreg $0xFFFFFFFF;
	(pc) =	sbr.abs _section_cstart, $3  }
0xc2: {  	[dreg:$0x1] =	wrdreg $0xFFFFFFFF  }
0xc3: {  	_ =	task.clear_ibuf [dreg:s7], $0x2FFFF;
	_ =	strace $0x9FFFFFFF  }
0xc4: {  	(tm) =	ssettm $0x7FFFFFFF  }
0xc5: {  	_ =	shalt  }
tec
execute0_lowered:
.L_overlay_start_1:
0x0: {  	(tag) =	ssettag $0x1  }
0x1: {  	s0 =	rddreg [dreg:$0x0]  }
0x2: {  	s4 =	rddreg [dreg:$0x1]  }
0x3: {  	s1 =	rddreg [dreg:$0x2]  }
0x4: {  	s3 =	srdreg.scid;
	s5 =	stileid.u32  }
0x5: {  	s2 =	rddreg [dreg:$0x3];
	s6 =	sand.u32 $0x1, s3;
	s7 =	sshll.u32 s5, $0x1  }
0x6: {  	s3 =	simm.s32 $0x0;
	s12 =	sadd.s32 $0x1800, s0;
	s7 =	sor.u32 s6, s7  }
0x7: {  	s13 =	sadd.s32 $0x15080, s0;
	[smem:$0x7FF] =	sst s3;
	s7 =	smul.u32 $0x4E20, s7  }
0x8: {  	s8 =	smul.u32 $0x13880, s6;
	s9 =	ssub.s32 $0x2, s6;
	_ =	strace $0x80000047  }
0x9: {  	s10 =	sshrl.u32 s9, $0x1;
	[dreg:$0x7] =	wrdreg s13;
	s7 =	sshrl.u32 s7, $0x3  }
0xa: {  	[dreg:$0x5] =	wrdreg s12;
	s17 =	sadd.s32 s12, s7;
	s18 =	sadd.s32 $0x10, s7  }
0xb: {  	s8 =	sadd.s32 s8, s0;
	[dreg:$0x6] =	wrdreg s17;
	s19 =	sadd.s32 s12, s18  }
0xc: {  	s20 =	sadd.s32 $0x20, s7;
	s0 =	sadd.s32 s18, s13;
	[dreg:$0x8] =	wrdreg s19  }
0xd: {  	s22 =	sadd.s32 $0x30, s7;
	s21 =	sadd.s32 s12, s20;
	[dreg:$0x9] =	wrdreg s0  }
0xe: {  	s24 =	sadd.s32 $0x40, s7;
	s23 =	sadd.s32 s12, s22;
	[dreg:$0xa] =	wrdreg s21  }
0xf: {  	s31 =	sadd.s32 $0x50, s7;
	s25 =	sadd.s32 s12, s24;
	[dreg:$0xc] =	wrdreg s23  }
0x10: {  	s9 =	ssub.s32 s9, s10;
	s14 =	sadd.s32 s12, s31;
	[dreg:$0xe] =	wrdreg s25  }
0x11: {  	s11 =	sadd.s32 $0x60, s7;
	s10 =	sadd.s32 s31, s13;
	[dreg:$0x10] =	wrdreg s14  }
0x12: {  	s15 =	sadd.s32 s12, s11;
	[dreg:$0x11] =	wrdreg s10  }
0x13: {  	s16 =	sadd.s32 s11, s13;
	[dreg:$0x12] =	wrdreg s15  }
0x14: {  	s18 =	sadd.s32 s7, s13;
	[dreg:$0x13] =	wrdreg s16  }
0x15: {  	s31 =	smax.u32 s9, $0x1;
	[dreg:$0x14] =	wrdreg s18  }
0x16: {  	s17 =	sadd.s32 $0x70, s7;
	s0 =	sadd.s32 s20, s13;
	[dreg:$0x1f] =	wrdreg s31  }
0x17: {  	s7 =	sadd.s32 $0x9C0, s7;
	s19 =	sadd.s32 s12, s17;
	[dreg:$0xb] =	wrdreg s0  }
0x18: {  	s20 =	sadd.s32 s12, s7;
	[dreg:$0x15] =	wrdreg s19  }
0x19: {  	s26 =	smul.u32 $0x9C40, s5;
	s7 =	sadd.s32 s7, s13;
	[dreg:$0x17] =	wrdreg s20  }
0x1a: {  	p0 =	sne.s32 s5, $0x0;
	s25 =	sadd.s32 $0x28A00, s8;
	[dreg:$0x18] =	wrdreg s7  }
0x1b: {  	s21 =	smul.u32 $0x9C00, s5;
	s31 =	sadd.s32 $0x9C000, s2;
	[dreg:$0x1e] =	wrdreg s25  }
0x1c: {  	s5 =	sshll.u32 s5, $0x6;
	s0 =	sadd.s32 s22, s13;
	[smem:$0x7FD] =	sst s31  }
0x1d: {  	s29 =	simm.s32 $0x14020;
	s19 =	sor.u32 $0x1C1A, s5;
	[dreg:$0xd] =	wrdreg s0  }
0x1e: {  	s6 =	smul.u32 $0x4E20, s6;
	s0 =	sadd.s32 s24, s13;
	[dreg:$0x19] =	wrdreg s19  }
0x1f: {  	s28 =	simm.s32 $0x16;
	s22 =	sshrl.u32 s21, $0x3;
	[dreg:$0xf] =	wrdreg s0  }
0x20: {  	s0 =	sadd.s32 s6, s26;
	s6 =	sadd.s32 s17, s13;
	[dreg:$0x1a] =	wrdreg s22  }
0x21: {  	s30 =	simm.s32 $0x17;
	s23 =	sadd.s32 s4, s22;
	[dreg:$0x16] =	wrdreg s6  }
0x22: {  	s5 =	sadd.s32 s21, s1;
	s4 =	sadd.s32 $0x13800, s4;
	[dreg:$0x1c] =	wrdreg s23  }
0x23: {  	s6 =	sadd.s32 s21, s2;
	s24 =	sadd.s32 $0x480, s0;
	[dreg:$0x1d] =	wrdreg s4  }
0x24: {  	s8 =	sadd.s32 $0x500, s0;
	s10 =	sadd.s32 $0x580, s0;
	s14 =	sadd.s32 $0x780, s0  }
0x25: {  	s18 =	sadd.s32 $0x700, s0;
	s21 =	sadd.s32 $0x400, s0;
	s22 =	sadd.s32 $0x680, s0  }
0x26: {  	s0 =	sadd.s32 $0x600, s0;
	[dreg:$0x1b] =	wrdreg s6;
	s26 =	sshrl.u32 s24, $0x3  }
0x27: {  	s9 =	sshrl.u32 s8, $0x3;
	s6 =	sshrl.u32 s10, $0x3;
	s15 =	sshrl.u32 s14, $0x3  }
0x28: {  	s20 =	sshrl.u32 s18, $0x3;
	[smem:$0x7F4] =	sst s21;
	s7 =	sadd.s32 s26, s13  }
0x29: {  	s24 =	sshrl.u32 s22, $0x3;
	s4 =	sadd.s32 s26, s12;
	[smem:$0x7EC] =	sst s7  }
0x2a: {  	s0 =	sshrl.u32 s0, $0x3;
	s11 =	sadd.s32 s9, s13;
	[smem:$0x7ED] =	sst s4  }
0x2b: {  	s22 =	simm.s32 $0x13CA0;
	s16 =	sadd.s32 s6, s13;
	[smem:$0x7EE] =	sst s11  }
0x2c: {  	s14 =	simm.s32 $0x180A0;
	s6 =	sadd.s32 s6, s12;
	[smem:$0x7F0] =	sst s16  }
0x2d: {  	s8 =	simm.s32 $0x1A0A0;
	s17 =	sadd.s32 s15, s13;
	[smem:$0x7F1] =	sst s6  }
0x2e: {  	s10 =	simm.s32 $0x12;
	s23 =	sadd.s32 s20, s13;
	[smem:$0x7F2] =	sst s17  }
0x2f: {  	s18 =	simm.s32 $0x15;
	s25 =	sadd.s32 s0, s13;
	[smem:$0x7F5] =	sst s23  }
0x30: {  	s21 =	simm.s32 $0x10;
	s0 =	sadd.s32 s0, s12;
	[smem:$0x7F9] =	sst s25  }
0x31: {  	s26 =	sshrl.u32 s5, $0x3;
	s5 =	simm.s32 $0x13A20;
	[smem:$0x7FA] =	sst s0  }
0x32: {  	s4 =	sadd.s32 s9, s12;
	s6 =	sadd.s32 s24, s13;
	[smem:$0x7FB] =	sst s26  }
0x33: {  	s0 =	sadd.s32 $0x9C000, s1;
	s7 =	simm.s32 $0x13BA0;
	s26 =	simm.s32 $0x13FA0  }
0x34: {  	s23 =	simm.s32 $0x1C0A0;
	s11 =	simm.s32 $0x140A0;
	s9 =	simm.s32 $0x11  }
0x35: {  	s16 =	simm.s32 $0x13;
	s17 =	simm.s32 $0x14;
	[smem:$0x7EF] =	sst s4  }
.Ltmp0:
0x36: {  	s4 =	sadd.s32 s15, s12;
	[smem:$0x7F7] =	sst s6;
	(pc) =	sbr.rel .LBB2_1-.Ltmp0, $4  }
0x37: {  	s13 =	simm.s32 $0x18;
	s0 =	sshrl.u32 @!p0 s0, $0x3;
	[smem:$0x7F3] =	sst s4  }
0x38: {  	s15 =	simm.s32 $0x13C20;
	s4 =	sadd.s32 s20, s12;
	[smem:$0x7FC] =	sst s0  }
0x39: {  	s6 =	simm.s32 $0x80;
	[smem:$0x7F6] =	sst s4;
	s4 =	sadd.s32 s24, s12  }
0x3a: {  	s20 =	simm.s32 $0x8;
	s12 =	simm.s32 $0x0;
	[smem:$0x7F8] =	sst s4  }
.LBB2_4:
0x3b: {  	_ =	swait.ge [sflag:s13], $0x2000  }
0x3c: {  	[sflag:s13] =	ssyncset.done $0x0  }
0x3d: {  	s0 =	simm.s32 $0x4;
	[sflag:s13] =	ssyncadd.s32 $0xFFFFE000  }
0x3e: {  	_ =	swait.ge [sflag:s0], $0x80  }
0x3f: {  	[sflag:s0] =	ssyncset.done $0x0  }
0x40: {  	s15 =	simm.s32 $0xC;
	[sflag:s0] =	ssyncadd.s32 $0xFFFFFF80  }
0x41: {  	_ =	swait.ge [sflag:s15], $0x80  }
0x42: {  	[sflag:s15] =	ssyncset.done $0x0  }
0x43: {  	[sflag:s15] =	ssyncadd.s32 $0xFFFFFF80  }
0x44: {  	[tilespmem:s8], [sflag:$0x14] =	stream.indirect.gather [spmem:s1], $0x40, s5, s6, $0xb8;
	[tilespmem:$0x1C8E0] =	vst v63  }
0x45: {  	_ =	swait.ge [sflag:s9], $0x2000  }
0x46: {  	[sflag:s9] =	ssyncset.done $0x0  }
0x47: {  	s22 =	simm.s32 $0x13CA0;
	[sflag:s9] =	ssyncadd.s32 $0xFFFFE000  }
0x48: {  	[spmem:s2] =	stream.indirect.scatter.add.f32 [tilespmem:s11], [sflag:$0x15], $0x40, s22, s6, $0xb8;
	[tilespmem:$0x1C8E0] =	vst v63  }
0x49: {  	_ =	swait.ge [sflag:s10], $0x2000  }
0x4a: {  	[sflag:s10] =	ssyncset.done $0x0  }
0x4b: {  	s19 =	simm.s32 $0x13D20;
	s4 =	simm.s32 $0x160A0;
	[sflag:s10] =	ssyncadd.s32 $0xFFFFE000  }
0x4c: {  	[spmem:s2] =	stream.indirect.scatter.add.f32 [tilespmem:s4], [sflag:$0x16], $0x40, s19, s6, $0xb8;
	[tilespmem:$0x1C8E0] =	vst v63  }
0x4d: {  	_ =	swait.ge [sflag:s16], $0x2000  }
0x4e: {  	[sflag:s16] =	ssyncset.done $0x0  }
0x4f: {  	s23 =	simm.s32 $0x13DA0;
	[sflag:s16] =	ssyncadd.s32 $0xFFFFE000  }
0x50: {  	[spmem:s2] =	stream.indirect.scatter.add.f32 [tilespmem:s14], [sflag:$0x17], $0x40, s23, s6, $0xb8;
	[tilespmem:$0x1C8E0] =	vst v63  }
0x51: {  	_ =	swait.ge [sflag:s17], $0x2000  }
0x52: {  	[sflag:s17] =	ssyncset.done $0x0  }
0x53: {  	s24 =	simm.s32 $0x13E20;
	[sflag:s17] =	ssyncadd.s32 $0xFFFFE000  }
0x54: {  	[spmem:s2] =	stream.indirect.scatter.add.f32 [tilespmem:s8], [sflag:$0x18], $0x40, s24, s6, $0xb8;
	[tilespmem:$0x1C8E0] =	vst v63  }
0x55: {  	_ =	swait.ge [sflag:s18], $0x2000  }
0x56: {  	[sflag:s18] =	ssyncset.done $0x0  }
0x57: {  	[sflag:s18] =	ssyncadd.s32 $0xFFFFE000  }
0x58: {  	_ =	swait.ge [sflag:s28], $0x2000  }
0x59: {  	[sflag:s28] =	ssyncset.done $0x0  }
0x5a: {  	[sflag:s28] =	ssyncadd.s32 $0xFFFFE000  }
0x5b: {  	_ =	swait.ge [sflag:s30], $0x2000  }
0x5c: {  	[sflag:s30] =	ssyncset.done $0x0  }
0x5d: {  	[sflag:s30] =	ssyncadd.s32 $0xFFFFE000  }
0x5e: {  	_ =	swait.ge [sflag:s13], $0x2000  }
0x5f: {  	[sflag:s13] =	ssyncset.done $0x0  }
0x60: {  	s25 =	simm.s32 $0x19;
	[sflag:s13] =	ssyncadd.s32 $0xFFFFE000  }
0x61: {  	_ =	swait.ge [sflag:s25], $0x20  }
0x62: {  	[sflag:s25] =	ssyncset.done $0x0  }
0x63: {  	[sflag:s25] =	ssyncadd.s32 $0xFFFFFFE0  }
0x64: {  	_ =	swait.ge [sflag:s25], $0x20  }
0x65: {  	s7 =	simm.s32 $0x20;
	[sflag:s25] =	ssyncset.done $0x0  }
0x66: {  	s12 =	simm.s32 $0x1C0E0;
	s23 =	simm.s32 $0x1C0A0;
	[sflag:s25] =	ssyncadd.s32 $0xFFFFFFE0  }
0x67: {  	[tilespmem:s12], [sflag:$0x19] =	stream.indirect.gather [spmem:s1], $0x40, s23, s7, $0xb8;
	[tilespmem:$0x1C8E0] =	vst v63  }
0x68: {  	_ =	swait.ge [sflag:s25], $0x800  }
0x69: {  	[sflag:s25] =	ssyncset.done $0x0  }
0x6a: {  	s31 =	simm.s32 $0x1C0C0;
	[sflag:s25] =	ssyncadd.s32 $0xFFFFF800  }
0x6b: {  	[spmem:s2] =	stream.indirect.scatter.add.f32 [tilespmem:s12], [sflag:$0x19], $0x40, s31, s7, $0xb8;
	[tilespmem:$0x1C8E0] =	vst v63  }
0x6c: {  	_ =	swait.ge [sflag:s25], $0x800  }
0x6d: {  	[sflag:s25] =	ssyncset.done $0x0  }
0x6e: {  	[sflag:s25] =	ssyncadd.s32 $0xFFFFF800  }
0x6f: {  	[bflag:$0x0] =	sbarrier.arrive $0xFFFF  }
0x70: {  	s12 =	rddreg [dreg:$0x1a]  }
0x71: {  	s15 =	sld [smem:$0x7EA]  }
0x72: {  	s4 =	rddreg [dreg:$0x1e]  }
0x73: {  	s24 =	simm.s32 $0x1A;
	s19 =	rddreg [dreg:$0x19];
	s0 =	sadd.s32 s12, s4  }
0x74: {  	[hbm:s0], [sflag:s19] =	dma.local [spmem:s15], $0x1380  }
0x75: {  	_ =	swait.ge [sflag:s24], $0x1380  }
0x76: {  	s0 =	sadd.s32 @!p0 $0x13800, s4;
	s4 =	sld [smem:$0x7EB]  }
0x77: {  	[sflag:s24] =	ssyncset.done $0x0  }
0x78: {  	[sflag:s24] =	ssyncadd.s32 $0xFFFFEC80  }
0x79: {  	[hbm:s0], [sflag:s19] =	dma.local @!p0 [spmem:s4], $0x80  }
0x7a: {  	s0 =	simm.s32 @!p0 $0x1A  }
0x7b: {  	_ =	swait.ge @!p0 [sflag:s0], $0x80  }
0x7c: {  	s25 =	sld [smem:$0x7E9];
	_ =	sdelay $0x2  }
0x7d: {  	s31 =	rddreg [dreg:$0x1f];
	s12 =	sadd.s32 $0x1, s25  }
0x7e: {  	p1 =	sne.s32 s12, s31  }
.Ltmp1:
0x7f: {  	_ = 	snop;
	(pc) =	sbr.rel @!p1 .LBB2_5-.Ltmp1, $3  }
0x80: {  	_ =	sdelay $0x1  }
0x81: {  	[sflag:s0] =	ssyncset.done @!p0 $0x0  }
0x82: {  	s7 =	simm.s32 $0x13BA0;
	s15 =	simm.s32 $0x13C20;
	[sflag:s0] =	ssyncadd.s32 @!p0 $0xFFFFFF80  }
.LBB2_1:
0x83: {  	[smem:$0x7E9] =	sst s12  }
0x84: {  	s0 =	rddreg [dreg:$0x6];
	s4 =	simm.s32 $0x138A0  }
0x85: {  	[tilespmem:s4], [sflag:$0x1] =	stream.linear.gather [hbm4b:s0+s3], $0x80, $0x38;
	[tilespmem:$0x1C8E0] =	vst v63  }
0x86: {  	s4 =	rddreg [dreg:$0x14]  }
0x87: {  	[tilespmem:s22], [sflag:$0x9] =	stream.linear.gather [hbm4b:s4+s3], $0x80, $0x38;
	[tilespmem:$0x1C8E0] =	vst v63  }
0x88: {  	s0 =	rddreg [dreg:$0x8];
	s22 =	simm.s32 $0x13920  }
0x89: {  	[tilespmem:s22], [sflag:$0x2] =	stream.linear.gather [hbm4b:s0+s3], $0x80, $0x38;
	[tilespmem:$0x1C8E0] =	vst v63  }
0x8a: {  	s4 =	simm.s32 $0x13D20;
	s22 =	rddreg [dreg:$0x9]  }
0x8b: {  	[tilespmem:s4], [sflag:$0xA] =	stream.linear.gather [hbm4b:s22+s3], $0x80, $0x38;
	[tilespmem:$0x1C8E0] =	vst v63  }
0x8c: {  	s31 =	simm.s32 $0x139A0;
	s0 =	rddreg [dreg:$0xa]  }
0x8d: {  	[tilespmem:s31], [sflag:$0x3] =	stream.linear.gather [hbm4b:s0+s3], $0x80, $0x38;
	[tilespmem:$0x1C8E0] =	vst v63  }
0x8e: {  	s4 =	simm.s32 $0x13DA0;
	s0 =	rddreg [dreg:$0xb]  }
0x8f: {  	[tilespmem:s4], [sflag:$0xB] =	stream.linear.gather [hbm4b:s0+s3], $0x80, $0x38;
	[tilespmem:$0x1C8E0] =	vst v63  }
0x90: {  	s4 =	rddreg [dreg:$0xc]  }
0x91: {  	[tilespmem:s5], [sflag:$0x4] =	stream.linear.gather [hbm4b:s4+s3], $0x80, $0x38;
	[tilespmem:$0x1C8E0] =	vst v63  }
0x92: {  	s22 =	simm.s32 $0x13E20;
	s4 =	rddreg [dreg:$0xd]  }
0x93: {  	[tilespmem:s22], [sflag:$0xC] =	stream.linear.gather [hbm4b:s4+s3], $0x80, $0x38;
	[tilespmem:$0x1C8E0] =	vst v63  }
0x94: {  	s4 =	rddreg [dreg:$0xe];
	s22 =	simm.s32 $0x13AA0  }
0x95: {  	[tilespmem:s22], [sflag:$0x5] =	stream.linear.gather [hbm4b:s4+s3], $0x80, $0x38;
	[tilespmem:$0x1C8E0] =	vst v63  }
0x96: {  	s4 =	rddreg [dreg:$0xf];
	s22 =	simm.s32 $0x13EA0  }
0x97: {  	[tilespmem:s22], [sflag:$0xD] =	stream.linear.gather [hbm4b:s4+s3], $0x80, $0x38;
	[tilespmem:$0x1C8E0] =	vst v63  }
0x98: {  	s4 =	rddreg [dreg:$0x10];
	s22 =	simm.s32 $0x13B20  }
0x99: {  	[tilespmem:s22], [sflag:$0x6] =	stream.linear.gather [hbm4b:s4+s3], $0x80, $0x38;
	[tilespmem:$0x1C8E0] =	vst v63  }
0x9a: {  	s4 =	rddreg [dreg:$0x11];
	s22 =	simm.s32 $0x13F20  }
0x9b: {  	[tilespmem:s22], [sflag:$0xE] =	stream.linear.gather [hbm4b:s4+s3], $0x80, $0x38;
	[tilespmem:$0x1C8E0] =	vst v63  }
0x9c: {  	s22 =	rddreg [dreg:$0x12]  }
0x9d: {  	s4 =	rddreg [dreg:$0x13]  }
0x9e: {  	[tilespmem:s7], [sflag:$0x7] =	stream.linear.gather [hbm4b:s22+s3], $0x80, $0x38;
	[tilespmem:$0x1C8E0] =	vst v63  }
0x9f: {  	s7 =	rddreg [dreg:$0x15]  }
0xa0: {  	s22 =	rddreg [dreg:$0x16]  }
0xa1: {  	[tilespmem:s26], [sflag:$0xF] =	stream.linear.gather [hbm4b:s4+s3], $0x80, $0x38;
	[tilespmem:$0x1C8E0] =	vst v63  }
0xa2: {  	s26 =	rddreg [dreg:$0x17]  }
0xa3: {  	[tilespmem:s15], [sflag:$0x8] =	stream.linear.gather [hbm4b:s7+s3], $0x80, $0x38;
	[tilespmem:$0x1C8E0] =	vst v63  }
0xa4: {  	s4 =	rddreg [dreg:$0x18]  }
0xa5: {  	[tilespmem:s29], [sflag:$0x10] =	stream.linear.gather [hbm4b:s22+s3], $0x80, $0x38;
	[tilespmem:$0x1C8E0] =	vst v63  }
0xa6: {  	s22 =	sld [smem:$0x7FB]  }
0xa7: {  	[tilespmem:s23], [sflag:$0x19] =	stream.linear.gather [hbm4b:s26+s3], $0x20, $0x38;
	[tilespmem:$0x1C8E0] =	vst v63  }
0xa8: {  	s25 =	simm.s32 $0x1A;
	s7 =	simm.s32 $0x1C0C0;
	s15 =	rddreg [dreg:$0x1c]  }
0xa9: {  	[tilespmem:s7], [sflag:$0x19] =	stream.linear.gather [hbm4b:s4+s3], $0x20, $0x38;
	[tilespmem:$0x1C8E0] =	vst v63  }
0xaa: {  	[spmem:s22], [sflag:s19] =	dma.local [hbm:s15], $0x1380  }
0xab: {  	_ =	swait.ge [sflag:s25], $0x1380  }
0xac: {  	s23 =	rddreg [dreg:$0x1b]  }
0xad: {  	[sflag:s25] =	ssyncset.done $0x0;
	s0 =	sshrl.u32 s23, $0x3  }
0xae: {  	[sflag:s25] =	ssyncadd.s32 $0xFFFFEC80;
	[smem:$0x7EA] =	sst s0  }
0xaf: {  	[spmem:s0], [sflag:s19] =	dma.local [hbm:s15], $0x1380  }
0xb0: {  	_ =	swait.ge [sflag:s25], $0x1380  }
0xb1: {  	s4 =	sld [smem:$0x7FC]  }
0xb2: {  	[sflag:s25] =	ssyncset.done $0x0  }
0xb3: {  	s22 =	simm.s32 @!p0 $0x1A;
	s0 =	rddreg [dreg:$0x1d];
	[sflag:s25] =	ssyncadd.s32 $0xFFFFEC80  }
0xb4: {  	[spmem:s4], [sflag:s19] =	dma.local @!p0 [hbm:s0], $0x80  }
0xb5: {  	_ =	swait.ge @!p0 [sflag:s22], $0x80  }
0xb6: {  	s4 =	sld [smem:$0x7FD];
	_ =	sdelay $0x2  }
0xb7: {  	[sflag:s22] =	ssyncset.done @!p0 $0x0;
	s4 =	sshrl.u32 @!p0 s4, $0x3  }
0xb8: {  	[sflag:s22] =	ssyncadd.s32 @!p0 $0xFFFFFF80;
	[smem:$0x7EB] =	sst s4  }
0xb9: {  	[spmem:s4], [sflag:s19] =	dma.local @!p0 [hbm:s0], $0x80  }
0xba: {  	_ =	swait.ge @!p0 [sflag:s22], $0x80  }
0xbb: {  	[sflag:s22] =	ssyncset.done @!p0 $0x0  }
0xbc: {  	[sflag:s22] =	ssyncadd.s32 @!p0 $0xFFFFFF80  }
0xbd: {  	s26 =	simm.s32 $0x1;
	[bflag:$0x0] =	sbarrier.arrive $0xFFFF  }
0xbe: {  	_ =	swait.ge [sflag:s26], $0x80  }
0xbf: {  	[sflag:s26] =	ssyncset.done $0x0  }
0xc0: {  	s4 =	simm.s32 $0x9;
	[sflag:s26] =	ssyncadd.s32 $0xFFFFFF80  }
0xc1: {  	_ =	swait.ge [sflag:s4], $0x80  }
0xc2: {  	[sflag:s4] =	ssyncset.done $0x0  }
0xc3: {  	s7 =	simm.s32 $0x138A0;
	s15 =	simm.s32 $0x2;
	[sflag:s4] =	ssyncadd.s32 $0xFFFFFF80  }
0xc4: {  	[tilespmem:s11], [sflag:$0x11] =	stream.indirect.gather [spmem:s1], $0x40, s7, s6, $0xb8;
	[tilespmem:$0x1C8E0] =	vst v63  }
0xc5: {  	_ =	swait.ge [sflag:s15], $0x80  }
0xc6: {  	[sflag:s15] =	ssyncset.done $0x0  }
0xc7: {  	s19 =	simm.s32 $0xA;
	[sflag:s15] =	ssyncadd.s32 $0xFFFFFF80  }
0xc8: {  	_ =	swait.ge [sflag:s19], $0x80  }
0xc9: {  	s23 =	simm.s32 $0x13920;
	[sflag:s19] =	ssyncset.done $0x0  }
0xca: {  	s25 =	simm.s32 $0x3;
	s22 =	simm.s32 $0x160A0;
	[sflag:s19] =	ssyncadd.s32 $0xFFFFFF80  }
0xcb: {  	[tilespmem:s22], [sflag:$0x12] =	stream.indirect.gather [spmem:s1], $0x40, s23, s6, $0xb8;
	[tilespmem:$0x1C8E0] =	vst v63  }
0xcc: {  	_ =	swait.ge [sflag:s25], $0x80  }
0xcd: {  	[sflag:s25] =	ssyncset.done $0x0  }
0xce: {  	s26 =	simm.s32 $0xB;
	[sflag:s25] =	ssyncadd.s32 $0xFFFFFF80  }
0xcf: {  	_ =	swait.ge [sflag:s26], $0x80  }
0xd0: {  	[sflag:s26] =	ssyncset.done $0x0  }
0xd1: {  	s12 =	simm.s32 $0x4;
	s31 =	simm.s32 $0x139A0;
	[sflag:s26] =	ssyncadd.s32 $0xFFFFFF80  }
0xd2: {  	[tilespmem:s14], [sflag:$0x13] =	stream.indirect.gather [spmem:s1], $0x40, s31, s6, $0xb8;
	[tilespmem:$0x1C8E0] =	vst v63  }
0xd3: {  	_ =	swait.ge [sflag:s12], $0x80  }
0xd4: {  	[sflag:s12] =	ssyncset.done $0x0  }
0xd5: {  	s24 =	simm.s32 $0xC;
	[sflag:s12] =	ssyncadd.s32 $0xFFFFFF80  }
0xd6: {  	s29 =	simm.s32 $0x13FA0;
	s7 =	simm.s32 $0x13BA0;
	_ =	swait.ge [sflag:s24], $0x80  }
0xd7: {  	s15 =	simm.s32 $0x13C20;
	s22 =	simm.s32 $0x0;
	[sflag:s24] =	ssyncset.done $0x0  }
0xd8: {  	s25 =	simm.s32 $0x14020;
	s31 =	sld [smem:$0x7F4];
	[sflag:s24] =	ssyncadd.s32 $0xFFFFFF80  }
0xd9: {  	[tilespmem:s8], [sflag:$0x14] =	stream.indirect.gather [spmem:s1], $0x40, s5, s6, $0xb8;
	[tilespmem:$0x1C8E0] =	vst v63  }
.LBB2_2:
0xda: {  	_ =	swait.ge [sflag:s9], $0x2000  }
0xdb: {  	[sflag:s9] =	ssyncset.done $0x0  }
0xdc: {  	s19 =	simm.s32 $0x13CA0;
	[sflag:s9] =	ssyncadd.s32 $0xFFFFE000  }
0xdd: {  	[spmem:s2] =	stream.indirect.scatter.add.f32 [tilespmem:s11], [sflag:$0x15], $0x40, s19, s6, $0xb8;
	[tilespmem:$0x1C8E0] =	vst v63  }
0xde: {  	_ =	swait.ge [sflag:s10], $0x2000  }
0xdf: {  	[sflag:s10] =	ssyncset.done $0x0  }
0xe0: {  	s23 =	simm.s32 $0x13D20;
	s24 =	simm.s32 $0x160A0;
	[sflag:s10] =	ssyncadd.s32 $0xFFFFE000  }
0xe1: {  	[spmem:s2] =	stream.indirect.scatter.add.f32 [tilespmem:s24], [sflag:$0x16], $0x40, s23, s6, $0xb8;
	[tilespmem:$0x1C8E0] =	vst v63  }
0xe2: {  	_ =	swait.ge [sflag:s16], $0x2000  }
0xe3: {  	[sflag:s16] =	ssyncset.done $0x0  }
0xe4: {  	s5 =	simm.s32 $0x13DA0;
	[sflag:s16] =	ssyncadd.s32 $0xFFFFE000  }
0xe5: {  	[spmem:s2] =	stream.indirect.scatter.add.f32 [tilespmem:s14], [sflag:$0x17], $0x40, s5, s6, $0xb8;
	[tilespmem:$0x1C8E0] =	vst v63  }
0xe6: {  	_ =	swait.ge [sflag:s17], $0x2000  }
0xe7: {  	[sflag:s17] =	ssyncset.done $0x0  }
0xe8: {  	s26 =	simm.s32 $0x13E20;
	[sflag:s17] =	ssyncadd.s32 $0xFFFFE000  }
0xe9: {  	[spmem:s2] =	stream.indirect.scatter.add.f32 [tilespmem:s8], [sflag:$0x18], $0x40, s26, s6, $0xb8;
	[tilespmem:$0x1C8E0] =	vst v63  }
0xea: {  	_ =	swait.ge [sflag:s18], $0x2000  }
0xeb: {  	[sflag:s18] =	ssyncset.done $0x0  }
0xec: {  	s0 =	simm.s32 $0x5;
	[sflag:s18] =	ssyncadd.s32 $0xFFFFE000  }
0xed: {  	_ =	swait.ge [sflag:s0], $0x80  }
0xee: {  	[sflag:s0] =	ssyncset.done $0x0  }
0xef: {  	s12 =	simm.s32 $0xD;
	[sflag:s0] =	ssyncadd.s32 $0xFFFFFF80  }
0xf0: {  	_ =	swait.ge [sflag:s12], $0x80  }
0xf1: {  	[sflag:s12] =	ssyncset.done $0x0  }
0xf2: {  	s4 =	simm.s32 $0x13AA0;
	[sflag:s12] =	ssyncadd.s32 $0xFFFFFF80  }
0xf3: {  	[tilespmem:s11], [sflag:$0x11] =	stream.indirect.gather [spmem:s1], $0x40, s4, s6, $0xb8;
	[tilespmem:$0x1C8E0] =	vst v63  }
0xf4: {  	s12 =	rddreg [dreg:$0x5];
	s4 =	sshrl.u32 s31, $0x3  }
0xf5: {  	s0 =	sadd.s32 s12, s4;
	s12 =	simm.s32 $0x138A0  }
0xf6: {  	[tilespmem:s12], [sflag:$0x1] =	stream.linear.gather [hbm4b:s0+s3], $0x80, $0x38;
	[tilespmem:$0x1C8E0] =	vst v63  }
0xf7: {  	s0 =	rddreg [dreg:$0x7]  }
0xf8: {  	s0 =	sadd.s32 s0, s4  }
0xf9: {  	[tilespmem:s19], [sflag:$0x9] =	stream.linear.gather [hbm4b:s0+s3], $0x80, $0x38;
	[tilespmem:$0x1C8E0] =	vst v63  }
0xfa: {  	_ =	swait.ge [sflag:s28], $0x2000  }
0xfb: {  	[sflag:s28] =	ssyncset.done $0x0  }
0xfc: {  	s19 =	simm.s32 $0x6;
	[sflag:s28] =	ssyncadd.s32 $0xFFFFE000  }
0xfd: {  	_ =	swait.ge [sflag:s19], $0x80  }
0xfe: {  	[sflag:s19] =	ssyncset.done $0x0  }
0xff: {  	s4 =	simm.s32 $0xE;
	[sflag:s19] =	ssyncadd.s32 $0xFFFFFF80  }
0x100: {  	_ =	swait.ge [sflag:s4], $0x80  }
0x101: {  	[sflag:s4] =	ssyncset.done $0x0  }
0x102: {  	[sflag:s4] =	ssyncadd.s32 $0xFFFFFF80;
	s4 =	sld [smem:$0x7ED]  }
0x103: {  	s19 =	simm.s32 $0x13B20  }
0x104: {  	[tilespmem:s24], [sflag:$0x12] =	stream.indirect.gather [spmem:s1], $0x40, s19, s6, $0xb8;
	[tilespmem:$0x1C8E0] =	vst v63  }
0x105: {  	s19 =	simm.s32 $0x13920;
	s0 =	sadd.s32 s22, s4  }
0x106: {  	[tilespmem:s19], [sflag:$0x2] =	stream.linear.gather [hbm4b:s0+s3], $0x80, $0x38;
	[tilespmem:$0x1C8E0] =	vst v63  }
0x107: {  	s19 =	sld [smem:$0x7EC];
	_ =	sdelay $0x2  }
0x108: {  	s0 =	sadd.s32 s22, s19  }
0x109: {  	[tilespmem:s23], [sflag:$0xA] =	stream.linear.gather [hbm4b:s0+s3], $0x80, $0x38;
	[tilespmem:$0x1C8E0] =	vst v63  }
0x10a: {  	_ =	swait.ge [sflag:s30], $0x2000  }
0x10b: {  	[sflag:s30] =	ssyncset.done $0x0  }
0x10c: {  	s4 =	simm.s32 $0x7;
	[sflag:s30] =	ssyncadd.s32 $0xFFFFE000  }
0x10d: {  	_ =	swait.ge [sflag:s4], $0x80  }
0x10e: {  	[sflag:s4] =	ssyncset.done $0x0  }
0x10f: {  	s19 =	simm.s32 $0xF;
	[sflag:s4] =	ssyncadd.s32 $0xFFFFFF80  }
0x110: {  	_ =	swait.ge [sflag:s19], $0x80  }
0x111: {  	[sflag:s19] =	ssyncset.done $0x0;
	s23 =	sld [smem:$0x7EF]  }
0x112: {  	s4 =	sld [smem:$0x7EE];
	[sflag:s19] =	ssyncadd.s32 $0xFFFFFF80  }
0x113: {  	[tilespmem:s14], [sflag:$0x13] =	stream.indirect.gather [spmem:s1], $0x40, s7, s6, $0xb8;
	[tilespmem:$0x1C8E0] =	vst v63  }
0x114: {  	s0 =	sadd.s32 s22, s23;
	s23 =	simm.s32 $0x139A0  }
0x115: {  	[tilespmem:s23], [sflag:$0x3] =	stream.linear.gather [hbm4b:s0+s3], $0x80, $0x38;
	[tilespmem:$0x1C8E0] =	vst v63  }
0x116: {  	s0 =	sadd.s32 s22, s4  }
0x117: {  	[tilespmem:s5], [sflag:$0xB] =	stream.linear.gather [hbm4b:s0+s3], $0x80, $0x38;
	[tilespmem:$0x1C8E0] =	vst v63  }
0x118: {  	_ =	swait.ge [sflag:s13], $0x2000  }
0x119: {  	[sflag:s13] =	ssyncset.done $0x0  }
0x11a: {  	[sflag:s13] =	ssyncadd.s32 $0xFFFFE000  }
0x11b: {  	_ =	swait.ge [sflag:s20], $0x80  }
0x11c: {  	[sflag:s20] =	ssyncset.done $0x0  }
0x11d: {  	[sflag:s20] =	ssyncadd.s32 $0xFFFFFF80  }
0x11e: {  	_ =	swait.ge [sflag:s21], $0x80  }
0x11f: {  	[sflag:s21] =	ssyncset.done $0x0;
	s5 =	sld [smem:$0x7F1]  }
0x120: {  	s19 =	sld [smem:$0x7F0];
	[sflag:s21] =	ssyncadd.s32 $0xFFFFFF80  }
0x121: {  	[tilespmem:s8], [sflag:$0x14] =	stream.indirect.gather [spmem:s1], $0x40, s15, s6, $0xb8;
	[tilespmem:$0x1C8E0] =	vst v63  }
0x122: {  	s0 =	sadd.s32 s22, s5;
	s5 =	simm.s32 $0x13A20  }
0x123: {  	[tilespmem:s5], [sflag:$0x4] =	stream.linear.gather [hbm4b:s0+s3], $0x80, $0x38;
	[tilespmem:$0x1C8E0] =	vst v63  }
0x124: {  	s0 =	sadd.s32 s22, s19  }
0x125: {  	[tilespmem:s26], [sflag:$0xC] =	stream.linear.gather [hbm4b:s0+s3], $0x80, $0x38;
	[tilespmem:$0x1C8E0] =	vst v63  }
0x126: {  	_ =	swait.ge [sflag:s9], $0x2000  }
0x127: {  	[sflag:s9] =	ssyncset.done $0x0  }
0x128: {  	s26 =	simm.s32 $0x13EA0;
	[sflag:s9] =	ssyncadd.s32 $0xFFFFE000  }
0x129: {  	[spmem:s2] =	stream.indirect.scatter.add.f32 [tilespmem:s11], [sflag:$0x15], $0x40, s26, s6, $0xb8;
	[tilespmem:$0x1C8E0] =	vst v63  }
0x12a: {  	_ =	swait.ge [sflag:s10], $0x2000  }
0x12b: {  	[sflag:s10] =	ssyncset.done $0x0  }
0x12c: {  	s4 =	simm.s32 $0x13F20;
	[sflag:s10] =	ssyncadd.s32 $0xFFFFE000  }
0x12d: {  	[spmem:s2] =	stream.indirect.scatter.add.f32 [tilespmem:s24], [sflag:$0x16], $0x40, s4, s6, $0xb8;
	[tilespmem:$0x1C8E0] =	vst v63  }
0x12e: {  	_ =	swait.ge [sflag:s16], $0x2000  }
0x12f: {  	[sflag:s16] =	ssyncset.done $0x0  }
0x130: {  	[sflag:s16] =	ssyncadd.s32 $0xFFFFE000  }
0x131: {  	[spmem:s2] =	stream.indirect.scatter.add.f32 [tilespmem:s14], [sflag:$0x17], $0x40, s29, s6, $0xb8;
	[tilespmem:$0x1C8E0] =	vst v63  }
0x132: {  	_ =	swait.ge [sflag:s17], $0x2000  }
0x133: {  	[sflag:s17] =	ssyncset.done $0x0  }
0x134: {  	[sflag:s17] =	ssyncadd.s32 $0xFFFFE000  }
0x135: {  	[spmem:s2] =	stream.indirect.scatter.add.f32 [tilespmem:s8], [sflag:$0x18], $0x40, s25, s6, $0xb8;
	[tilespmem:$0x1C8E0] =	vst v63  }
0x136: {  	_ =	swait.ge [sflag:s18], $0x2000  }
0x137: {  	[sflag:s18] =	ssyncset.done $0x0  }
0x138: {  	s19 =	simm.s32 $0x1;
	[sflag:s18] =	ssyncadd.s32 $0xFFFFE000  }
0x139: {  	_ =	swait.ge [sflag:s19], $0x80  }
0x13a: {  	[sflag:s19] =	ssyncset.done $0x0  }
0x13b: {  	s24 =	simm.s32 $0x9;
	[sflag:s19] =	ssyncadd.s32 $0xFFFFFF80  }
0x13c: {  	_ =	swait.ge [sflag:s24], $0x80  }
0x13d: {  	p1 =	seq.s32 s22, $0x900;
	[sflag:s24] =	ssyncset.done $0x0  }
0x13e: {  	s0 =	simm.s32 @p1 $0x16;
	[sflag:s24] =	ssyncadd.s32 $0xFFFFFF80  }
0x13f: {  	[tilespmem:s11], [sflag:$0x11] =	stream.indirect.gather [spmem:s1], $0x40, s12, s6, $0xb8;
	[tilespmem:$0x1C8E0] =	vst v63  }
0x140: {  	_ =	swait.ge @p1 [sflag:s0], $0x2000  }
0x141: {  	[sflag:s0] =	ssyncset.done @p1 $0x0  }
0x142: {  	[sflag:s0] =	ssyncadd.s32 @p1 $0xFFFFE000;
	s0 =	simm.s32 @p1 $0x2  }
0x143: {  	_ =	swait.ge @p1 [sflag:s0], $0x80  }
0x144: {  	[sflag:s0] =	ssyncset.done @p1 $0x0  }
0x145: {  	[sflag:s0] =	ssyncadd.s32 @p1 $0xFFFFFF80;
	s0 =	simm.s32 @p1 $0xA  }
0x146: {  	_ =	swait.ge @p1 [sflag:s0], $0x80  }
0x147: {  	s4 =	simm.s32 @p1 $0x13920;
	[sflag:s0] =	ssyncset.done @p1 $0x0  }
0x148: {  	s19 =	simm.s32 @p1 $0x160A0;
	[sflag:s0] =	ssyncadd.s32 @p1 $0xFFFFFF80;
	s0 =	simm.s32 @p1 $0x80  }
0x149: {  	[tilespmem:s19], [sflag:$0x12] =	stream.indirect.gather @p1 [spmem:s1], $0x40, s4, s0, $0xb8;
	[tilespmem:$0x1C8E0] =	vst v63  }
0x14a: {  	s0 =	sld [smem:$0x7FA];
	_ =	sdelay $0x2  }
0x14b: {  	s4 =	simm.s32 @!p1 $0x0;
	s19 =	simm.s32 @!p1 $0x13AA0;
	s0 =	sadd.s32 @!p1 s22, s0  }
0x14c: {  	[tilespmem:s19], [sflag:$0x5] =	stream.linear.gather @!p1 [hbm4b:s0+s4], $0x80, $0x38;
	[tilespmem:$0x1C8E0] =	vst v63  }
0x14d: {  	s0 =	sld [smem:$0x7F9];
	_ =	sdelay $0x2  }
0x14e: {  	s19 =	simm.s32 @!p1 $0x13EA0;
	s0 =	sadd.s32 @!p1 s22, s0  }
0x14f: {  	[tilespmem:s19], [sflag:$0xD] =	stream.linear.gather @!p1 [hbm4b:s0+s4], $0x80, $0x38;
	[tilespmem:$0x1C8E0] =	vst v63  }
0x150: {  	s0 =	simm.s32 @!p1 $0x16  }
0x151: {  	_ =	swait.ge @!p1 [sflag:s0], $0x2000  }
0x152: {  	[sflag:s0] =	ssyncset.done @!p1 $0x0  }
0x153: {  	[sflag:s0] =	ssyncadd.s32 @!p1 $0xFFFFE000;
	s0 =	simm.s32 @!p1 $0x2  }
0x154: {  	_ =	swait.ge @!p1 [sflag:s0], $0x80  }
0x155: {  	[sflag:s0] =	ssyncset.done @!p1 $0x0  }
0x156: {  	[sflag:s0] =	ssyncadd.s32 @!p1 $0xFFFFFF80;
	s0 =	simm.s32 @!p1 $0xA  }
0x157: {  	_ =	swait.ge @!p1 [sflag:s0], $0x80  }
0x158: {  	s12 =	simm.s32 @!p1 $0x160A0;
	[sflag:s0] =	ssyncset.done @!p1 $0x0  }
0x159: {  	s19 =	simm.s32 @!p1 $0x13920;
	[sflag:s0] =	ssyncadd.s32 @!p1 $0xFFFFFF80;
	s0 =	simm.s32 @!p1 $0x80  }
0x15a: {  	[tilespmem:s12], [sflag:$0x12] =	stream.indirect.gather @!p1 [spmem:s1], $0x40, s19, s0, $0xb8;
	[tilespmem:$0x1C8E0] =	vst v63  }
0x15b: {  	s0 =	sld [smem:$0x7F8];
	_ =	sdelay $0x2  }
0x15c: {  	s12 =	simm.s32 @!p1 $0x13B20;
	s0 =	sadd.s32 @!p1 s22, s0  }
0x15d: {  	[tilespmem:s12], [sflag:$0x6] =	stream.linear.gather @!p1 [hbm4b:s0+s4], $0x80, $0x38;
	[tilespmem:$0x1C8E0] =	vst v63  }
0x15e: {  	s0 =	sld [smem:$0x7F7];
	_ =	sdelay $0x2  }
0x15f: {  	s12 =	simm.s32 @!p1 $0x13F20;
	s0 =	sadd.s32 @!p1 s22, s0  }
0x160: {  	[tilespmem:s12], [sflag:$0xE] =	stream.linear.gather @!p1 [hbm4b:s0+s4], $0x80, $0x38;
	[tilespmem:$0x1C8E0] =	vst v63  }
0x161: {  	_ =	swait.ge [sflag:s30], $0x2000  }
0x162: {  	[sflag:s30] =	ssyncset.done $0x0  }
0x163: {  	s25 =	simm.s32 $0x3;
	[sflag:s30] =	ssyncadd.s32 $0xFFFFE000  }
0x164: {  	_ =	swait.ge [sflag:s25], $0x80  }
0x165: {  	[sflag:s25] =	ssyncset.done $0x0  }
.Ltmp2:
0x166: {  	s26 =	simm.s32 $0xB;
	[sflag:s25] =	ssyncadd.s32 $0xFFFFFF80;
	(pc) =	sbr.rel @p1 .LBB2_4-.Ltmp2, $4  }
0x167: {  	_ =	swait.ge [sflag:s26], $0x80  }
0x168: {  	[sflag:s26] =	ssyncset.done $0x0  }
0x169: {  	s29 =	simm.s32 $0x14020;
	[sflag:s26] =	ssyncadd.s32 $0xFFFFFF80;
	s26 =	simm.s32 $0x13FA0  }
0x16a: {  	[tilespmem:s14], [sflag:$0x13] =	stream.indirect.gather [spmem:s1], $0x40, s23, s6, $0xb8;
	[tilespmem:$0x1C8E0] =	vst v63  }
0x16b: {  	s0 =	sld [smem:$0x7F6];
	_ =	sdelay $0x1  }
0x16c: {  	s19 =	sld [smem:$0x7F5]  }
0x16d: {  	s0 =	sadd.s32 s22, s0  }
0x16e: {  	[tilespmem:s7], [sflag:$0x7] =	stream.linear.gather [hbm4b:s0+s3], $0x80, $0x38;
	[tilespmem:$0x1C8E0] =	vst v63  }
0x16f: {  	s0 =	sadd.s32 s22, s19  }
0x170: {  	[tilespmem:s26], [sflag:$0xF] =	stream.linear.gather [hbm4b:s0+s3], $0x80, $0x38;
	[tilespmem:$0x1C8E0] =	vst v63  }
0x171: {  	_ =	swait.ge [sflag:s13], $0x2000  }
0x172: {  	[sflag:s13] =	ssyncset.done $0x0  }
0x173: {  	s23 =	simm.s32 $0x4;
	[sflag:s13] =	ssyncadd.s32 $0xFFFFE000  }
0x174: {  	_ =	swait.ge [sflag:s23], $0x80  }
0x175: {  	[sflag:s23] =	ssyncset.done $0x0  }
0x176: {  	s24 =	simm.s32 $0xC;
	[sflag:s23] =	ssyncadd.s32 $0xFFFFFF80  }
0x177: {  	_ =	swait.ge [sflag:s24], $0x80  }
0x178: {  	[sflag:s24] =	ssyncset.done $0x0;
	s25 =	sld [smem:$0x7F3]  }
0x179: {  	s26 =	sld [smem:$0x7F2];
	[sflag:s24] =	ssyncadd.s32 $0xFFFFFF80  }
0x17a: {  	[tilespmem:s8], [sflag:$0x14] =	stream.indirect.gather [spmem:s1], $0x40, s5, s6, $0xb8;
	[tilespmem:$0x1C8E0] =	vst v63  }
.Ltmp3:
0x17b: {  	s0 =	sadd.s32 s22, s25;
	(pc) =	sbr.rel .LBB2_2-.Ltmp3, $4  }
0x17c: {  	[tilespmem:s15], [sflag:$0x8] =	stream.linear.gather [hbm4b:s0+s3], $0x80, $0x38;
	[tilespmem:$0x1C8E0] =	vst v63  }
0x17d: {  	s31 =	sadd.s32 $0x400, s31;
	s0 =	sadd.s32 s22, s26  }
0x17e: {  	[tilespmem:s29], [sflag:$0x10] =	stream.linear.gather [hbm4b:s0+s3], $0x80, $0x38;
	[tilespmem:$0x1C8E0] =	vst v63  }
0x17f: {  	s25 =	simm.s32 $0x14020;
	s22 =	sadd.s32 $0x80, s22;
	s29 =	simm.s32 $0x13FA0  }
.LBB2_5:
0x180: {  	_ =	sfence.sel $0x180000  }
0x181: {  	[bflag:$0x0] =	sbarrier.arrive $0xFFFF  }
0x182: {  	_ =	strace $0x90000047  }
0x183: {  	[bflag:$0x2] =	sbarrier.arrive $0xFFFF  }
0x184: {  	s0 =	rddreg [dreg:$0x4]  }
0x185: {  	s0 =	sadd.s32 @!p0 $0x100000, s0  }
0x186: {  	[sflag:s0] =	ssyncadd.tile.s32 @!p0 $0x1;
	_ =	shalt  }
.Lfunc_end2:
_tile_overlayer_lowered:
.L_overlay_start_2:
0x187: {  	(tag) =	ssettag $0x2  }
0x188: {  	s0 =	rddreg [dreg:$0x0];
	s2 =	stileid.u32  }
0x189: {  	s1 =	rddreg [dreg:$0x1];
	p0 =	sne.s32 s2, $0x0  }
0x18a: {  	s3 =	rddreg [dreg:$0x2];
	[bflag:$0x3] =	sbarrier.arrive $0xFFFF;
	s2 =	simm.s32 @!p0 $0x1C1A  }
0x18b: {  	[timem:s3], [sflag:s2] =	dma.local @!p0 [hbm:s0], s1  }
0x18c: {  	s0 =	simm.s32 @!p0 $0x1A  }
0x18d: {  	_ =	swait.ge @!p0 [sflag:s0], s1  }
0x18e: {  	s1 =	ssub.s32 @!p0 $0x0, s1;
	[sflag:s0] =	ssyncset.done @!p0 $0x0  }
0x18f: {  	[sflag:s0] =	ssyncadd.s32 @!p0 s1  }
0x190: {  	[bflag:$0x3] =	sbarrier.arrive $0xFFFF  }
0x191: {  	_ =	shalt  }

</sc_bundles>
